<compile_context>
chip_gen: v7x
topology: tpu7x:2x2x1
jax: 0.10.2.dev20260603
libtpu: 0.0.44.dev20260713+nightly
codegen_flags: <defaults>
</compile_context>

<pallas_src>
import functools

import jax
import jax.numpy as jnp
from jax import lax
from jax.experimental import pallas as pl
from jax.experimental.pallas import tpu as pltpu
from jax.experimental.pallas import tpu_sc as plsc

B = 16384
NF = 26
DIM = 16
VOCAB = 100000

NC = 2
NS = 16
NW = NC * NS
B_PER_W = B // NW
CS = 128
NCHUNK = B_PER_W // CS
NBT = B // CS

VBLK = 2048
VSH = 11
NVB = 49
VP = NVB * VBLK
NFP = 26

NJ = NF * DIM
RPT = NJ + 8


def _slice_body(*refs):
    x = refs[0][...]
    for d in range(DIM):
        refs[1 + d][...] = x[:, d, :].reshape(NF * VBLK // 128, 128)


def _slice_tables(embT):
    return pl.pallas_call(
        _slice_body,
        grid=(NVB,),
        in_specs=[pl.BlockSpec((NF, DIM, VBLK), lambda j: (0, 0, j))],
        out_specs=[pl.BlockSpec((NFP * VBLK // 128, 128), lambda j: (j, 0))
                   for _ in range(DIM)],
        out_shape=[jax.ShapeDtypeStruct((NVB * NFP * VBLK // 128, 128),
                                        jnp.float32)
                   for _ in range(DIM)],
    )(embT)


@functools.lru_cache(maxsize=None)
def _sc_gather_build():
    mesh = plsc.VectorSubcoreMesh(core_axis_name="c", subcore_axis_name="s",
                                  num_cores=NC, num_subcores=NS)

    @functools.partial(
        pl.kernel,
        mesh=mesh,
        out_type=jax.ShapeDtypeStruct((NBT * RPT, CS), jnp.float32),
        scratch_types=[
            pltpu.VMEM((NF, B_PER_W), jnp.int32),
            pltpu.VMEM((NF, CS), jnp.int32),
            pltpu.VMEM((NF, CS), jnp.int32),
            pltpu.VMEM((RPT, CS), jnp.float32),
            pltpu.VMEM((NF, CS), jnp.float32),
            pltpu.SemaphoreType.DMA,
            pltpu.SemaphoreType.DMA,
        ],
        compiler_params=pltpu.CompilerParams(use_tc_tiling_on_sc=False,
                                             needs_layout_passes=False),
    )
    def sc_gather(*refs):
        c_hbm = refs[:NF]
        d_tab = refs[NF:NF + DIM]
        fm_hbm = refs[NF + DIM]
        xt_out = refs[NF + DIM + 1]
        (cbuf, idx2, fidx, trbuf, fmv, gsem, fsem) = refs[NF + DIM + 2:]
        wid = lax.axis_index("s") * NC + lax.axis_index("c")
        base_w = wid * B_PER_W

        for f in range(NF):
            pltpu.async_copy(c_hbm[f].at[pl.ds(base_w, B_PER_W)],
                             cbuf.at[f], gsem)
        for f in range(NF):
            pltpu.make_async_copy(c_hbm[f].at[pl.ds(base_w, B_PER_W)],
                                  cbuf.at[f], gsem).wait()

        def chunk_body(c, carry):
            bt = wid * NCHUNK + c

            def igrp(g, carry):
                f = g // (CS // 16)
                k = g % (CS // 16)
                v = cbuf[f, pl.ds(c * CS + k * 16, 16)]
                idx2[f, pl.ds(k * 16, 16)] = (
                    (lax.shift_right_logical(v, VSH) * NFP + f) * VBLK
                    + lax.bitwise_and(v, VBLK - 1))
                fidx[f, pl.ds(k * 16, 16)] = v + VOCAB
                return carry

            lax.fori_loop(0, NF * (CS // 16), igrp, 0)

            def fire(f, carry):
                for d in range(DIM):
                    pltpu.async_copy(d_tab[d].at[idx2.at[f]],
                                     trbuf.at[f * DIM + d], gsem)
                pltpu.async_copy(fm_hbm.at[fidx.at[f]], fmv.at[f], fsem)
                return carry

            lax.fori_loop(0, NF, fire, 0)

            def drain(f, carry):
                for d in range(DIM):
                    pltpu.make_async_copy(d_tab[d].at[idx2.at[f]],
                                          trbuf.at[f * DIM + d], gsem).wait()
                pltpu.make_async_copy(fm_hbm.at[fidx.at[f]],
                                      fmv.at[f], fsem).wait()
                return carry

            lax.fori_loop(0, NF, drain, 0)

            def fsum_grp(k, carry):
                acc = fmv[0, pl.ds(k * 16, 16)]

                def facc(f, a):
                    return a + fmv[f, pl.ds(k * 16, 16)]

                trbuf[NJ, pl.ds(k * 16, 16)] = lax.fori_loop(1, NF, facc, acc)
                return carry

            lax.fori_loop(0, CS // 16, fsum_grp, 0)

            pltpu.sync_copy(trbuf, xt_out.at[pl.ds(bt * RPT, RPT)])
            return carry

        lax.fori_loop(0, NCHUNK, chunk_body, 0)

    return sc_gather


def _tc_body(x_ref, w1_ref, b1_ref, w2_ref, b2_ref, w3_ref, b3_ref,
             wd_ref, bd_ref, o_ref):
    di = lax.broadcasted_iota(jnp.int32, (DIM, NJ), 0)
    ji = lax.broadcasted_iota(jnp.int32, (DIM, NJ), 1)
    ST = (ji % DIM == di).astype(jnp.float32)
    zs = []
    for g in range(8):
        xe = x_ref[pl.ds(g * RPT, NJ), :]
        first = x_ref[pl.ds(g * RPT + NJ, 8), :][0:1, :]
        h = jnp.maximum(
            jnp.dot(w1_ref[...], xe, preferred_element_type=jnp.float32)
            + b1_ref[...], 0.0)
        h = jnp.maximum(
            jnp.dot(w2_ref[...], h, preferred_element_type=jnp.float32)
            + b2_ref[...], 0.0)
        h = jnp.maximum(
            jnp.dot(w3_ref[...], h, preferred_element_type=jnp.float32)
            + b3_ref[...], 0.0)
        deep = jnp.dot(wd_ref[...], h, preferred_element_type=jnp.float32) \
            + bd_ref[...]
        s1 = jnp.dot(ST, xe, preferred_element_type=jnp.float32)
        s2 = jnp.dot(ST, xe * xe, preferred_element_type=jnp.float32)
        second = 0.5 * jnp.sum(s1 * s1 - s2, axis=0, keepdims=True)
        z = first + second + deep
        zs.append(1.0 / (1.0 + jnp.exp(-z)))
    o_ref[...] = jnp.concatenate(zs, axis=0)


def _tc_mlp(XT, W1T, b1, W2T, b2, W3T, b3, WdT, bd):
    grid = (NBT // 8,)
    return pl.pallas_call(
        _tc_body,
        grid=grid,
        in_specs=[
            pl.BlockSpec((8 * RPT, CS), lambda i: (i, 0)),
            pl.BlockSpec(W1T.shape, lambda i: (0, 0)),
            pl.BlockSpec(b1.shape, lambda i: (0, 0)),
            pl.BlockSpec(W2T.shape, lambda i: (0, 0)),
            pl.BlockSpec(b2.shape, lambda i: (0, 0)),
            pl.BlockSpec(W3T.shape, lambda i: (0, 0)),
            pl.BlockSpec(b3.shape, lambda i: (0, 0)),
            pl.BlockSpec(WdT.shape, lambda i: (0, 0)),
            pl.BlockSpec(bd.shape, lambda i: (0, 0)),
        ],
        out_specs=pl.BlockSpec((8, CS), lambda i: (i, 0)),
        out_shape=jax.ShapeDtypeStruct((NBT, CS), jnp.float32),
    )(XT, W1T, b1, W2T, b2, W3T, b3, WdT, bd)


def kernel(C1, C2, C3, C4, C5, C6, C7, C8, C9, C10, C11, C12, C13, C14, C15,
           C16, C17, C18, C19, C20, C21, C22, C23, C24, C25, C26, emb_tables,
           fm_w, W1, b1, W2, b2, W3, b3, Wd, bd):
    fields = [C1, C2, C3, C4, C5, C6, C7, C8, C9, C10, C11, C12, C13, C14,
              C15, C16, C17, C18, C19, C20, C21, C22, C23, C24, C25, C26]
    embT = jnp.transpose(emb_tables, (0, 2, 1))
    d_tabs = [t.reshape(-1) for t in _slice_tables(embT)]
    XT = _sc_gather_build()(*fields, *d_tabs, fm_w.reshape(-1))
    out = _tc_mlp(XT, W1.T, b1.reshape(-1, 1), W2.T, b2.reshape(-1, 1),
                  W3.T, b3.reshape(-1, 1), Wd.T, bd.reshape(1, 1))
    return out.reshape(B, 1)

# --- scband reference (transcript-rebuilt; emitter-appended) ---
"""Pipeline reference for scband-deep-fm-73065983639937 (READ-ONLY COPY).

The authoritative reference and input builder live on the scoring server;
editing this copy changes nothing except your own understanding.
"""

import jax, jax.numpy as jnp
import numpy as np

N_FIELDS = 26
VOCAB = 100000
DIM = 16
BATCH = 16384
FEATURE_LEN = N_FIELDS * VOCAB
HIDDEN = [256, 128, 64]


def setup_inputs(seed: int = 0) -> dict:
    key = jax.random.key(seed)
    inp = {}
    for i in range(N_FIELDS):
        inp[f"C{i+1}"] = jax.random.randint(jax.random.fold_in(key, i), (BATCH,), 0, VOCAB, dtype=jnp.int32)
    kp = jax.random.fold_in(key, 1000)
    inp["emb_tables"] = jax.random.normal(jax.random.fold_in(kp, 0), (N_FIELDS, VOCAB, DIM), dtype=jnp.float32) * 0.05
    inp["fm_w"] = jax.random.normal(jax.random.fold_in(kp, 1), (FEATURE_LEN, 1), dtype=jnp.float32) * 0.01
    dims = [N_FIELDS * DIM] + HIDDEN
    for j in range(3):
        inp[f"W{j+1}"] = jax.random.normal(jax.random.fold_in(kp, 10 + j), (dims[j], dims[j + 1]), dtype=jnp.float32) * (1.0 / np.sqrt(dims[j]))
        inp[f"b{j+1}"] = jnp.zeros((dims[j + 1],), dtype=jnp.float32)
    inp["Wd"] = jax.random.normal(jax.random.fold_in(kp, 20), (HIDDEN[-1], 1), dtype=jnp.float32) * (1.0 / np.sqrt(HIDDEN[-1]))
    inp["bd"] = jnp.zeros((1,), dtype=jnp.float32)
    return inp


def _forward(idxs, emb_tables, fm_w, W1, b1, W2, b2, W3, b3, Wd, bd):
    # idxs: int[26, B]; per-field embedding lookup
    emb = jax.vmap(lambda tab, idx: jnp.take(tab, idx, axis=0))(emb_tables, idxs)  # [26, B, D]
    emb = jnp.transpose(emb, (1, 0, 2))  # [B, 26, D]
    sparse_embedding = emb.reshape(emb.shape[0], -1)  # [B, 26*D]
    # _index_mapping: value + feature_num (faithful to original code)
    mapped = (idxs + VOCAB).T  # [B, 26]
    # FM first order: lookup into global w table and sum over fields
    first_order = jnp.sum(jnp.take(fm_w, mapped, axis=0), axis=1)  # [B, 1]
    # FM second order
    square_sum = jnp.square(jnp.sum(emb, axis=1))  # [B, D]
    sum_square = jnp.sum(jnp.square(emb), axis=1)  # [B, D]
    second_order = 0.5 * jnp.sum(square_sum - sum_square, axis=1, keepdims=True)  # [B, 1]
    wide_outputs = first_order + second_order
    # Deep MLP (dropout inactive at inference)
    h = sparse_embedding
    h = jax.nn.relu(h @ W1 + b1)
    h = jax.nn.relu(h @ W2 + b2)
    h = jax.nn.relu(h @ W3 + b3)
    deep_outputs = h @ Wd + bd  # [B, 1]
    return jax.nn.sigmoid(wide_outputs + deep_outputs)


def reference(C1, C2, C3, C4, C5, C6, C7, C8, C9, C10, C11, C12, C13, C14, C15, C16, C17, C18, C19, C20, C21, C22, C23, C24, C25, C26, emb_tables, fm_w, W1, b1, W2, b2, W3, b3, Wd, bd):
    fields = [C1, C2, C3, C4, C5, C6, C7, C8, C9, C10, C11, C12, C13, C14, C15, C16, C17, C18, C19, C20, C21, C22, C23, C24, C25, C26]
    idxs = jnp.stack(fields, axis=0)
    return _forward(idxs, emb_tables, fm_w, W1, b1, W2, b2, W3, b3, Wd, bd)

if __name__ == "__main__":
    import jax
    _d = setup_inputs()
    print(jax.jit(kernel)(*tuple(_d.values())))

</pallas_src>

<mosaic_0001>
#map = affine_map<(d0, d1) -> (0)>
#map1 = affine_map<(d0, d1) -> (0, 0)>
module attributes {stable_mosaic.version = 14 : i64} {
  func.func @sc_gather(%arg0: i32, %arg1: i32, %arg2: memref<16384xi32, #tpu.memory_space<hbm>>, %arg3: memref<16384xi32, #tpu.memory_space<hbm>>, %arg4: memref<16384xi32, #tpu.memory_space<hbm>>, %arg5: memref<16384xi32, #tpu.memory_space<hbm>>, %arg6: memref<16384xi32, #tpu.memory_space<hbm>>, %arg7: memref<16384xi32, #tpu.memory_space<hbm>>, %arg8: memref<16384xi32, #tpu.memory_space<hbm>>, %arg9: memref<16384xi32, #tpu.memory_space<hbm>>, %arg10: memref<16384xi32, #tpu.memory_space<hbm>>, %arg11: memref<16384xi32, #tpu.memory_space<hbm>>, %arg12: memref<16384xi32, #tpu.memory_space<hbm>>, %arg13: memref<16384xi32, #tpu.memory_space<hbm>>, %arg14: memref<16384xi32, #tpu.memory_space<hbm>>, %arg15: memref<16384xi32, #tpu.memory_space<hbm>>, %arg16: memref<16384xi32, #tpu.memory_space<hbm>>, %arg17: memref<16384xi32, #tpu.memory_space<hbm>>, %arg18: memref<16384xi32, #tpu.memory_space<hbm>>, %arg19: memref<16384xi32, #tpu.memory_space<hbm>>, %arg20: memref<16384xi32, #tpu.memory_space<hbm>>, %arg21: memref<16384xi32, #tpu.memory_space<hbm>>, %arg22: memref<16384xi32, #tpu.memory_space<hbm>>, %arg23: memref<16384xi32, #tpu.memory_space<hbm>>, %arg24: memref<16384xi32, #tpu.memory_space<hbm>>, %arg25: memref<16384xi32, #tpu.memory_space<hbm>>, %arg26: memref<16384xi32, #tpu.memory_space<hbm>>, %arg27: memref<16384xi32, #tpu.memory_space<hbm>>, %arg28: memref<2609152xf32, #tpu.memory_space<hbm>>, %arg29: memref<2609152xf32, #tpu.memory_space<hbm>>, %arg30: memref<2609152xf32, #tpu.memory_space<hbm>>, %arg31: memref<2609152xf32, #tpu.memory_space<hbm>>, %arg32: memref<2609152xf32, #tpu.memory_space<hbm>>, %arg33: memref<2609152xf32, #tpu.memory_space<hbm>>, %arg34: memref<2609152xf32, #tpu.memory_space<hbm>>, %arg35: memref<2609152xf32, #tpu.memory_space<hbm>>, %arg36: memref<2609152xf32, #tpu.memory_space<hbm>>, %arg37: memref<2609152xf32, #tpu.memory_space<hbm>>, %arg38: memref<2609152xf32, #tpu.memory_space<hbm>>, %arg39: memref<2609152xf32, #tpu.memory_space<hbm>>, %arg40: memref<2609152xf32, #tpu.memory_space<hbm>>, %arg41: memref<2609152xf32, #tpu.memory_space<hbm>>, %arg42: memref<2609152xf32, #tpu.memory_space<hbm>>, %arg43: memref<2609152xf32, #tpu.memory_space<hbm>>, %arg44: memref<2600000xf32, #tpu.memory_space<hbm>>, %arg45: memref<54272x128xf32, #tpu.memory_space<hbm>>, %arg46: memref<26x512xi32, #tpu.memory_space<vmem>>, %arg47: memref<26x128xi32, #tpu.memory_space<vmem>>, %arg48: memref<26x128xi32, #tpu.memory_space<vmem>>, %arg49: memref<424x128xf32, #tpu.memory_space<vmem>>, %arg50: memref<26x128xf32, #tpu.memory_space<vmem>>, %arg51: memref<!tpu.dma_semaphore, #tpu.memory_space<semaphore_mem>>, %arg52: memref<!tpu.dma_semaphore, #tpu.memory_space<semaphore_mem>>) attributes {dimension_semantics = [#tpu.dimension_semantics<core_parallel>, #tpu.dimension_semantics<subcore_parallel>], iteration_bounds = array<i64: 2, 16>, scalar_prefetch = 0 : i64, scratch_operands = 7 : i64, tpu.core_type = #tpu.core_type<sc_vector_subcore>, window_params = [{transform_indices = #map}, {transform_indices = #map}, {transform_indices = #map}, {transform_indices = #map}, {transform_indices = #map}, {transform_indices = #map}, {transform_indices = #map}, {transform_indices = #map}, {transform_indices = #map}, {transform_indices = #map}, {transform_indices = #map}, {transform_indices = #map}, {transform_indices = #map}, {transform_indices = #map}, {transform_indices = #map}, {transform_indices = #map}, {transform_indices = #map}, {transform_indices = #map}, {transform_indices = #map}, {transform_indices = #map}, {transform_indices = #map}, {transform_indices = #map}, {transform_indices = #map}, {transform_indices = #map}, {transform_indices = #map}, {transform_indices = #map}, {transform_indices = #map}, {transform_indices = #map}, {transform_indices = #map}, {transform_indices = #map}, {transform_indices = #map}, {transform_indices = #map}, {transform_indices = #map}, {transform_indices = #map}, {transform_indices = #map}, {transform_indices = #map}, {transform_indices = #map}, {transform_indices = #map}, {transform_indices = #map}, {transform_indices = #map}, {transform_indices = #map}, {transform_indices = #map}, {transform_indices = #map}, {transform_indices = #map1}]} {
    %mul3A = arith.constant 2 : i32
    %mul3A_0 = arith.muli %arg1, %mul3A : i32
    %add3A = arith.addi %mul3A_0, %arg0 : i32
    %mul3A_1 = arith.constant 512 : i32
    %mul3A_2 = arith.muli %add3A, %mul3A_1 : i32
    %dma_start3A = arith.constant 0 : i32
    %dma_start3A_3 = arith.constant 0 : i32
    %dma_start3A_4 = tpu.memref_slice %arg46[%dma_start3A, %dma_start3A_3] : memref<26x512xi32, #tpu.memory_space<vmem>> -> memref<1x512xi32, #tpu.memory_space<vmem>>
    %dma_start3A_5 = tpu.memref_squeeze %dma_start3A_4 : memref<1x512xi32, #tpu.memory_space<vmem>> -> memref<512xi32, #tpu.memory_space<vmem>>
    %dma_start3A_6 = tpu.memref_slice %arg2[%mul3A_2] : memref<16384xi32, #tpu.memory_space<hbm>> -> memref<512xi32, #tpu.memory_space<hbm>>
    %dma_start3A_7 = arith.constant 0 : i32
    %dma_start3A_8 = tpu.memref_slice %arg46[%dma_start3A, %dma_start3A_7] : memref<26x512xi32, #tpu.memory_space<vmem>> -> memref<1x512xi32, #tpu.memory_space<vmem>>
    %dma_start3A_9 = tpu.memref_squeeze %dma_start3A_8 : memref<1x512xi32, #tpu.memory_space<vmem>> -> memref<512xi32, #tpu.memory_space<vmem>>
    %dma_start3A_10 = tpu.memref_slice %arg2[%mul3A_2] : memref<16384xi32, #tpu.memory_space<hbm>> -> memref<512xi32, #tpu.memory_space<hbm>>
    tpu.enqueue_dma source(%dma_start3A_10 : memref<512xi32, #tpu.memory_space<hbm>>) target(%dma_start3A_9 : memref<512xi32, #tpu.memory_space<vmem>>) target_semaphore(%arg51 : memref<!tpu.dma_semaphore, #tpu.memory_space<semaphore_mem>>)
    %dma_start3A_11 = arith.constant 1 : i32
    %dma_start3A_12 = arith.constant 0 : i32
    %dma_start3A_13 = tpu.memref_slice %arg46[%dma_start3A_11, %dma_start3A_12] : memref<26x512xi32, #tpu.memory_space<vmem>> -> memref<1x512xi32, #tpu.memory_space<vmem>>
    %dma_start3A_14 = tpu.memref_squeeze %dma_start3A_13 : memref<1x512xi32, #tpu.memory_space<vmem>> -> memref<512xi32, #tpu.memory_space<vmem>>
    %dma_start3A_15 = tpu.memref_slice %arg3[%mul3A_2] : memref<16384xi32, #tpu.memory_space<hbm>> -> memref<512xi32, #tpu.memory_space<hbm>>
    %dma_start3A_16 = arith.constant 0 : i32
    %dma_start3A_17 = tpu.memref_slice %arg46[%dma_start3A_11, %dma_start3A_16] : memref<26x512xi32, #tpu.memory_space<vmem>> -> memref<1x512xi32, #tpu.memory_space<vmem>>
    %dma_start3A_18 = tpu.memref_squeeze %dma_start3A_17 : memref<1x512xi32, #tpu.memory_space<vmem>> -> memref<512xi32, #tpu.memory_space<vmem>>
    %dma_start3A_19 = tpu.memref_slice %arg3[%mul3A_2] : memref<16384xi32, #tpu.memory_space<hbm>> -> memref<512xi32, #tpu.memory_space<hbm>>
    tpu.enqueue_dma source(%dma_start3A_19 : memref<512xi32, #tpu.memory_space<hbm>>) target(%dma_start3A_18 : memref<512xi32, #tpu.memory_space<vmem>>) target_semaphore(%arg51 : memref<!tpu.dma_semaphore, #tpu.memory_space<semaphore_mem>>)
    %dma_start3A_20 = arith.constant 2 : i32
    %dma_start3A_21 = arith.constant 0 : i32
    %dma_start3A_22 = tpu.memref_slice %arg46[%dma_start3A_20, %dma_start3A_21] : memref<26x512xi32, #tpu.memory_space<vmem>> -> memref<1x512xi32, #tpu.memory_space<vmem>>
    %dma_start3A_23 = tpu.memref_squeeze %dma_start3A_22 : memref<1x512xi32, #tpu.memory_space<vmem>> -> memref<512xi32, #tpu.memory_space<vmem>>
    %dma_start3A_24 = tpu.memref_slice %arg4[%mul3A_2] : memref<16384xi32, #tpu.memory_space<hbm>> -> memref<512xi32, #tpu.memory_space<hbm>>
    %dma_start3A_25 = arith.constant 0 : i32
    %dma_start3A_26 = tpu.memref_slice %arg46[%dma_start3A_20, %dma_start3A_25] : memref<26x512xi32, #tpu.memory_space<vmem>> -> memref<1x512xi32, #tpu.memory_space<vmem>>
    %dma_start3A_27 = tpu.memref_squeeze %dma_start3A_26 : memref<1x512xi32, #tpu.memory_space<vmem>> -> memref<512xi32, #tpu.memory_space<vmem>>
    %dma_start3A_28 = tpu.memref_slice %arg4[%mul3A_2] : memref<16384xi32, #tpu.memory_space<hbm>> -> memref<512xi32, #tpu.memory_space<hbm>>
    tpu.enqueue_dma source(%dma_start3A_28 : memref<512xi32, #tpu.memory_space<hbm>>) target(%dma_start3A_27 : memref<512xi32, #tpu.memory_space<vmem>>) target_semaphore(%arg51 : memref<!tpu.dma_semaphore, #tpu.memory_space<semaphore_mem>>)
    %dma_start3A_29 = arith.constant 3 : i32
    %dma_start3A_30 = arith.constant 0 : i32
    %dma_start3A_31 = tpu.memref_slice %arg46[%dma_start3A_29, %dma_start3A_30] : memref<26x512xi32, #tpu.memory_space<vmem>> -> memref<1x512xi32, #tpu.memory_space<vmem>>
    %dma_start3A_32 = tpu.memref_squeeze %dma_start3A_31 : memref<1x512xi32, #tpu.memory_space<vmem>> -> memref<512xi32, #tpu.memory_space<vmem>>
    %dma_start3A_33 = tpu.memref_slice %arg5[%mul3A_2] : memref<16384xi32, #tpu.memory_space<hbm>> -> memref<512xi32, #tpu.memory_space<hbm>>
    %dma_start3A_34 = arith.constant 0 : i32
    %dma_start3A_35 = tpu.memref_slice %arg46[%dma_start3A_29, %dma_start3A_34] : memref<26x512xi32, #tpu.memory_space<vmem>> -> memref<1x512xi32, #tpu.memory_space<vmem>>
    %dma_start3A_36 = tpu.memref_squeeze %dma_start3A_35 : memref<1x512xi32, #tpu.memory_space<vmem>> -> memref<512xi32, #tpu.memory_space<vmem>>
    %dma_start3A_37 = tpu.memref_slice %arg5[%mul3A_2] : memref<16384xi32, #tpu.memory_space<hbm>> -> memref<512xi32, #tpu.memory_space<hbm>>
    tpu.enqueue_dma source(%dma_start3A_37 : memref<512xi32, #tpu.memory_space<hbm>>) target(%dma_start3A_36 : memref<512xi32, #tpu.memory_space<vmem>>) target_semaphore(%arg51 : memref<!tpu.dma_semaphore, #tpu.memory_space<semaphore_mem>>)
    %dma_start3A_38 = arith.constant 4 : i32
    %dma_start3A_39 = arith.constant 0 : i32
    %dma_start3A_40 = tpu.memref_slice %arg46[%dma_start3A_38, %dma_start3A_39] : memref<26x512xi32, #tpu.memory_space<vmem>> -> memref<1x512xi32, #tpu.memory_space<vmem>>
    %dma_start3A_41 = tpu.memref_squeeze %dma_start3A_40 : memref<1x512xi32, #tpu.memory_space<vmem>> -> memref<512xi32, #tpu.memory_space<vmem>>
    %dma_start3A_42 = tpu.memref_slice %arg6[%mul3A_2] : memref<16384xi32, #tpu.memory_space<hbm>> -> memref<512xi32, #tpu.memory_space<hbm>>
    %dma_start3A_43 = arith.constant 0 : i32
    %dma_start3A_44 = tpu.memref_slice %arg46[%dma_start3A_38, %dma_start3A_43] : memref<26x512xi32, #tpu.memory_space<vmem>> -> memref<1x512xi32, #tpu.memory_space<vmem>>
    %dma_start3A_45 = tpu.memref_squeeze %dma_start3A_44 : memref<1x512xi32, #tpu.memory_space<vmem>> -> memref<512xi32, #tpu.memory_space<vmem>>
    %dma_start3A_46 = tpu.memref_slice %arg6[%mul3A_2] : memref<16384xi32, #tpu.memory_space<hbm>> -> memref<512xi32, #tpu.memory_space<hbm>>
    tpu.enqueue_dma source(%dma_start3A_46 : memref<512xi32, #tpu.memory_space<hbm>>) target(%dma_start3A_45 : memref<512xi32, #tpu.memory_space<vmem>>) target_semaphore(%arg51 : memref<!tpu.dma_semaphore, #tpu.memory_space<semaphore_mem>>)
    %dma_start3A_47 = arith.constant 5 : i32
    %dma_start3A_48 = arith.constant 0 : i32
    %dma_start3A_49 = tpu.memref_slice %arg46[%dma_start3A_47, %dma_start3A_48] : memref<26x512xi32, #tpu.memory_space<vmem>> -> memref<1x512xi32, #tpu.memory_space<vmem>>
    %dma_start3A_50 = tpu.memref_squeeze %dma_start3A_49 : memref<1x512xi32, #tpu.memory_space<vmem>> -> memref<512xi32, #tpu.memory_space<vmem>>
    %dma_start3A_51 = tpu.memref_slice %arg7[%mul3A_2] : memref<16384xi32, #tpu.memory_space<hbm>> -> memref<512xi32, #tpu.memory_space<hbm>>
    %dma_start3A_52 = arith.constant 0 : i32
    %dma_start3A_53 = tpu.memref_slice %arg46[%dma_start3A_47, %dma_start3A_52] : memref<26x512xi32, #tpu.memory_space<vmem>> -> memref<1x512xi32, #tpu.memory_space<vmem>>
    %dma_start3A_54 = tpu.memref_squeeze %dma_start3A_53 : memref<1x512xi32, #tpu.memory_space<vmem>> -> memref<512xi32, #tpu.memory_space<vmem>>
    %dma_start3A_55 = tpu.memref_slice %arg7[%mul3A_2] : memref<16384xi32, #tpu.memory_space<hbm>> -> memref<512xi32, #tpu.memory_space<hbm>>
    tpu.enqueue_dma source(%dma_start3A_55 : memref<512xi32, #tpu.memory_space<hbm>>) target(%dma_start3A_54 : memref<512xi32, #tpu.memory_space<vmem>>) target_semaphore(%arg51 : memref<!tpu.dma_semaphore, #tpu.memory_space<semaphore_mem>>)
    %dma_start3A_56 = arith.constant 6 : i32
    %dma_start3A_57 = arith.constant 0 : i32
    %dma_start3A_58 = tpu.memref_slice %arg46[%dma_start3A_56, %dma_start3A_57] : memref<26x512xi32, #tpu.memory_space<vmem>> -> memref<1x512xi32, #tpu.memory_space<vmem>>
    %dma_start3A_59 = tpu.memref_squeeze %dma_start3A_58 : memref<1x512xi32, #tpu.memory_space<vmem>> -> memref<512xi32, #tpu.memory_space<vmem>>
    %dma_start3A_60 = tpu.memref_slice %arg8[%mul3A_2] : memref<16384xi32, #tpu.memory_space<hbm>> -> memref<512xi32, #tpu.memory_space<hbm>>
    %dma_start3A_61 = arith.constant 0 : i32
    %dma_start3A_62 = tpu.memref_slice %arg46[%dma_start3A_56, %dma_start3A_61] : memref<26x512xi32, #tpu.memory_space<vmem>> -> memref<1x512xi32, #tpu.memory_space<vmem>>
    %dma_start3A_63 = tpu.memref_squeeze %dma_start3A_62 : memref<1x512xi32, #tpu.memory_space<vmem>> -> memref<512xi32, #tpu.memory_space<vmem>>
    %dma_start3A_64 = tpu.memref_slice %arg8[%mul3A_2] : memref<16384xi32, #tpu.memory_space<hbm>> -> memref<512xi32, #tpu.memory_space<hbm>>
    tpu.enqueue_dma source(%dma_start3A_64 : memref<512xi32, #tpu.memory_space<hbm>>) target(%dma_start3A_63 : memref<512xi32, #tpu.memory_space<vmem>>) target_semaphore(%arg51 : memref<!tpu.dma_semaphore, #tpu.memory_space<semaphore_mem>>)
    %dma_start3A_65 = arith.constant 7 : i32
    %dma_start3A_66 = arith.constant 0 : i32
    %dma_start3A_67 = tpu.memref_slice %arg46[%dma_start3A_65, %dma_start3A_66] : memref<26x512xi32, #tpu.memory_space<vmem>> -> memref<1x512xi32, #tpu.memory_space<vmem>>
    %dma_start3A_68 = tpu.memref_squeeze %dma_start3A_67 : memref<1x512xi32, #tpu.memory_space<vmem>> -> memref<512xi32, #tpu.memory_space<vmem>>
    %dma_start3A_69 = tpu.memref_slice %arg9[%mul3A_2] : memref<16384xi32, #tpu.memory_space<hbm>> -> memref<512xi32, #tpu.memory_space<hbm>>
    %dma_start3A_70 = arith.constant 0 : i32
    %dma_start3A_71 = tpu.memref_slice %arg46[%dma_start3A_65, %dma_start3A_70] : memref<26x512xi32, #tpu.memory_space<vmem>> -> memref<1x512xi32, #tpu.memory_space<vmem>>
    %dma_start3A_72 = tpu.memref_squeeze %dma_start3A_71 : memref<1x512xi32, #tpu.memory_space<vmem>> -> memref<512xi32, #tpu.memory_space<vmem>>
    %dma_start3A_73 = tpu.memref_slice %arg9[%mul3A_2] : memref<16384xi32, #tpu.memory_space<hbm>> -> memref<512xi32, #tpu.memory_space<hbm>>
    tpu.enqueue_dma source(%dma_start3A_73 : memref<512xi32, #tpu.memory_space<hbm>>) target(%dma_start3A_72 : memref<512xi32, #tpu.memory_space<vmem>>) target_semaphore(%arg51 : memref<!tpu.dma_semaphore, #tpu.memory_space<semaphore_mem>>)
    %dma_start3A_74 = arith.constant 8 : i32
    %dma_start3A_75 = arith.constant 0 : i32
    %dma_start3A_76 = tpu.memref_slice %arg46[%dma_start3A_74, %dma_start3A_75] : memref<26x512xi32, #tpu.memory_space<vmem>> -> memref<1x512xi32, #tpu.memory_space<vmem>>
    %dma_start3A_77 = tpu.memref_squeeze %dma_start3A_76 : memref<1x512xi32, #tpu.memory_space<vmem>> -> memref<512xi32, #tpu.memory_space<vmem>>
    %dma_start3A_78 = tpu.memref_slice %arg10[%mul3A_2] : memref<16384xi32, #tpu.memory_space<hbm>> -> memref<512xi32, #tpu.memory_space<hbm>>
    %dma_start3A_79 = arith.constant 0 : i32
    %dma_start3A_80 = tpu.memref_slice %arg46[%dma_start3A_74, %dma_start3A_79] : memref<26x512xi32, #tpu.memory_space<vmem>> -> memref<1x512xi32, #tpu.memory_space<vmem>>
    %dma_start3A_81 = tpu.memref_squeeze %dma_start3A_80 : memref<1x512xi32, #tpu.memory_space<vmem>> -> memref<512xi32, #tpu.memory_space<vmem>>
    %dma_start3A_82 = tpu.memref_slice %arg10[%mul3A_2] : memref<16384xi32, #tpu.memory_space<hbm>> -> memref<512xi32, #tpu.memory_space<hbm>>
    tpu.enqueue_dma source(%dma_start3A_82 : memref<512xi32, #tpu.memory_space<hbm>>) target(%dma_start3A_81 : memref<512xi32, #tpu.memory_space<vmem>>) target_semaphore(%arg51 : memref<!tpu.dma_semaphore, #tpu.memory_space<semaphore_mem>>)
    %dma_start3A_83 = arith.constant 9 : i32
    %dma_start3A_84 = arith.constant 0 : i32
    %dma_start3A_85 = tpu.memref_slice %arg46[%dma_start3A_83, %dma_start3A_84] : memref<26x512xi32, #tpu.memory_space<vmem>> -> memref<1x512xi32, #tpu.memory_space<vmem>>
    %dma_start3A_86 = tpu.memref_squeeze %dma_start3A_85 : memref<1x512xi32, #tpu.memory_space<vmem>> -> memref<512xi32, #tpu.memory_space<vmem>>
    %dma_start3A_87 = tpu.memref_slice %arg11[%mul3A_2] : memref<16384xi32, #tpu.memory_space<hbm>> -> memref<512xi32, #tpu.memory_space<hbm>>
    %dma_start3A_88 = arith.constant 0 : i32
    %dma_start3A_89 = tpu.memref_slice %arg46[%dma_start3A_83, %dma_start3A_88] : memref<26x512xi32, #tpu.memory_space<vmem>> -> memref<1x512xi32, #tpu.memory_space<vmem>>
    %dma_start3A_90 = tpu.memref_squeeze %dma_start3A_89 : memref<1x512xi32, #tpu.memory_space<vmem>> -> memref<512xi32, #tpu.memory_space<vmem>>
    %dma_start3A_91 = tpu.memref_slice %arg11[%mul3A_2] : memref<16384xi32, #tpu.memory_space<hbm>> -> memref<512xi32, #tpu.memory_space<hbm>>
    tpu.enqueue_dma source(%dma_start3A_91 : memref<512xi32, #tpu.memory_space<hbm>>) target(%dma_start3A_90 : memref<512xi32, #tpu.memory_space<vmem>>) target_semaphore(%arg51 : memref<!tpu.dma_semaphore, #tpu.memory_space<semaphore_mem>>)
    %dma_start3A_92 = arith.constant 10 : i32
    %dma_start3A_93 = arith.constant 0 : i32
    %dma_start3A_94 = tpu.memref_slice %arg46[%dma_start3A_92, %dma_start3A_93] : memref<26x512xi32, #tpu.memory_space<vmem>> -> memref<1x512xi32, #tpu.memory_space<vmem>>
    %dma_start3A_95 = tpu.memref_squeeze %dma_start3A_94 : memref<1x512xi32, #tpu.memory_space<vmem>> -> memref<512xi32, #tpu.memory_space<vmem>>
    %dma_start3A_96 = tpu.memref_slice %arg12[%mul3A_2] : memref<16384xi32, #tpu.memory_space<hbm>> -> memref<512xi32, #tpu.memory_space<hbm>>
    %dma_start3A_97 = arith.constant 0 : i32
    %dma_start3A_98 = tpu.memref_slice %arg46[%dma_start3A_92, %dma_start3A_97] : memref<26x512xi32, #tpu.memory_space<vmem>> -> memref<1x512xi32, #tpu.memory_space<vmem>>
    %dma_start3A_99 = tpu.memref_squeeze %dma_start3A_98 : memref<1x512xi32, #tpu.memory_space<vmem>> -> memref<512xi32, #tpu.memory_space<vmem>>
    %dma_start3A_100 = tpu.memref_slice %arg12[%mul3A_2] : memref<16384xi32, #tpu.memory_space<hbm>> -> memref<512xi32, #tpu.memory_space<hbm>>
    tpu.enqueue_dma source(%dma_start3A_100 : memref<512xi32, #tpu.memory_space<hbm>>) target(%dma_start3A_99 : memref<512xi32, #tpu.memory_space<vmem>>) target_semaphore(%arg51 : memref<!tpu.dma_semaphore, #tpu.memory_space<semaphore_mem>>)
    %dma_start3A_101 = arith.constant 11 : i32
    %dma_start3A_102 = arith.constant 0 : i32
    %dma_start3A_103 = tpu.memref_slice %arg46[%dma_start3A_101, %dma_start3A_102] : memref<26x512xi32, #tpu.memory_space<vmem>> -> memref<1x512xi32, #tpu.memory_space<vmem>>
    %dma_start3A_104 = tpu.memref_squeeze %dma_start3A_103 : memref<1x512xi32, #tpu.memory_space<vmem>> -> memref<512xi32, #tpu.memory_space<vmem>>
    %dma_start3A_105 = tpu.memref_slice %arg13[%mul3A_2] : memref<16384xi32, #tpu.memory_space<hbm>> -> memref<512xi32, #tpu.memory_space<hbm>>
    %dma_start3A_106 = arith.constant 0 : i32
    %dma_start3A_107 = tpu.memref_slice %arg46[%dma_start3A_101, %dma_start3A_106] : memref<26x512xi32, #tpu.memory_space<vmem>> -> memref<1x512xi32, #tpu.memory_space<vmem>>
    %dma_start3A_108 = tpu.memref_squeeze %dma_start3A_107 : memref<1x512xi32, #tpu.memory_space<vmem>> -> memref<512xi32, #tpu.memory_space<vmem>>
    %dma_start3A_109 = tpu.memref_slice %arg13[%mul3A_2] : memref<16384xi32, #tpu.memory_space<hbm>> -> memref<512xi32, #tpu.memory_space<hbm>>
    tpu.enqueue_dma source(%dma_start3A_109 : memref<512xi32, #tpu.memory_space<hbm>>) target(%dma_start3A_108 : memref<512xi32, #tpu.memory_space<vmem>>) target_semaphore(%arg51 : memref<!tpu.dma_semaphore, #tpu.memory_space<semaphore_mem>>)
    %dma_start3A_110 = arith.constant 12 : i32
    %dma_start3A_111 = arith.constant 0 : i32
    %dma_start3A_112 = tpu.memref_slice %arg46[%dma_start3A_110, %dma_start3A_111] : memref<26x512xi32, #tpu.memory_space<vmem>> -> memref<1x512xi32, #tpu.memory_space<vmem>>
    %dma_start3A_113 = tpu.memref_squeeze %dma_start3A_112 : memref<1x512xi32, #tpu.memory_space<vmem>> -> memref<512xi32, #tpu.memory_space<vmem>>
    %dma_start3A_114 = tpu.memref_slice %arg14[%mul3A_2] : memref<16384xi32, #tpu.memory_space<hbm>> -> memref<512xi32, #tpu.memory_space<hbm>>
    %dma_start3A_115 = arith.constant 0 : i32
    %dma_start3A_116 = tpu.memref_slice %arg46[%dma_start3A_110, %dma_start3A_115] : memref<26x512xi32, #tpu.memory_space<vmem>> -> memref<1x512xi32, #tpu.memory_space<vmem>>
    %dma_start3A_117 = tpu.memref_squeeze %dma_start3A_116 : memref<1x512xi32, #tpu.memory_space<vmem>> -> memref<512xi32, #tpu.memory_space<vmem>>
    %dma_start3A_118 = tpu.memref_slice %arg14[%mul3A_2] : memref<16384xi32, #tpu.memory_space<hbm>> -> memref<512xi32, #tpu.memory_space<hbm>>
    tpu.enqueue_dma source(%dma_start3A_118 : memref<512xi32, #tpu.memory_space<hbm>>) target(%dma_start3A_117 : memref<512xi32, #tpu.memory_space<vmem>>) target_semaphore(%arg51 : memref<!tpu.dma_semaphore, #tpu.memory_space<semaphore_mem>>)
    %dma_start3A_119 = arith.constant 13 : i32
    %dma_start3A_120 = arith.constant 0 : i32
    %dma_start3A_121 = tpu.memref_slice %arg46[%dma_start3A_119, %dma_start3A_120] : memref<26x512xi32, #tpu.memory_space<vmem>> -> memref<1x512xi32, #tpu.memory_space<vmem>>
    %dma_start3A_122 = tpu.memref_squeeze %dma_start3A_121 : memref<1x512xi32, #tpu.memory_space<vmem>> -> memref<512xi32, #tpu.memory_space<vmem>>
    %dma_start3A_123 = tpu.memref_slice %arg15[%mul3A_2] : memref<16384xi32, #tpu.memory_space<hbm>> -> memref<512xi32, #tpu.memory_space<hbm>>
    %dma_start3A_124 = arith.constant 0 : i32
    %dma_start3A_125 = tpu.memref_slice %arg46[%dma_start3A_119, %dma_start3A_124] : memref<26x512xi32, #tpu.memory_space<vmem>> -> memref<1x512xi32, #tpu.memory_space<vmem>>
    %dma_start3A_126 = tpu.memref_squeeze %dma_start3A_125 : memref<1x512xi32, #tpu.memory_space<vmem>> -> memref<512xi32, #tpu.memory_space<vmem>>
    %dma_start3A_127 = tpu.memref_slice %arg15[%mul3A_2] : memref<16384xi32, #tpu.memory_space<hbm>> -> memref<512xi32, #tpu.memory_space<hbm>>
    tpu.enqueue_dma source(%dma_start3A_127 : memref<512xi32, #tpu.memory_space<hbm>>) target(%dma_start3A_126 : memref<512xi32, #tpu.memory_space<vmem>>) target_semaphore(%arg51 : memref<!tpu.dma_semaphore, #tpu.memory_space<semaphore_mem>>)
    %dma_start3A_128 = arith.constant 14 : i32
    %dma_start3A_129 = arith.constant 0 : i32
    %dma_start3A_130 = tpu.memref_slice %arg46[%dma_start3A_128, %dma_start3A_129] : memref<26x512xi32, #tpu.memory_space<vmem>> -> memref<1x512xi32, #tpu.memory_space<vmem>>
    %dma_start3A_131 = tpu.memref_squeeze %dma_start3A_130 : memref<1x512xi32, #tpu.memory_space<vmem>> -> memref<512xi32, #tpu.memory_space<vmem>>
    %dma_start3A_132 = tpu.memref_slice %arg16[%mul3A_2] : memref<16384xi32, #tpu.memory_space<hbm>> -> memref<512xi32, #tpu.memory_space<hbm>>
    %dma_start3A_133 = arith.constant 0 : i32
    %dma_start3A_134 = tpu.memref_slice %arg46[%dma_start3A_128, %dma_start3A_133] : memref<26x512xi32, #tpu.memory_space<vmem>> -> memref<1x512xi32, #tpu.memory_space<vmem>>
    %dma_start3A_135 = tpu.memref_squeeze %dma_start3A_134 : memref<1x512xi32, #tpu.memory_space<vmem>> -> memref<512xi32, #tpu.memory_space<vmem>>
    %dma_start3A_136 = tpu.memref_slice %arg16[%mul3A_2] : memref<16384xi32, #tpu.memory_space<hbm>> -> memref<512xi32, #tpu.memory_space<hbm>>
    tpu.enqueue_dma source(%dma_start3A_136 : memref<512xi32, #tpu.memory_space<hbm>>) target(%dma_start3A_135 : memref<512xi32, #tpu.memory_space<vmem>>) target_semaphore(%arg51 : memref<!tpu.dma_semaphore, #tpu.memory_space<semaphore_mem>>)
    %dma_start3A_137 = arith.constant 15 : i32
    %dma_start3A_138 = arith.constant 0 : i32
    %dma_start3A_139 = tpu.memref_slice %arg46[%dma_start3A_137, %dma_start3A_138] : memref<26x512xi32, #tpu.memory_space<vmem>> -> memref<1x512xi32, #tpu.memory_space<vmem>>
    %dma_start3A_140 = tpu.memref_squeeze %dma_start3A_139 : memref<1x512xi32, #tpu.memory_space<vmem>> -> memref<512xi32, #tpu.memory_space<vmem>>
    %dma_start3A_141 = tpu.memref_slice %arg17[%mul3A_2] : memref<16384xi32, #tpu.memory_space<hbm>> -> memref<512xi32, #tpu.memory_space<hbm>>
    %dma_start3A_142 = arith.constant 0 : i32
    %dma_start3A_143 = tpu.memref_slice %arg46[%dma_start3A_137, %dma_start3A_142] : memref<26x512xi32, #tpu.memory_space<vmem>> -> memref<1x512xi32, #tpu.memory_space<vmem>>
    %dma_start3A_144 = tpu.memref_squeeze %dma_start3A_143 : memref<1x512xi32, #tpu.memory_space<vmem>> -> memref<512xi32, #tpu.memory_space<vmem>>
    %dma_start3A_145 = tpu.memref_slice %arg17[%mul3A_2] : memref<16384xi32, #tpu.memory_space<hbm>> -> memref<512xi32, #tpu.memory_space<hbm>>
    tpu.enqueue_dma source(%dma_start3A_145 : memref<512xi32, #tpu.memory_space<hbm>>) target(%dma_start3A_144 : memref<512xi32, #tpu.memory_space<vmem>>) target_semaphore(%arg51 : memref<!tpu.dma_semaphore, #tpu.memory_space<semaphore_mem>>)
    %dma_start3A_146 = arith.constant 16 : i32
    %dma_start3A_147 = arith.constant 0 : i32
    %dma_start3A_148 = tpu.memref_slice %arg46[%dma_start3A_146, %dma_start3A_147] : memref<26x512xi32, #tpu.memory_space<vmem>> -> memref<1x512xi32, #tpu.memory_space<vmem>>
    %dma_start3A_149 = tpu.memref_squeeze %dma_start3A_148 : memref<1x512xi32, #tpu.memory_space<vmem>> -> memref<512xi32, #tpu.memory_space<vmem>>
    %dma_start3A_150 = tpu.memref_slice %arg18[%mul3A_2] : memref<16384xi32, #tpu.memory_space<hbm>> -> memref<512xi32, #tpu.memory_space<hbm>>
    %dma_start3A_151 = arith.constant 0 : i32
    %dma_start3A_152 = tpu.memref_slice %arg46[%dma_start3A_146, %dma_start3A_151] : memref<26x512xi32, #tpu.memory_space<vmem>> -> memref<1x512xi32, #tpu.memory_space<vmem>>
    %dma_start3A_153 = tpu.memref_squeeze %dma_start3A_152 : memref<1x512xi32, #tpu.memory_space<vmem>> -> memref<512xi32, #tpu.memory_space<vmem>>
    %dma_start3A_154 = tpu.memref_slice %arg18[%mul3A_2] : memref<16384xi32, #tpu.memory_space<hbm>> -> memref<512xi32, #tpu.memory_space<hbm>>
    tpu.enqueue_dma source(%dma_start3A_154 : memref<512xi32, #tpu.memory_space<hbm>>) target(%dma_start3A_153 : memref<512xi32, #tpu.memory_space<vmem>>) target_semaphore(%arg51 : memref<!tpu.dma_semaphore, #tpu.memory_space<semaphore_mem>>)
    %dma_start3A_155 = arith.constant 17 : i32
    %dma_start3A_156 = arith.constant 0 : i32
    %dma_start3A_157 = tpu.memref_slice %arg46[%dma_start3A_155, %dma_start3A_156] : memref<26x512xi32, #tpu.memory_space<vmem>> -> memref<1x512xi32, #tpu.memory_space<vmem>>
    %dma_start3A_158 = tpu.memref_squeeze %dma_start3A_157 : memref<1x512xi32, #tpu.memory_space<vmem>> -> memref<512xi32, #tpu.memory_space<vmem>>
    %dma_start3A_159 = tpu.memref_slice %arg19[%mul3A_2] : memref<16384xi32, #tpu.memory_space<hbm>> -> memref<512xi32, #tpu.memory_space<hbm>>
    %dma_start3A_160 = arith.constant 0 : i32
    %dma_start3A_161 = tpu.memref_slice %arg46[%dma_start3A_155, %dma_start3A_160] : memref<26x512xi32, #tpu.memory_space<vmem>> -> memref<1x512xi32, #tpu.memory_space<vmem>>
    %dma_start3A_162 = tpu.memref_squeeze %dma_start3A_161 : memref<1x512xi32, #tpu.memory_space<vmem>> -> memref<512xi32, #tpu.memory_space<vmem>>
    %dma_start3A_163 = tpu.memref_slice %arg19[%mul3A_2] : memref<16384xi32, #tpu.memory_space<hbm>> -> memref<512xi32, #tpu.memory_space<hbm>>
    tpu.enqueue_dma source(%dma_start3A_163 : memref<512xi32, #tpu.memory_space<hbm>>) target(%dma_start3A_162 : memref<512xi32, #tpu.memory_space<vmem>>) target_semaphore(%arg51 : memref<!tpu.dma_semaphore, #tpu.memory_space<semaphore_mem>>)
    %dma_start3A_164 = arith.constant 18 : i32
    %dma_start3A_165 = arith.constant 0 : i32
    %dma_start3A_166 = tpu.memref_slice %arg46[%dma_start3A_164, %dma_start3A_165] : memref<26x512xi32, #tpu.memory_space<vmem>> -> memref<1x512xi32, #tpu.memory_space<vmem>>
    %dma_start3A_167 = tpu.memref_squeeze %dma_start3A_166 : memref<1x512xi32, #tpu.memory_space<vmem>> -> memref<512xi32, #tpu.memory_space<vmem>>
    %dma_start3A_168 = tpu.memref_slice %arg20[%mul3A_2] : memref<16384xi32, #tpu.memory_space<hbm>> -> memref<512xi32, #tpu.memory_space<hbm>>
    %dma_start3A_169 = arith.constant 0 : i32
    %dma_start3A_170 = tpu.memref_slice %arg46[%dma_start3A_164, %dma_start3A_169] : memref<26x512xi32, #tpu.memory_space<vmem>> -> memref<1x512xi32, #tpu.memory_space<vmem>>
    %dma_start3A_171 = tpu.memref_squeeze %dma_start3A_170 : memref<1x512xi32, #tpu.memory_space<vmem>> -> memref<512xi32, #tpu.memory_space<vmem>>
    %dma_start3A_172 = tpu.memref_slice %arg20[%mul3A_2] : memref<16384xi32, #tpu.memory_space<hbm>> -> memref<512xi32, #tpu.memory_space<hbm>>
    tpu.enqueue_dma source(%dma_start3A_172 : memref<512xi32, #tpu.memory_space<hbm>>) target(%dma_start3A_171 : memref<512xi32, #tpu.memory_space<vmem>>) target_semaphore(%arg51 : memref<!tpu.dma_semaphore, #tpu.memory_space<semaphore_mem>>)
    %dma_start3A_173 = arith.constant 19 : i32
    %dma_start3A_174 = arith.constant 0 : i32
    %dma_start3A_175 = tpu.memref_slice %arg46[%dma_start3A_173, %dma_start3A_174] : memref<26x512xi32, #tpu.memory_space<vmem>> -> memref<1x512xi32, #tpu.memory_space<vmem>>
    %dma_start3A_176 = tpu.memref_squeeze %dma_start3A_175 : memref<1x512xi32, #tpu.memory_space<vmem>> -> memref<512xi32, #tpu.memory_space<vmem>>
    %dma_start3A_177 = tpu.memref_slice %arg21[%mul3A_2] : memref<16384xi32, #tpu.memory_space<hbm>> -> memref<512xi32, #tpu.memory_space<hbm>>
    %dma_start3A_178 = arith.constant 0 : i32
    %dma_start3A_179 = tpu.memref_slice %arg46[%dma_start3A_173, %dma_start3A_178] : memref<26x512xi32, #tpu.memory_space<vmem>> -> memref<1x512xi32, #tpu.memory_space<vmem>>
    %dma_start3A_180 = tpu.memref_squeeze %dma_start3A_179 : memref<1x512xi32, #tpu.memory_space<vmem>> -> memref<512xi32, #tpu.memory_space<vmem>>
    %dma_start3A_181 = tpu.memref_slice %arg21[%mul3A_2] : memref<16384xi32, #tpu.memory_space<hbm>> -> memref<512xi32, #tpu.memory_space<hbm>>
    tpu.enqueue_dma source(%dma_start3A_181 : memref<512xi32, #tpu.memory_space<hbm>>) target(%dma_start3A_180 : memref<512xi32, #tpu.memory_space<vmem>>) target_semaphore(%arg51 : memref<!tpu.dma_semaphore, #tpu.memory_space<semaphore_mem>>)
    %dma_start3A_182 = arith.constant 20 : i32
    %dma_start3A_183 = arith.constant 0 : i32
    %dma_start3A_184 = tpu.memref_slice %arg46[%dma_start3A_182, %dma_start3A_183] : memref<26x512xi32, #tpu.memory_space<vmem>> -> memref<1x512xi32, #tpu.memory_space<vmem>>
    %dma_start3A_185 = tpu.memref_squeeze %dma_start3A_184 : memref<1x512xi32, #tpu.memory_space<vmem>> -> memref<512xi32, #tpu.memory_space<vmem>>
    %dma_start3A_186 = tpu.memref_slice %arg22[%mul3A_2] : memref<16384xi32, #tpu.memory_space<hbm>> -> memref<512xi32, #tpu.memory_space<hbm>>
    %dma_start3A_187 = arith.constant 0 : i32
    %dma_start3A_188 = tpu.memref_slice %arg46[%dma_start3A_182, %dma_start3A_187] : memref<26x512xi32, #tpu.memory_space<vmem>> -> memref<1x512xi32, #tpu.memory_space<vmem>>
    %dma_start3A_189 = tpu.memref_squeeze %dma_start3A_188 : memref<1x512xi32, #tpu.memory_space<vmem>> -> memref<512xi32, #tpu.memory_space<vmem>>
    %dma_start3A_190 = tpu.memref_slice %arg22[%mul3A_2] : memref<16384xi32, #tpu.memory_space<hbm>> -> memref<512xi32, #tpu.memory_space<hbm>>
    tpu.enqueue_dma source(%dma_start3A_190 : memref<512xi32, #tpu.memory_space<hbm>>) target(%dma_start3A_189 : memref<512xi32, #tpu.memory_space<vmem>>) target_semaphore(%arg51 : memref<!tpu.dma_semaphore, #tpu.memory_space<semaphore_mem>>)
    %dma_start3A_191 = arith.constant 21 : i32
    %dma_start3A_192 = arith.constant 0 : i32
    %dma_start3A_193 = tpu.memref_slice %arg46[%dma_start3A_191, %dma_start3A_192] : memref<26x512xi32, #tpu.memory_space<vmem>> -> memref<1x512xi32, #tpu.memory_space<vmem>>
    %dma_start3A_194 = tpu.memref_squeeze %dma_start3A_193 : memref<1x512xi32, #tpu.memory_space<vmem>> -> memref<512xi32, #tpu.memory_space<vmem>>
    %dma_start3A_195 = tpu.memref_slice %arg23[%mul3A_2] : memref<16384xi32, #tpu.memory_space<hbm>> -> memref<512xi32, #tpu.memory_space<hbm>>
    %dma_start3A_196 = arith.constant 0 : i32
    %dma_start3A_197 = tpu.memref_slice %arg46[%dma_start3A_191, %dma_start3A_196] : memref<26x512xi32, #tpu.memory_space<vmem>> -> memref<1x512xi32, #tpu.memory_space<vmem>>
    %dma_start3A_198 = tpu.memref_squeeze %dma_start3A_197 : memref<1x512xi32, #tpu.memory_space<vmem>> -> memref<512xi32, #tpu.memory_space<vmem>>
    %dma_start3A_199 = tpu.memref_slice %arg23[%mul3A_2] : memref<16384xi32, #tpu.memory_space<hbm>> -> memref<512xi32, #tpu.memory_space<hbm>>
    tpu.enqueue_dma source(%dma_start3A_199 : memref<512xi32, #tpu.memory_space<hbm>>) target(%dma_start3A_198 : memref<512xi32, #tpu.memory_space<vmem>>) target_semaphore(%arg51 : memref<!tpu.dma_semaphore, #tpu.memory_space<semaphore_mem>>)
    %dma_start3A_200 = arith.constant 22 : i32
    %dma_start3A_201 = arith.constant 0 : i32
    %dma_start3A_202 = tpu.memref_slice %arg46[%dma_start3A_200, %dma_start3A_201] : memref<26x512xi32, #tpu.memory_space<vmem>> -> memref<1x512xi32, #tpu.memory_space<vmem>>
    %dma_start3A_203 = tpu.memref_squeeze %dma_start3A_202 : memref<1x512xi32, #tpu.memory_space<vmem>> -> memref<512xi32, #tpu.memory_space<vmem>>
    %dma_start3A_204 = tpu.memref_slice %arg24[%mul3A_2] : memref<16384xi32, #tpu.memory_space<hbm>> -> memref<512xi32, #tpu.memory_space<hbm>>
    %dma_start3A_205 = arith.constant 0 : i32
    %dma_start3A_206 = tpu.memref_slice %arg46[%dma_start3A_200, %dma_start3A_205] : memref<26x512xi32, #tpu.memory_space<vmem>> -> memref<1x512xi32, #tpu.memory_space<vmem>>
    %dma_start3A_207 = tpu.memref_squeeze %dma_start3A_206 : memref<1x512xi32, #tpu.memory_space<vmem>> -> memref<512xi32, #tpu.memory_space<vmem>>
    %dma_start3A_208 = tpu.memref_slice %arg24[%mul3A_2] : memref<16384xi32, #tpu.memory_space<hbm>> -> memref<512xi32, #tpu.memory_space<hbm>>
    tpu.enqueue_dma source(%dma_start3A_208 : memref<512xi32, #tpu.memory_space<hbm>>) target(%dma_start3A_207 : memref<512xi32, #tpu.memory_space<vmem>>) target_semaphore(%arg51 : memref<!tpu.dma_semaphore, #tpu.memory_space<semaphore_mem>>)
    %dma_start3A_209 = arith.constant 23 : i32
    %dma_start3A_210 = arith.constant 0 : i32
    %dma_start3A_211 = tpu.memref_slice %arg46[%dma_start3A_209, %dma_start3A_210] : memref<26x512xi32, #tpu.memory_space<vmem>> -> memref<1x512xi32, #tpu.memory_space<vmem>>
    %dma_start3A_212 = tpu.memref_squeeze %dma_start3A_211 : memref<1x512xi32, #tpu.memory_space<vmem>> -> memref<512xi32, #tpu.memory_space<vmem>>
    %dma_start3A_213 = tpu.memref_slice %arg25[%mul3A_2] : memref<16384xi32, #tpu.memory_space<hbm>> -> memref<512xi32, #tpu.memory_space<hbm>>
    %dma_start3A_214 = arith.constant 0 : i32
    %dma_start3A_215 = tpu.memref_slice %arg46[%dma_start3A_209, %dma_start3A_214] : memref<26x512xi32, #tpu.memory_space<vmem>> -> memref<1x512xi32, #tpu.memory_space<vmem>>
    %dma_start3A_216 = tpu.memref_squeeze %dma_start3A_215 : memref<1x512xi32, #tpu.memory_space<vmem>> -> memref<512xi32, #tpu.memory_space<vmem>>
    %dma_start3A_217 = tpu.memref_slice %arg25[%mul3A_2] : memref<16384xi32, #tpu.memory_space<hbm>> -> memref<512xi32, #tpu.memory_space<hbm>>
    tpu.enqueue_dma source(%dma_start3A_217 : memref<512xi32, #tpu.memory_space<hbm>>) target(%dma_start3A_216 : memref<512xi32, #tpu.memory_space<vmem>>) target_semaphore(%arg51 : memref<!tpu.dma_semaphore, #tpu.memory_space<semaphore_mem>>)
    %dma_start3A_218 = arith.constant 24 : i32
    %dma_start3A_219 = arith.constant 0 : i32
    %dma_start3A_220 = tpu.memref_slice %arg46[%dma_start3A_218, %dma_start3A_219] : memref<26x512xi32, #tpu.memory_space<vmem>> -> memref<1x512xi32, #tpu.memory_space<vmem>>
    %dma_start3A_221 = tpu.memref_squeeze %dma_start3A_220 : memref<1x512xi32, #tpu.memory_space<vmem>> -> memref<512xi32, #tpu.memory_space<vmem>>
    %dma_start3A_222 = tpu.memref_slice %arg26[%mul3A_2] : memref<16384xi32, #tpu.memory_space<hbm>> -> memref<512xi32, #tpu.memory_space<hbm>>
    %dma_start3A_223 = arith.constant 0 : i32
    %dma_start3A_224 = tpu.memref_slice %arg46[%dma_start3A_218, %dma_start3A_223] : memref<26x512xi32, #tpu.memory_space<vmem>> -> memref<1x512xi32, #tpu.memory_space<vmem>>
    %dma_start3A_225 = tpu.memref_squeeze %dma_start3A_224 : memref<1x512xi32, #tpu.memory_space<vmem>> -> memref<512xi32, #tpu.memory_space<vmem>>
    %dma_start3A_226 = tpu.memref_slice %arg26[%mul3A_2] : memref<16384xi32, #tpu.memory_space<hbm>> -> memref<512xi32, #tpu.memory_space<hbm>>
    tpu.enqueue_dma source(%dma_start3A_226 : memref<512xi32, #tpu.memory_space<hbm>>) target(%dma_start3A_225 : memref<512xi32, #tpu.memory_space<vmem>>) target_semaphore(%arg51 : memref<!tpu.dma_semaphore, #tpu.memory_space<semaphore_mem>>)
    %dma_start3A_227 = arith.constant 25 : i32
    %dma_start3A_228 = arith.constant 0 : i32
    %dma_start3A_229 = tpu.memref_slice %arg46[%dma_start3A_227, %dma_start3A_228] : memref<26x512xi32, #tpu.memory_space<vmem>> -> memref<1x512xi32, #tpu.memory_space<vmem>>
    %dma_start3A_230 = tpu.memref_squeeze %dma_start3A_229 : memref<1x512xi32, #tpu.memory_space<vmem>> -> memref<512xi32, #tpu.memory_space<vmem>>
    %dma_start3A_231 = tpu.memref_slice %arg27[%mul3A_2] : memref<16384xi32, #tpu.memory_space<hbm>> -> memref<512xi32, #tpu.memory_space<hbm>>
    %dma_start3A_232 = arith.constant 0 : i32
    %dma_start3A_233 = tpu.memref_slice %arg46[%dma_start3A_227, %dma_start3A_232] : memref<26x512xi32, #tpu.memory_space<vmem>> -> memref<1x512xi32, #tpu.memory_space<vmem>>
    %dma_start3A_234 = tpu.memref_squeeze %dma_start3A_233 : memref<1x512xi32, #tpu.memory_space<vmem>> -> memref<512xi32, #tpu.memory_space<vmem>>
    %dma_start3A_235 = tpu.memref_slice %arg27[%mul3A_2] : memref<16384xi32, #tpu.memory_space<hbm>> -> memref<512xi32, #tpu.memory_space<hbm>>
    tpu.enqueue_dma source(%dma_start3A_235 : memref<512xi32, #tpu.memory_space<hbm>>) target(%dma_start3A_234 : memref<512xi32, #tpu.memory_space<vmem>>) target_semaphore(%arg51 : memref<!tpu.dma_semaphore, #tpu.memory_space<semaphore_mem>>)
    %dma_wait3A = arith.constant 0 : i32
    %dma_wait3A_236 = arith.constant 0 : i32
    %dma_wait3A_237 = tpu.memref_slice %arg46[%dma_wait3A, %dma_wait3A_236] : memref<26x512xi32, #tpu.memory_space<vmem>> -> memref<1x512xi32, #tpu.memory_space<vmem>>
    %dma_wait3A_238 = tpu.memref_squeeze %dma_wait3A_237 : memref<1x512xi32, #tpu.memory_space<vmem>> -> memref<512xi32, #tpu.memory_space<vmem>>
    %dma_wait3A_239 = tpu.memref_slice %arg2[%mul3A_2] : memref<16384xi32, #tpu.memory_space<hbm>> -> memref<512xi32, #tpu.memory_space<hbm>>
    %dma_wait3A_240 = arith.constant 0 : i32
    %dma_wait3A_241 = tpu.memref_slice %arg46[%dma_wait3A, %dma_wait3A_240] : memref<26x512xi32, #tpu.memory_space<vmem>> -> memref<1x512xi32, #tpu.memory_space<vmem>>
    %dma_wait3A_242 = tpu.memref_squeeze %dma_wait3A_241 : memref<1x512xi32, #tpu.memory_space<vmem>> -> memref<512xi32, #tpu.memory_space<vmem>>
    %dma_wait3A_243 = tpu.memref_slice %arg2[%mul3A_2] : memref<16384xi32, #tpu.memory_space<hbm>> -> memref<512xi32, #tpu.memory_space<hbm>>
    tpu.wait_dma2 semaphore(%arg51 : memref<!tpu.dma_semaphore, #tpu.memory_space<semaphore_mem>>) src(%dma_wait3A_243 : memref<512xi32, #tpu.memory_space<hbm>>) dst(%dma_wait3A_242 : memref<512xi32, #tpu.memory_space<vmem>>)
    %dma_wait3A_244 = arith.constant 1 : i32
    %dma_wait3A_245 = arith.constant 0 : i32
    %dma_wait3A_246 = tpu.memref_slice %arg46[%dma_wait3A_244, %dma_wait3A_245] : memref<26x512xi32, #tpu.memory_space<vmem>> -> memref<1x512xi32, #tpu.memory_space<vmem>>
    %dma_wait3A_247 = tpu.memref_squeeze %dma_wait3A_246 : memref<1x512xi32, #tpu.memory_space<vmem>> -> memref<512xi32, #tpu.memory_space<vmem>>
    %dma_wait3A_248 = tpu.memref_slice %arg3[%mul3A_2] : memref<16384xi32, #tpu.memory_space<hbm>> -> memref<512xi32, #tpu.memory_space<hbm>>
    %dma_wait3A_249 = arith.constant 0 : i32
    %dma_wait3A_250 = tpu.memref_slice %arg46[%dma_wait3A_244, %dma_wait3A_249] : memref<26x512xi32, #tpu.memory_space<vmem>> -> memref<1x512xi32, #tpu.memory_space<vmem>>
    %dma_wait3A_251 = tpu.memref_squeeze %dma_wait3A_250 : memref<1x512xi32, #tpu.memory_space<vmem>> -> memref<512xi32, #tpu.memory_space<vmem>>
    %dma_wait3A_252 = tpu.memref_slice %arg3[%mul3A_2] : memref<16384xi32, #tpu.memory_space<hbm>> -> memref<512xi32, #tpu.memory_space<hbm>>
    tpu.wait_dma2 semaphore(%arg51 : memref<!tpu.dma_semaphore, #tpu.memory_space<semaphore_mem>>) src(%dma_wait3A_252 : memref<512xi32, #tpu.memory_space<hbm>>) dst(%dma_wait3A_251 : memref<512xi32, #tpu.memory_space<vmem>>)
    %dma_wait3A_253 = arith.constant 2 : i32
    %dma_wait3A_254 = arith.constant 0 : i32
    %dma_wait3A_255 = tpu.memref_slice %arg46[%dma_wait3A_253, %dma_wait3A_254] : memref<26x512xi32, #tpu.memory_space<vmem>> -> memref<1x512xi32, #tpu.memory_space<vmem>>
    %dma_wait3A_256 = tpu.memref_squeeze %dma_wait3A_255 : memref<1x512xi32, #tpu.memory_space<vmem>> -> memref<512xi32, #tpu.memory_space<vmem>>
    %dma_wait3A_257 = tpu.memref_slice %arg4[%mul3A_2] : memref<16384xi32, #tpu.memory_space<hbm>> -> memref<512xi32, #tpu.memory_space<hbm>>
    %dma_wait3A_258 = arith.constant 0 : i32
    %dma_wait3A_259 = tpu.memref_slice %arg46[%dma_wait3A_253, %dma_wait3A_258] : memref<26x512xi32, #tpu.memory_space<vmem>> -> memref<1x512xi32, #tpu.memory_space<vmem>>
    %dma_wait3A_260 = tpu.memref_squeeze %dma_wait3A_259 : memref<1x512xi32, #tpu.memory_space<vmem>> -> memref<512xi32, #tpu.memory_space<vmem>>
    %dma_wait3A_261 = tpu.memref_slice %arg4[%mul3A_2] : memref<16384xi32, #tpu.memory_space<hbm>> -> memref<512xi32, #tpu.memory_space<hbm>>
    tpu.wait_dma2 semaphore(%arg51 : memref<!tpu.dma_semaphore, #tpu.memory_space<semaphore_mem>>) src(%dma_wait3A_261 : memref<512xi32, #tpu.memory_space<hbm>>) dst(%dma_wait3A_260 : memref<512xi32, #tpu.memory_space<vmem>>)
    %dma_wait3A_262 = arith.constant 3 : i32
    %dma_wait3A_263 = arith.constant 0 : i32
    %dma_wait3A_264 = tpu.memref_slice %arg46[%dma_wait3A_262, %dma_wait3A_263] : memref<26x512xi32, #tpu.memory_space<vmem>> -> memref<1x512xi32, #tpu.memory_space<vmem>>
    %dma_wait3A_265 = tpu.memref_squeeze %dma_wait3A_264 : memref<1x512xi32, #tpu.memory_space<vmem>> -> memref<512xi32, #tpu.memory_space<vmem>>
    %dma_wait3A_266 = tpu.memref_slice %arg5[%mul3A_2] : memref<16384xi32, #tpu.memory_space<hbm>> -> memref<512xi32, #tpu.memory_space<hbm>>
    %dma_wait3A_267 = arith.constant 0 : i32
    %dma_wait3A_268 = tpu.memref_slice %arg46[%dma_wait3A_262, %dma_wait3A_267] : memref<26x512xi32, #tpu.memory_space<vmem>> -> memref<1x512xi32, #tpu.memory_space<vmem>>
    %dma_wait3A_269 = tpu.memref_squeeze %dma_wait3A_268 : memref<1x512xi32, #tpu.memory_space<vmem>> -> memref<512xi32, #tpu.memory_space<vmem>>
    %dma_wait3A_270 = tpu.memref_slice %arg5[%mul3A_2] : memref<16384xi32, #tpu.memory_space<hbm>> -> memref<512xi32, #tpu.memory_space<hbm>>
    tpu.wait_dma2 semaphore(%arg51 : memref<!tpu.dma_semaphore, #tpu.memory_space<semaphore_mem>>) src(%dma_wait3A_270 : memref<512xi32, #tpu.memory_space<hbm>>) dst(%dma_wait3A_269 : memref<512xi32, #tpu.memory_space<vmem>>)
    %dma_wait3A_271 = arith.constant 4 : i32
    %dma_wait3A_272 = arith.constant 0 : i32
    %dma_wait3A_273 = tpu.memref_slice %arg46[%dma_wait3A_271, %dma_wait3A_272] : memref<26x512xi32, #tpu.memory_space<vmem>> -> memref<1x512xi32, #tpu.memory_space<vmem>>
    %dma_wait3A_274 = tpu.memref_squeeze %dma_wait3A_273 : memref<1x512xi32, #tpu.memory_space<vmem>> -> memref<512xi32, #tpu.memory_space<vmem>>
    %dma_wait3A_275 = tpu.memref_slice %arg6[%mul3A_2] : memref<16384xi32, #tpu.memory_space<hbm>> -> memref<512xi32, #tpu.memory_space<hbm>>
    %dma_wait3A_276 = arith.constant 0 : i32
    %dma_wait3A_277 = tpu.memref_slice %arg46[%dma_wait3A_271, %dma_wait3A_276] : memref<26x512xi32, #tpu.memory_space<vmem>> -> memref<1x512xi32, #tpu.memory_space<vmem>>
    %dma_wait3A_278 = tpu.memref_squeeze %dma_wait3A_277 : memref<1x512xi32, #tpu.memory_space<vmem>> -> memref<512xi32, #tpu.memory_space<vmem>>
    %dma_wait3A_279 = tpu.memref_slice %arg6[%mul3A_2] : memref<16384xi32, #tpu.memory_space<hbm>> -> memref<512xi32, #tpu.memory_space<hbm>>
    tpu.wait_dma2 semaphore(%arg51 : memref<!tpu.dma_semaphore, #tpu.memory_space<semaphore_mem>>) src(%dma_wait3A_279 : memref<512xi32, #tpu.memory_space<hbm>>) dst(%dma_wait3A_278 : memref<512xi32, #tpu.memory_space<vmem>>)
    %dma_wait3A_280 = arith.constant 5 : i32
    %dma_wait3A_281 = arith.constant 0 : i32
    %dma_wait3A_282 = tpu.memref_slice %arg46[%dma_wait3A_280, %dma_wait3A_281] : memref<26x512xi32, #tpu.memory_space<vmem>> -> memref<1x512xi32, #tpu.memory_space<vmem>>
    %dma_wait3A_283 = tpu.memref_squeeze %dma_wait3A_282 : memref<1x512xi32, #tpu.memory_space<vmem>> -> memref<512xi32, #tpu.memory_space<vmem>>
    %dma_wait3A_284 = tpu.memref_slice %arg7[%mul3A_2] : memref<16384xi32, #tpu.memory_space<hbm>> -> memref<512xi32, #tpu.memory_space<hbm>>
    %dma_wait3A_285 = arith.constant 0 : i32
    %dma_wait3A_286 = tpu.memref_slice %arg46[%dma_wait3A_280, %dma_wait3A_285] : memref<26x512xi32, #tpu.memory_space<vmem>> -> memref<1x512xi32, #tpu.memory_space<vmem>>
    %dma_wait3A_287 = tpu.memref_squeeze %dma_wait3A_286 : memref<1x512xi32, #tpu.memory_space<vmem>> -> memref<512xi32, #tpu.memory_space<vmem>>
    %dma_wait3A_288 = tpu.memref_slice %arg7[%mul3A_2] : memref<16384xi32, #tpu.memory_space<hbm>> -> memref<512xi32, #tpu.memory_space<hbm>>
    tpu.wait_dma2 semaphore(%arg51 : memref<!tpu.dma_semaphore, #tpu.memory_space<semaphore_mem>>) src(%dma_wait3A_288 : memref<512xi32, #tpu.memory_space<hbm>>) dst(%dma_wait3A_287 : memref<512xi32, #tpu.memory_space<vmem>>)
    %dma_wait3A_289 = arith.constant 6 : i32
    %dma_wait3A_290 = arith.constant 0 : i32
    %dma_wait3A_291 = tpu.memref_slice %arg46[%dma_wait3A_289, %dma_wait3A_290] : memref<26x512xi32, #tpu.memory_space<vmem>> -> memref<1x512xi32, #tpu.memory_space<vmem>>
    %dma_wait3A_292 = tpu.memref_squeeze %dma_wait3A_291 : memref<1x512xi32, #tpu.memory_space<vmem>> -> memref<512xi32, #tpu.memory_space<vmem>>
    %dma_wait3A_293 = tpu.memref_slice %arg8[%mul3A_2] : memref<16384xi32, #tpu.memory_space<hbm>> -> memref<512xi32, #tpu.memory_space<hbm>>
    %dma_wait3A_294 = arith.constant 0 : i32
    %dma_wait3A_295 = tpu.memref_slice %arg46[%dma_wait3A_289, %dma_wait3A_294] : memref<26x512xi32, #tpu.memory_space<vmem>> -> memref<1x512xi32, #tpu.memory_space<vmem>>
    %dma_wait3A_296 = tpu.memref_squeeze %dma_wait3A_295 : memref<1x512xi32, #tpu.memory_space<vmem>> -> memref<512xi32, #tpu.memory_space<vmem>>
    %dma_wait3A_297 = tpu.memref_slice %arg8[%mul3A_2] : memref<16384xi32, #tpu.memory_space<hbm>> -> memref<512xi32, #tpu.memory_space<hbm>>
    tpu.wait_dma2 semaphore(%arg51 : memref<!tpu.dma_semaphore, #tpu.memory_space<semaphore_mem>>) src(%dma_wait3A_297 : memref<512xi32, #tpu.memory_space<hbm>>) dst(%dma_wait3A_296 : memref<512xi32, #tpu.memory_space<vmem>>)
    %dma_wait3A_298 = arith.constant 7 : i32
    %dma_wait3A_299 = arith.constant 0 : i32
    %dma_wait3A_300 = tpu.memref_slice %arg46[%dma_wait3A_298, %dma_wait3A_299] : memref<26x512xi32, #tpu.memory_space<vmem>> -> memref<1x512xi32, #tpu.memory_space<vmem>>
    %dma_wait3A_301 = tpu.memref_squeeze %dma_wait3A_300 : memref<1x512xi32, #tpu.memory_space<vmem>> -> memref<512xi32, #tpu.memory_space<vmem>>
    %dma_wait3A_302 = tpu.memref_slice %arg9[%mul3A_2] : memref<16384xi32, #tpu.memory_space<hbm>> -> memref<512xi32, #tpu.memory_space<hbm>>
    %dma_wait3A_303 = arith.constant 0 : i32
    %dma_wait3A_304 = tpu.memref_slice %arg46[%dma_wait3A_298, %dma_wait3A_303] : memref<26x512xi32, #tpu.memory_space<vmem>> -> memref<1x512xi32, #tpu.memory_space<vmem>>
    %dma_wait3A_305 = tpu.memref_squeeze %dma_wait3A_304 : memref<1x512xi32, #tpu.memory_space<vmem>> -> memref<512xi32, #tpu.memory_space<vmem>>
    %dma_wait3A_306 = tpu.memref_slice %arg9[%mul3A_2] : memref<16384xi32, #tpu.memory_space<hbm>> -> memref<512xi32, #tpu.memory_space<hbm>>
    tpu.wait_dma2 semaphore(%arg51 : memref<!tpu.dma_semaphore, #tpu.memory_space<semaphore_mem>>) src(%dma_wait3A_306 : memref<512xi32, #tpu.memory_space<hbm>>) dst(%dma_wait3A_305 : memref<512xi32, #tpu.memory_space<vmem>>)
    %dma_wait3A_307 = arith.constant 8 : i32
    %dma_wait3A_308 = arith.constant 0 : i32
    %dma_wait3A_309 = tpu.memref_slice %arg46[%dma_wait3A_307, %dma_wait3A_308] : memref<26x512xi32, #tpu.memory_space<vmem>> -> memref<1x512xi32, #tpu.memory_space<vmem>>
    %dma_wait3A_310 = tpu.memref_squeeze %dma_wait3A_309 : memref<1x512xi32, #tpu.memory_space<vmem>> -> memref<512xi32, #tpu.memory_space<vmem>>
    %dma_wait3A_311 = tpu.memref_slice %arg10[%mul3A_2] : memref<16384xi32, #tpu.memory_space<hbm>> -> memref<512xi32, #tpu.memory_space<hbm>>
    %dma_wait3A_312 = arith.constant 0 : i32
    %dma_wait3A_313 = tpu.memref_slice %arg46[%dma_wait3A_307, %dma_wait3A_312] : memref<26x512xi32, #tpu.memory_space<vmem>> -> memref<1x512xi32, #tpu.memory_space<vmem>>
    %dma_wait3A_314 = tpu.memref_squeeze %dma_wait3A_313 : memref<1x512xi32, #tpu.memory_space<vmem>> -> memref<512xi32, #tpu.memory_space<vmem>>
    %dma_wait3A_315 = tpu.memref_slice %arg10[%mul3A_2] : memref<16384xi32, #tpu.memory_space<hbm>> -> memref<512xi32, #tpu.memory_space<hbm>>
    tpu.wait_dma2 semaphore(%arg51 : memref<!tpu.dma_semaphore, #tpu.memory_space<semaphore_mem>>) src(%dma_wait3A_315 : memref<512xi32, #tpu.memory_space<hbm>>) dst(%dma_wait3A_314 : memref<512xi32, #tpu.memory_space<vmem>>)
    %dma_wait3A_316 = arith.constant 9 : i32
    %dma_wait3A_317 = arith.constant 0 : i32
    %dma_wait3A_318 = tpu.memref_slice %arg46[%dma_wait3A_316, %dma_wait3A_317] : memref<26x512xi32, #tpu.memory_space<vmem>> -> memref<1x512xi32, #tpu.memory_space<vmem>>
    %dma_wait3A_319 = tpu.memref_squeeze %dma_wait3A_318 : memref<1x512xi32, #tpu.memory_space<vmem>> -> memref<512xi32, #tpu.memory_space<vmem>>
    %dma_wait3A_320 = tpu.memref_slice %arg11[%mul3A_2] : memref<16384xi32, #tpu.memory_space<hbm>> -> memref<512xi32, #tpu.memory_space<hbm>>
    %dma_wait3A_321 = arith.constant 0 : i32
    %dma_wait3A_322 = tpu.memref_slice %arg46[%dma_wait3A_316, %dma_wait3A_321] : memref<26x512xi32, #tpu.memory_space<vmem>> -> memref<1x512xi32, #tpu.memory_space<vmem>>
    %dma_wait3A_323 = tpu.memref_squeeze %dma_wait3A_322 : memref<1x512xi32, #tpu.memory_space<vmem>> -> memref<512xi32, #tpu.memory_space<vmem>>
    %dma_wait3A_324 = tpu.memref_slice %arg11[%mul3A_2] : memref<16384xi32, #tpu.memory_space<hbm>> -> memref<512xi32, #tpu.memory_space<hbm>>
    tpu.wait_dma2 semaphore(%arg51 : memref<!tpu.dma_semaphore, #tpu.memory_space<semaphore_mem>>) src(%dma_wait3A_324 : memref<512xi32, #tpu.memory_space<hbm>>) dst(%dma_wait3A_323 : memref<512xi32, #tpu.memory_space<vmem>>)
    %dma_wait3A_325 = arith.constant 10 : i32
    %dma_wait3A_326 = arith.constant 0 : i32
    %dma_wait3A_327 = tpu.memref_slice %arg46[%dma_wait3A_325, %dma_wait3A_326] : memref<26x512xi32, #tpu.memory_space<vmem>> -> memref<1x512xi32, #tpu.memory_space<vmem>>
    %dma_wait3A_328 = tpu.memref_squeeze %dma_wait3A_327 : memref<1x512xi32, #tpu.memory_space<vmem>> -> memref<512xi32, #tpu.memory_space<vmem>>
    %dma_wait3A_329 = tpu.memref_slice %arg12[%mul3A_2] : memref<16384xi32, #tpu.memory_space<hbm>> -> memref<512xi32, #tpu.memory_space<hbm>>
    %dma_wait3A_330 = arith.constant 0 : i32
    %dma_wait3A_331 = tpu.memref_slice %arg46[%dma_wait3A_325, %dma_wait3A_330] : memref<26x512xi32, #tpu.memory_space<vmem>> -> memref<1x512xi32, #tpu.memory_space<vmem>>
    %dma_wait3A_332 = tpu.memref_squeeze %dma_wait3A_331 : memref<1x512xi32, #tpu.memory_space<vmem>> -> memref<512xi32, #tpu.memory_space<vmem>>
    %dma_wait3A_333 = tpu.memref_slice %arg12[%mul3A_2] : memref<16384xi32, #tpu.memory_space<hbm>> -> memref<512xi32, #tpu.memory_space<hbm>>
    tpu.wait_dma2 semaphore(%arg51 : memref<!tpu.dma_semaphore, #tpu.memory_space<semaphore_mem>>) src(%dma_wait3A_333 : memref<512xi32, #tpu.memory_space<hbm>>) dst(%dma_wait3A_332 : memref<512xi32, #tpu.memory_space<vmem>>)
    %dma_wait3A_334 = arith.constant 11 : i32
    %dma_wait3A_335 = arith.constant 0 : i32
    %dma_wait3A_336 = tpu.memref_slice %arg46[%dma_wait3A_334, %dma_wait3A_335] : memref<26x512xi32, #tpu.memory_space<vmem>> -> memref<1x512xi32, #tpu.memory_space<vmem>>
    %dma_wait3A_337 = tpu.memref_squeeze %dma_wait3A_336 : memref<1x512xi32, #tpu.memory_space<vmem>> -> memref<512xi32, #tpu.memory_space<vmem>>
    %dma_wait3A_338 = tpu.memref_slice %arg13[%mul3A_2] : memref<16384xi32, #tpu.memory_space<hbm>> -> memref<512xi32, #tpu.memory_space<hbm>>
    %dma_wait3A_339 = arith.constant 0 : i32
    %dma_wait3A_340 = tpu.memref_slice %arg46[%dma_wait3A_334, %dma_wait3A_339] : memref<26x512xi32, #tpu.memory_space<vmem>> -> memref<1x512xi32, #tpu.memory_space<vmem>>
    %dma_wait3A_341 = tpu.memref_squeeze %dma_wait3A_340 : memref<1x512xi32, #tpu.memory_space<vmem>> -> memref<512xi32, #tpu.memory_space<vmem>>
    %dma_wait3A_342 = tpu.memref_slice %arg13[%mul3A_2] : memref<16384xi32, #tpu.memory_space<hbm>> -> memref<512xi32, #tpu.memory_space<hbm>>
    tpu.wait_dma2 semaphore(%arg51 : memref<!tpu.dma_semaphore, #tpu.memory_space<semaphore_mem>>) src(%dma_wait3A_342 : memref<512xi32, #tpu.memory_space<hbm>>) dst(%dma_wait3A_341 : memref<512xi32, #tpu.memory_space<vmem>>)
    %dma_wait3A_343 = arith.constant 12 : i32
    %dma_wait3A_344 = arith.constant 0 : i32
    %dma_wait3A_345 = tpu.memref_slice %arg46[%dma_wait3A_343, %dma_wait3A_344] : memref<26x512xi32, #tpu.memory_space<vmem>> -> memref<1x512xi32, #tpu.memory_space<vmem>>
    %dma_wait3A_346 = tpu.memref_squeeze %dma_wait3A_345 : memref<1x512xi32, #tpu.memory_space<vmem>> -> memref<512xi32, #tpu.memory_space<vmem>>
    %dma_wait3A_347 = tpu.memref_slice %arg14[%mul3A_2] : memref<16384xi32, #tpu.memory_space<hbm>> -> memref<512xi32, #tpu.memory_space<hbm>>
    %dma_wait3A_348 = arith.constant 0 : i32
    %dma_wait3A_349 = tpu.memref_slice %arg46[%dma_wait3A_343, %dma_wait3A_348] : memref<26x512xi32, #tpu.memory_space<vmem>> -> memref<1x512xi32, #tpu.memory_space<vmem>>
    %dma_wait3A_350 = tpu.memref_squeeze %dma_wait3A_349 : memref<1x512xi32, #tpu.memory_space<vmem>> -> memref<512xi32, #tpu.memory_space<vmem>>
    %dma_wait3A_351 = tpu.memref_slice %arg14[%mul3A_2] : memref<16384xi32, #tpu.memory_space<hbm>> -> memref<512xi32, #tpu.memory_space<hbm>>
    tpu.wait_dma2 semaphore(%arg51 : memref<!tpu.dma_semaphore, #tpu.memory_space<semaphore_mem>>) src(%dma_wait3A_351 : memref<512xi32, #tpu.memory_space<hbm>>) dst(%dma_wait3A_350 : memref<512xi32, #tpu.memory_space<vmem>>)
    %dma_wait3A_352 = arith.constant 13 : i32
    %dma_wait3A_353 = arith.constant 0 : i32
    %dma_wait3A_354 = tpu.memref_slice %arg46[%dma_wait3A_352, %dma_wait3A_353] : memref<26x512xi32, #tpu.memory_space<vmem>> -> memref<1x512xi32, #tpu.memory_space<vmem>>
    %dma_wait3A_355 = tpu.memref_squeeze %dma_wait3A_354 : memref<1x512xi32, #tpu.memory_space<vmem>> -> memref<512xi32, #tpu.memory_space<vmem>>
    %dma_wait3A_356 = tpu.memref_slice %arg15[%mul3A_2] : memref<16384xi32, #tpu.memory_space<hbm>> -> memref<512xi32, #tpu.memory_space<hbm>>
    %dma_wait3A_357 = arith.constant 0 : i32
    %dma_wait3A_358 = tpu.memref_slice %arg46[%dma_wait3A_352, %dma_wait3A_357] : memref<26x512xi32, #tpu.memory_space<vmem>> -> memref<1x512xi32, #tpu.memory_space<vmem>>
    %dma_wait3A_359 = tpu.memref_squeeze %dma_wait3A_358 : memref<1x512xi32, #tpu.memory_space<vmem>> -> memref<512xi32, #tpu.memory_space<vmem>>
    %dma_wait3A_360 = tpu.memref_slice %arg15[%mul3A_2] : memref<16384xi32, #tpu.memory_space<hbm>> -> memref<512xi32, #tpu.memory_space<hbm>>
    tpu.wait_dma2 semaphore(%arg51 : memref<!tpu.dma_semaphore, #tpu.memory_space<semaphore_mem>>) src(%dma_wait3A_360 : memref<512xi32, #tpu.memory_space<hbm>>) dst(%dma_wait3A_359 : memref<512xi32, #tpu.memory_space<vmem>>)
    %dma_wait3A_361 = arith.constant 14 : i32
    %dma_wait3A_362 = arith.constant 0 : i32
    %dma_wait3A_363 = tpu.memref_slice %arg46[%dma_wait3A_361, %dma_wait3A_362] : memref<26x512xi32, #tpu.memory_space<vmem>> -> memref<1x512xi32, #tpu.memory_space<vmem>>
    %dma_wait3A_364 = tpu.memref_squeeze %dma_wait3A_363 : memref<1x512xi32, #tpu.memory_space<vmem>> -> memref<512xi32, #tpu.memory_space<vmem>>
    %dma_wait3A_365 = tpu.memref_slice %arg16[%mul3A_2] : memref<16384xi32, #tpu.memory_space<hbm>> -> memref<512xi32, #tpu.memory_space<hbm>>
    %dma_wait3A_366 = arith.constant 0 : i32
    %dma_wait3A_367 = tpu.memref_slice %arg46[%dma_wait3A_361, %dma_wait3A_366] : memref<26x512xi32, #tpu.memory_space<vmem>> -> memref<1x512xi32, #tpu.memory_space<vmem>>
    %dma_wait3A_368 = tpu.memref_squeeze %dma_wait3A_367 : memref<1x512xi32, #tpu.memory_space<vmem>> -> memref<512xi32, #tpu.memory_space<vmem>>
    %dma_wait3A_369 = tpu.memref_slice %arg16[%mul3A_2] : memref<16384xi32, #tpu.memory_space<hbm>> -> memref<512xi32, #tpu.memory_space<hbm>>
    tpu.wait_dma2 semaphore(%arg51 : memref<!tpu.dma_semaphore, #tpu.memory_space<semaphore_mem>>) src(%dma_wait3A_369 : memref<512xi32, #tpu.memory_space<hbm>>) dst(%dma_wait3A_368 : memref<512xi32, #tpu.memory_space<vmem>>)
    %dma_wait3A_370 = arith.constant 15 : i32
    %dma_wait3A_371 = arith.constant 0 : i32
    %dma_wait3A_372 = tpu.memref_slice %arg46[%dma_wait3A_370, %dma_wait3A_371] : memref<26x512xi32, #tpu.memory_space<vmem>> -> memref<1x512xi32, #tpu.memory_space<vmem>>
    %dma_wait3A_373 = tpu.memref_squeeze %dma_wait3A_372 : memref<1x512xi32, #tpu.memory_space<vmem>> -> memref<512xi32, #tpu.memory_space<vmem>>
    %dma_wait3A_374 = tpu.memref_slice %arg17[%mul3A_2] : memref<16384xi32, #tpu.memory_space<hbm>> -> memref<512xi32, #tpu.memory_space<hbm>>
    %dma_wait3A_375 = arith.constant 0 : i32
    %dma_wait3A_376 = tpu.memref_slice %arg46[%dma_wait3A_370, %dma_wait3A_375] : memref<26x512xi32, #tpu.memory_space<vmem>> -> memref<1x512xi32, #tpu.memory_space<vmem>>
    %dma_wait3A_377 = tpu.memref_squeeze %dma_wait3A_376 : memref<1x512xi32, #tpu.memory_space<vmem>> -> memref<512xi32, #tpu.memory_space<vmem>>
    %dma_wait3A_378 = tpu.memref_slice %arg17[%mul3A_2] : memref<16384xi32, #tpu.memory_space<hbm>> -> memref<512xi32, #tpu.memory_space<hbm>>
    tpu.wait_dma2 semaphore(%arg51 : memref<!tpu.dma_semaphore, #tpu.memory_space<semaphore_mem>>) src(%dma_wait3A_378 : memref<512xi32, #tpu.memory_space<hbm>>) dst(%dma_wait3A_377 : memref<512xi32, #tpu.memory_space<vmem>>)
    %dma_wait3A_379 = arith.constant 16 : i32
    %dma_wait3A_380 = arith.constant 0 : i32
    %dma_wait3A_381 = tpu.memref_slice %arg46[%dma_wait3A_379, %dma_wait3A_380] : memref<26x512xi32, #tpu.memory_space<vmem>> -> memref<1x512xi32, #tpu.memory_space<vmem>>
    %dma_wait3A_382 = tpu.memref_squeeze %dma_wait3A_381 : memref<1x512xi32, #tpu.memory_space<vmem>> -> memref<512xi32, #tpu.memory_space<vmem>>
    %dma_wait3A_383 = tpu.memref_slice %arg18[%mul3A_2] : memref<16384xi32, #tpu.memory_space<hbm>> -> memref<512xi32, #tpu.memory_space<hbm>>
    %dma_wait3A_384 = arith.constant 0 : i32
    %dma_wait3A_385 = tpu.memref_slice %arg46[%dma_wait3A_379, %dma_wait3A_384] : memref<26x512xi32, #tpu.memory_space<vmem>> -> memref<1x512xi32, #tpu.memory_space<vmem>>
    %dma_wait3A_386 = tpu.memref_squeeze %dma_wait3A_385 : memref<1x512xi32, #tpu.memory_space<vmem>> -> memref<512xi32, #tpu.memory_space<vmem>>
    %dma_wait3A_387 = tpu.memref_slice %arg18[%mul3A_2] : memref<16384xi32, #tpu.memory_space<hbm>> -> memref<512xi32, #tpu.memory_space<hbm>>
    tpu.wait_dma2 semaphore(%arg51 : memref<!tpu.dma_semaphore, #tpu.memory_space<semaphore_mem>>) src(%dma_wait3A_387 : memref<512xi32, #tpu.memory_space<hbm>>) dst(%dma_wait3A_386 : memref<512xi32, #tpu.memory_space<vmem>>)
    %dma_wait3A_388 = arith.constant 17 : i32
    %dma_wait3A_389 = arith.constant 0 : i32
    %dma_wait3A_390 = tpu.memref_slice %arg46[%dma_wait3A_388, %dma_wait3A_389] : memref<26x512xi32, #tpu.memory_space<vmem>> -> memref<1x512xi32, #tpu.memory_space<vmem>>
    %dma_wait3A_391 = tpu.memref_squeeze %dma_wait3A_390 : memref<1x512xi32, #tpu.memory_space<vmem>> -> memref<512xi32, #tpu.memory_space<vmem>>
    %dma_wait3A_392 = tpu.memref_slice %arg19[%mul3A_2] : memref<16384xi32, #tpu.memory_space<hbm>> -> memref<512xi32, #tpu.memory_space<hbm>>
    %dma_wait3A_393 = arith.constant 0 : i32
    %dma_wait3A_394 = tpu.memref_slice %arg46[%dma_wait3A_388, %dma_wait3A_393] : memref<26x512xi32, #tpu.memory_space<vmem>> -> memref<1x512xi32, #tpu.memory_space<vmem>>
    %dma_wait3A_395 = tpu.memref_squeeze %dma_wait3A_394 : memref<1x512xi32, #tpu.memory_space<vmem>> -> memref<512xi32, #tpu.memory_space<vmem>>
    %dma_wait3A_396 = tpu.memref_slice %arg19[%mul3A_2] : memref<16384xi32, #tpu.memory_space<hbm>> -> memref<512xi32, #tpu.memory_space<hbm>>
    tpu.wait_dma2 semaphore(%arg51 : memref<!tpu.dma_semaphore, #tpu.memory_space<semaphore_mem>>) src(%dma_wait3A_396 : memref<512xi32, #tpu.memory_space<hbm>>) dst(%dma_wait3A_395 : memref<512xi32, #tpu.memory_space<vmem>>)
    %dma_wait3A_397 = arith.constant 18 : i32
    %dma_wait3A_398 = arith.constant 0 : i32
    %dma_wait3A_399 = tpu.memref_slice %arg46[%dma_wait3A_397, %dma_wait3A_398] : memref<26x512xi32, #tpu.memory_space<vmem>> -> memref<1x512xi32, #tpu.memory_space<vmem>>
    %dma_wait3A_400 = tpu.memref_squeeze %dma_wait3A_399 : memref<1x512xi32, #tpu.memory_space<vmem>> -> memref<512xi32, #tpu.memory_space<vmem>>
    %dma_wait3A_401 = tpu.memref_slice %arg20[%mul3A_2] : memref<16384xi32, #tpu.memory_space<hbm>> -> memref<512xi32, #tpu.memory_space<hbm>>
    %dma_wait3A_402 = arith.constant 0 : i32
    %dma_wait3A_403 = tpu.memref_slice %arg46[%dma_wait3A_397, %dma_wait3A_402] : memref<26x512xi32, #tpu.memory_space<vmem>> -> memref<1x512xi32, #tpu.memory_space<vmem>>
    %dma_wait3A_404 = tpu.memref_squeeze %dma_wait3A_403 : memref<1x512xi32, #tpu.memory_space<vmem>> -> memref<512xi32, #tpu.memory_space<vmem>>
    %dma_wait3A_405 = tpu.memref_slice %arg20[%mul3A_2] : memref<16384xi32, #tpu.memory_space<hbm>> -> memref<512xi32, #tpu.memory_space<hbm>>
    tpu.wait_dma2 semaphore(%arg51 : memref<!tpu.dma_semaphore, #tpu.memory_space<semaphore_mem>>) src(%dma_wait3A_405 : memref<512xi32, #tpu.memory_space<hbm>>) dst(%dma_wait3A_404 : memref<512xi32, #tpu.memory_space<vmem>>)
    %dma_wait3A_406 = arith.constant 19 : i32
    %dma_wait3A_407 = arith.constant 0 : i32
    %dma_wait3A_408 = tpu.memref_slice %arg46[%dma_wait3A_406, %dma_wait3A_407] : memref<26x512xi32, #tpu.memory_space<vmem>> -> memref<1x512xi32, #tpu.memory_space<vmem>>
    %dma_wait3A_409 = tpu.memref_squeeze %dma_wait3A_408 : memref<1x512xi32, #tpu.memory_space<vmem>> -> memref<512xi32, #tpu.memory_space<vmem>>
    %dma_wait3A_410 = tpu.memref_slice %arg21[%mul3A_2] : memref<16384xi32, #tpu.memory_space<hbm>> -> memref<512xi32, #tpu.memory_space<hbm>>
    %dma_wait3A_411 = arith.constant 0 : i32
    %dma_wait3A_412 = tpu.memref_slice %arg46[%dma_wait3A_406, %dma_wait3A_411] : memref<26x512xi32, #tpu.memory_space<vmem>> -> memref<1x512xi32, #tpu.memory_space<vmem>>
    %dma_wait3A_413 = tpu.memref_squeeze %dma_wait3A_412 : memref<1x512xi32, #tpu.memory_space<vmem>> -> memref<512xi32, #tpu.memory_space<vmem>>
    %dma_wait3A_414 = tpu.memref_slice %arg21[%mul3A_2] : memref<16384xi32, #tpu.memory_space<hbm>> -> memref<512xi32, #tpu.memory_space<hbm>>
    tpu.wait_dma2 semaphore(%arg51 : memref<!tpu.dma_semaphore, #tpu.memory_space<semaphore_mem>>) src(%dma_wait3A_414 : memref<512xi32, #tpu.memory_space<hbm>>) dst(%dma_wait3A_413 : memref<512xi32, #tpu.memory_space<vmem>>)
    %dma_wait3A_415 = arith.constant 20 : i32
    %dma_wait3A_416 = arith.constant 0 : i32
    %dma_wait3A_417 = tpu.memref_slice %arg46[%dma_wait3A_415, %dma_wait3A_416] : memref<26x512xi32, #tpu.memory_space<vmem>> -> memref<1x512xi32, #tpu.memory_space<vmem>>
    %dma_wait3A_418 = tpu.memref_squeeze %dma_wait3A_417 : memref<1x512xi32, #tpu.memory_space<vmem>> -> memref<512xi32, #tpu.memory_space<vmem>>
    %dma_wait3A_419 = tpu.memref_slice %arg22[%mul3A_2] : memref<16384xi32, #tpu.memory_space<hbm>> -> memref<512xi32, #tpu.memory_space<hbm>>
    %dma_wait3A_420 = arith.constant 0 : i32
    %dma_wait3A_421 = tpu.memref_slice %arg46[%dma_wait3A_415, %dma_wait3A_420] : memref<26x512xi32, #tpu.memory_space<vmem>> -> memref<1x512xi32, #tpu.memory_space<vmem>>
    %dma_wait3A_422 = tpu.memref_squeeze %dma_wait3A_421 : memref<1x512xi32, #tpu.memory_space<vmem>> -> memref<512xi32, #tpu.memory_space<vmem>>
    %dma_wait3A_423 = tpu.memref_slice %arg22[%mul3A_2] : memref<16384xi32, #tpu.memory_space<hbm>> -> memref<512xi32, #tpu.memory_space<hbm>>
    tpu.wait_dma2 semaphore(%arg51 : memref<!tpu.dma_semaphore, #tpu.memory_space<semaphore_mem>>) src(%dma_wait3A_423 : memref<512xi32, #tpu.memory_space<hbm>>) dst(%dma_wait3A_422 : memref<512xi32, #tpu.memory_space<vmem>>)
    %dma_wait3A_424 = arith.constant 21 : i32
    %dma_wait3A_425 = arith.constant 0 : i32
    %dma_wait3A_426 = tpu.memref_slice %arg46[%dma_wait3A_424, %dma_wait3A_425] : memref<26x512xi32, #tpu.memory_space<vmem>> -> memref<1x512xi32, #tpu.memory_space<vmem>>
    %dma_wait3A_427 = tpu.memref_squeeze %dma_wait3A_426 : memref<1x512xi32, #tpu.memory_space<vmem>> -> memref<512xi32, #tpu.memory_space<vmem>>
    %dma_wait3A_428 = tpu.memref_slice %arg23[%mul3A_2] : memref<16384xi32, #tpu.memory_space<hbm>> -> memref<512xi32, #tpu.memory_space<hbm>>
    %dma_wait3A_429 = arith.constant 0 : i32
    %dma_wait3A_430 = tpu.memref_slice %arg46[%dma_wait3A_424, %dma_wait3A_429] : memref<26x512xi32, #tpu.memory_space<vmem>> -> memref<1x512xi32, #tpu.memory_space<vmem>>
    %dma_wait3A_431 = tpu.memref_squeeze %dma_wait3A_430 : memref<1x512xi32, #tpu.memory_space<vmem>> -> memref<512xi32, #tpu.memory_space<vmem>>
    %dma_wait3A_432 = tpu.memref_slice %arg23[%mul3A_2] : memref<16384xi32, #tpu.memory_space<hbm>> -> memref<512xi32, #tpu.memory_space<hbm>>
    tpu.wait_dma2 semaphore(%arg51 : memref<!tpu.dma_semaphore, #tpu.memory_space<semaphore_mem>>) src(%dma_wait3A_432 : memref<512xi32, #tpu.memory_space<hbm>>) dst(%dma_wait3A_431 : memref<512xi32, #tpu.memory_space<vmem>>)
    %dma_wait3A_433 = arith.constant 22 : i32
    %dma_wait3A_434 = arith.constant 0 : i32
    %dma_wait3A_435 = tpu.memref_slice %arg46[%dma_wait3A_433, %dma_wait3A_434] : memref<26x512xi32, #tpu.memory_space<vmem>> -> memref<1x512xi32, #tpu.memory_space<vmem>>
    %dma_wait3A_436 = tpu.memref_squeeze %dma_wait3A_435 : memref<1x512xi32, #tpu.memory_space<vmem>> -> memref<512xi32, #tpu.memory_space<vmem>>
    %dma_wait3A_437 = tpu.memref_slice %arg24[%mul3A_2] : memref<16384xi32, #tpu.memory_space<hbm>> -> memref<512xi32, #tpu.memory_space<hbm>>
    %dma_wait3A_438 = arith.constant 0 : i32
    %dma_wait3A_439 = tpu.memref_slice %arg46[%dma_wait3A_433, %dma_wait3A_438] : memref<26x512xi32, #tpu.memory_space<vmem>> -> memref<1x512xi32, #tpu.memory_space<vmem>>
    %dma_wait3A_440 = tpu.memref_squeeze %dma_wait3A_439 : memref<1x512xi32, #tpu.memory_space<vmem>> -> memref<512xi32, #tpu.memory_space<vmem>>
    %dma_wait3A_441 = tpu.memref_slice %arg24[%mul3A_2] : memref<16384xi32, #tpu.memory_space<hbm>> -> memref<512xi32, #tpu.memory_space<hbm>>
    tpu.wait_dma2 semaphore(%arg51 : memref<!tpu.dma_semaphore, #tpu.memory_space<semaphore_mem>>) src(%dma_wait3A_441 : memref<512xi32, #tpu.memory_space<hbm>>) dst(%dma_wait3A_440 : memref<512xi32, #tpu.memory_space<vmem>>)
    %dma_wait3A_442 = arith.constant 23 : i32
    %dma_wait3A_443 = arith.constant 0 : i32
    %dma_wait3A_444 = tpu.memref_slice %arg46[%dma_wait3A_442, %dma_wait3A_443] : memref<26x512xi32, #tpu.memory_space<vmem>> -> memref<1x512xi32, #tpu.memory_space<vmem>>
    %dma_wait3A_445 = tpu.memref_squeeze %dma_wait3A_444 : memref<1x512xi32, #tpu.memory_space<vmem>> -> memref<512xi32, #tpu.memory_space<vmem>>
    %dma_wait3A_446 = tpu.memref_slice %arg25[%mul3A_2] : memref<16384xi32, #tpu.memory_space<hbm>> -> memref<512xi32, #tpu.memory_space<hbm>>
    %dma_wait3A_447 = arith.constant 0 : i32
    %dma_wait3A_448 = tpu.memref_slice %arg46[%dma_wait3A_442, %dma_wait3A_447] : memref<26x512xi32, #tpu.memory_space<vmem>> -> memref<1x512xi32, #tpu.memory_space<vmem>>
    %dma_wait3A_449 = tpu.memref_squeeze %dma_wait3A_448 : memref<1x512xi32, #tpu.memory_space<vmem>> -> memref<512xi32, #tpu.memory_space<vmem>>
    %dma_wait3A_450 = tpu.memref_slice %arg25[%mul3A_2] : memref<16384xi32, #tpu.memory_space<hbm>> -> memref<512xi32, #tpu.memory_space<hbm>>
    tpu.wait_dma2 semaphore(%arg51 : memref<!tpu.dma_semaphore, #tpu.memory_space<semaphore_mem>>) src(%dma_wait3A_450 : memref<512xi32, #tpu.memory_space<hbm>>) dst(%dma_wait3A_449 : memref<512xi32, #tpu.memory_space<vmem>>)
    %dma_wait3A_451 = arith.constant 24 : i32
    %dma_wait3A_452 = arith.constant 0 : i32
    %dma_wait3A_453 = tpu.memref_slice %arg46[%dma_wait3A_451, %dma_wait3A_452] : memref<26x512xi32, #tpu.memory_space<vmem>> -> memref<1x512xi32, #tpu.memory_space<vmem>>
    %dma_wait3A_454 = tpu.memref_squeeze %dma_wait3A_453 : memref<1x512xi32, #tpu.memory_space<vmem>> -> memref<512xi32, #tpu.memory_space<vmem>>
    %dma_wait3A_455 = tpu.memref_slice %arg26[%mul3A_2] : memref<16384xi32, #tpu.memory_space<hbm>> -> memref<512xi32, #tpu.memory_space<hbm>>
    %dma_wait3A_456 = arith.constant 0 : i32
    %dma_wait3A_457 = tpu.memref_slice %arg46[%dma_wait3A_451, %dma_wait3A_456] : memref<26x512xi32, #tpu.memory_space<vmem>> -> memref<1x512xi32, #tpu.memory_space<vmem>>
    %dma_wait3A_458 = tpu.memref_squeeze %dma_wait3A_457 : memref<1x512xi32, #tpu.memory_space<vmem>> -> memref<512xi32, #tpu.memory_space<vmem>>
    %dma_wait3A_459 = tpu.memref_slice %arg26[%mul3A_2] : memref<16384xi32, #tpu.memory_space<hbm>> -> memref<512xi32, #tpu.memory_space<hbm>>
    tpu.wait_dma2 semaphore(%arg51 : memref<!tpu.dma_semaphore, #tpu.memory_space<semaphore_mem>>) src(%dma_wait3A_459 : memref<512xi32, #tpu.memory_space<hbm>>) dst(%dma_wait3A_458 : memref<512xi32, #tpu.memory_space<vmem>>)
    %dma_wait3A_460 = arith.constant 25 : i32
    %dma_wait3A_461 = arith.constant 0 : i32
    %dma_wait3A_462 = tpu.memref_slice %arg46[%dma_wait3A_460, %dma_wait3A_461] : memref<26x512xi32, #tpu.memory_space<vmem>> -> memref<1x512xi32, #tpu.memory_space<vmem>>
    %dma_wait3A_463 = tpu.memref_squeeze %dma_wait3A_462 : memref<1x512xi32, #tpu.memory_space<vmem>> -> memref<512xi32, #tpu.memory_space<vmem>>
    %dma_wait3A_464 = tpu.memref_slice %arg27[%mul3A_2] : memref<16384xi32, #tpu.memory_space<hbm>> -> memref<512xi32, #tpu.memory_space<hbm>>
    %dma_wait3A_465 = arith.constant 0 : i32
    %dma_wait3A_466 = tpu.memref_slice %arg46[%dma_wait3A_460, %dma_wait3A_465] : memref<26x512xi32, #tpu.memory_space<vmem>> -> memref<1x512xi32, #tpu.memory_space<vmem>>
    %dma_wait3A_467 = tpu.memref_squeeze %dma_wait3A_466 : memref<1x512xi32, #tpu.memory_space<vmem>> -> memref<512xi32, #tpu.memory_space<vmem>>
    %dma_wait3A_468 = tpu.memref_slice %arg27[%mul3A_2] : memref<16384xi32, #tpu.memory_space<hbm>> -> memref<512xi32, #tpu.memory_space<hbm>>
    tpu.wait_dma2 semaphore(%arg51 : memref<!tpu.dma_semaphore, #tpu.memory_space<semaphore_mem>>) src(%dma_wait3A_468 : memref<512xi32, #tpu.memory_space<hbm>>) dst(%dma_wait3A_467 : memref<512xi32, #tpu.memory_space<vmem>>)
    %scan3A = arith.constant 0 : i32
    %scan3A_469 = arith.constant 0 : i32
    %scan3A_470 = arith.constant 4 : i32
    %scan3A_471 = arith.addi %scan3A_469, %scan3A_470 : i32
    %scan3A_472 = arith.constant 1 : i32
    scf.for %scan3A_474 = %scan3A_469 to %scan3A_471 step %scan3A_472  : i32 {
      %mul3A_475 = arith.constant 4 : i32
      %mul3A_476 = arith.muli %add3A, %mul3A_475 : i32
      %add3A_477 = arith.addi %mul3A_476, %scan3A_474 : i32
      %scan3A_478 = arith.constant 0 : i32
      %scan3A_479 = arith.constant 0 : i32
      %scan3A_480 = arith.constant 208 : i32
      %scan3A_481 = arith.addi %scan3A_479, %scan3A_480 : i32
      %scan3A_482 = arith.constant 1 : i32
      scf.for %scan3A_504 = %scan3A_479 to %scan3A_481 step %scan3A_482  : i32 {
        %jit3A = arith.constant 8 : i32
        %div3A = arith.divsi %scan3A_504, %jit3A : i32
        %sign3A = arith.constant 0 : i32
        %sign3A_505 = arith.cmpi sgt, %scan3A_504, %sign3A : i32
        %sign3A_506 = arith.extui %sign3A_505 : i1 to i32
        %sign3A_507 = arith.constant 0 : i32
        %sign3A_508 = arith.cmpi slt, %scan3A_504, %sign3A_507 : i32
        %sign3A_509 = arith.extui %sign3A_508 : i1 to i32
        %sign3A_510 = arith.subi %sign3A_506, %sign3A_509 : i32
        %sign3A_511 = arith.constant 0 : i32
        %sign3A_512 = arith.cmpi sgt, %jit3A, %sign3A_511 : i32
        %sign3A_513 = arith.extui %sign3A_512 : i1 to i32
        %sign3A_514 = arith.constant 0 : i32
        %sign3A_515 = arith.cmpi slt, %jit3A, %sign3A_514 : i32
        %sign3A_516 = arith.extui %sign3A_515 : i1 to i32
        %sign3A_517 = arith.subi %sign3A_513, %sign3A_516 : i32
        %ne3A = arith.cmpi ne, %sign3A_510, %sign3A_517 : i32
        %rem3A = arith.remsi %scan3A_504, %jit3A : i32
        %ne3A_518 = arith.constant 0 : i32
        %ne3A_519 = arith.cmpi ne, %rem3A, %ne3A_518 : i32
        %and3A = arith.andi %ne3A, %ne3A_519 : i1
        %sub3A = arith.constant 1 : i32
        %sub3A_520 = arith.subi %div3A, %sub3A : i32
        %select_n3A = arith.select %and3A, %sub3A_520, %div3A : i32
        %jit3A_521 = arith.constant 8 : i32
        %eq3A = arith.constant 0 : i32
        %eq3A_522 = arith.cmpi eq, %jit3A_521, %eq3A : i32
        %jit3A_523 = arith.constant 1 : i32
        %select_n3A_524 = arith.select %eq3A_522, %jit3A_523, %jit3A_521 : i32
        %rem3A_525 = arith.remsi %scan3A_504, %select_n3A_524 : i32
        %ne3A_526 = arith.constant 0 : i32
        %ne3A_527 = arith.cmpi ne, %rem3A_525, %ne3A_526 : i32
        %lt3A = arith.constant 0 : i32
        %lt3A_528 = arith.cmpi slt, %rem3A_525, %lt3A : i32
        %lt3A_529 = arith.constant 0 : i32
        %lt3A_530 = arith.cmpi slt, %select_n3A_524, %lt3A_529 : i32
        %ne3A_531 = arith.xori %lt3A_528, %lt3A_530 : i1
        %and3A_532 = arith.andi %ne3A_531, %ne3A_527 : i1
        %add3A_533 = arith.addi %rem3A_525, %select_n3A_524 : i32
        %select_n3A_534 = arith.select %and3A_532, %add3A_533, %rem3A_525 : i32
        %mul3A_535 = arith.constant 128 : i32
        %mul3A_536 = arith.muli %scan3A_474, %mul3A_535 : i32
        %mul3A_537 = arith.constant 16 : i32
        %mul3A_538 = arith.muli %select_n3A_534, %mul3A_537 : i32
        %add3A_539 = arith.addi %mul3A_536, %mul3A_538 : i32
        %get3A = arith.index_cast %select_n3A : i32 to index
        %get3A_540 = arith.index_cast %add3A_539 : i32 to index
        %get3A_541 = tpu.vector_load %arg46[%get3A, %get3A_540] {strides = array<i32>} : memref<26x512xi32, #tpu.memory_space<vmem>>, vector<16xi32>,
        %shift_right_logical3A = arith.constant 11 : i32
        %shift_right_logical3A_542 = vector.broadcast %shift_right_logical3A : i32 to vector<16xi32>
        %shift_right_logical3A_543 = arith.shrui %get3A_541, %shift_right_logical3A_542 : vector<16xi32>
        %mul3A_544 = arith.constant 26 : i32
        %mul3A_545 = vector.broadcast %mul3A_544 : i32 to vector<16xi32>
        %mul3A_546 = arith.muli %shift_right_logical3A_543, %mul3A_545 : vector<16xi32>
        %add3A_547 = vector.broadcast %select_n3A : i32 to vector<16xi32>
        %add3A_548 = arith.addi %mul3A_546, %add3A_547 : vector<16xi32>
        %mul3A_549 = arith.constant 2048 : i32
        %mul3A_550 = vector.broadcast %mul3A_549 : i32 to vector<16xi32>
        %mul3A_551 = arith.muli %add3A_548, %mul3A_550 : vector<16xi32>
        %and3A_552 = arith.constant 2047 : i32
        %and3A_553 = vector.broadcast %and3A_552 : i32 to vector<16xi32>
        %and3A_554 = arith.andi %get3A_541, %and3A_553 : vector<16xi32>
        %add3A_555 = arith.addi %mul3A_551, %and3A_554 : vector<16xi32>
        %mul3A_556 = arith.constant 16 : i32
        %mul3A_557 = arith.muli %select_n3A_534, %mul3A_556 : i32
        %swap3A = arith.index_cast %select_n3A : i32 to index
        %swap3A_558 = arith.index_cast %mul3A_557 : i32 to index
        %swap3A_559 = tpu.vector_load %arg47[%swap3A, %swap3A_558] {strides = array<i32>} : memref<26x128xi32, #tpu.memory_space<vmem>>, vector<16xi32>,
        tpu.vector_store %arg47[%swap3A, %swap3A_558], %add3A_555 {strides = array<i32>} : memref<26x128xi32, #tpu.memory_space<vmem>>, vector<16xi32>,
        %add3A_560 = arith.constant 100000 : i32
        %add3A_561 = vector.broadcast %add3A_560 : i32 to vector<16xi32>
        %add3A_562 = arith.addi %get3A_541, %add3A_561 : vector<16xi32>
        %mul3A_563 = arith.constant 16 : i32
        %mul3A_564 = arith.muli %select_n3A_534, %mul3A_563 : i32
        %swap3A_565 = arith.index_cast %select_n3A : i32 to index
        %swap3A_566 = arith.index_cast %mul3A_564 : i32 to index
        %swap3A_567 = tpu.vector_load %arg48[%swap3A_565, %swap3A_566] {strides = array<i32>} : memref<26x128xi32, #tpu.memory_space<vmem>>, vector<16xi32>,
        tpu.vector_store %arg48[%swap3A_565, %swap3A_566], %add3A_562 {strides = array<i32>} : memref<26x128xi32, #tpu.memory_space<vmem>>, vector<16xi32>,
      }
      %scan3A_483 = arith.constant 208 : i32
      %scan3A_484 = arith.constant 0 : i32
      %scan3A_485 = arith.constant 0 : i32
      %scan3A_486 = arith.constant 26 : i32
      %scan3A_487 = arith.addi %scan3A_485, %scan3A_486 : i32
      %scan3A_488 = arith.constant 1 : i32
      scf.for %scan3A_504 = %scan3A_485 to %scan3A_487 step %scan3A_488  : i32 {
        %mul3A_505 = arith.constant 16 : i32
        %mul3A_506 = arith.muli %scan3A_504, %mul3A_505 : i32
        %add3A_507 = arith.constant 0 : i32
        %add3A_508 = arith.addi %mul3A_506, %add3A_507 : i32
        %dma_start3A_509 = arith.constant 0 : i32
        %dma_start3A_510 = tpu.memref_slice %arg49[%add3A_508, %dma_start3A_509] : memref<424x128xf32, #tpu.memory_space<vmem>> -> memref<1x128xf32, #tpu.memory_space<vmem>>
        %dma_start3A_511 = tpu.memref_squeeze %dma_start3A_510 : memref<1x128xf32, #tpu.memory_space<vmem>> -> memref<128xf32, #tpu.memory_space<vmem>>
        %dma_start3A_512 = arith.constant 0 : i32
        %dma_start3A_513 = tpu.memref_slice %arg47[%scan3A_504, %dma_start3A_512] : memref<26x128xi32, #tpu.memory_space<vmem>> -> memref<1x128xi32, #tpu.memory_space<vmem>>
        %dma_start3A_514 = tpu.memref_squeeze %dma_start3A_513 : memref<1x128xi32, #tpu.memory_space<vmem>> -> memref<128xi32, #tpu.memory_space<vmem>>
        %dma_start3A_515 = arith.constant 0 : i32
        %dma_start3A_516 = tpu.memref_slice %arg28[%dma_start3A_515] : memref<2609152xf32, #tpu.memory_space<hbm>> -> memref<2609152xf32, #tpu.memory_space<hbm>>
        tpu.enqueue_indirect_dma source(%dma_start3A_516 : memref<2609152xf32, #tpu.memory_space<hbm>>) target(%dma_start3A_511 : memref<128xf32, #tpu.memory_space<vmem>>) offsets(%dma_start3A_514 : memref<128xi32, #tpu.memory_space<vmem>>) semaphore(%arg51 : memref<!tpu.dma_semaphore, #tpu.memory_space<semaphore_mem>>)
        %mul3A_517 = arith.constant 16 : i32
        %mul3A_518 = arith.muli %scan3A_504, %mul3A_517 : i32
        %add3A_519 = arith.constant 1 : i32
        %add3A_520 = arith.addi %mul3A_518, %add3A_519 : i32
        %dma_start3A_521 = arith.constant 0 : i32
        %dma_start3A_522 = tpu.memref_slice %arg49[%add3A_520, %dma_start3A_521] : memref<424x128xf32, #tpu.memory_space<vmem>> -> memref<1x128xf32, #tpu.memory_space<vmem>>
        %dma_start3A_523 = tpu.memref_squeeze %dma_start3A_522 : memref<1x128xf32, #tpu.memory_space<vmem>> -> memref<128xf32, #tpu.memory_space<vmem>>
        %dma_start3A_524 = arith.constant 0 : i32
        %dma_start3A_525 = tpu.memref_slice %arg47[%scan3A_504, %dma_start3A_524] : memref<26x128xi32, #tpu.memory_space<vmem>> -> memref<1x128xi32, #tpu.memory_space<vmem>>
        %dma_start3A_526 = tpu.memref_squeeze %dma_start3A_525 : memref<1x128xi32, #tpu.memory_space<vmem>> -> memref<128xi32, #tpu.memory_space<vmem>>
        %dma_start3A_527 = arith.constant 0 : i32
        %dma_start3A_528 = tpu.memref_slice %arg29[%dma_start3A_527] : memref<2609152xf32, #tpu.memory_space<hbm>> -> memref<2609152xf32, #tpu.memory_space<hbm>>
        tpu.enqueue_indirect_dma source(%dma_start3A_528 : memref<2609152xf32, #tpu.memory_space<hbm>>) target(%dma_start3A_523 : memref<128xf32, #tpu.memory_space<vmem>>) offsets(%dma_start3A_526 : memref<128xi32, #tpu.memory_space<vmem>>) semaphore(%arg51 : memref<!tpu.dma_semaphore, #tpu.memory_space<semaphore_mem>>)
        %mul3A_529 = arith.constant 16 : i32
        %mul3A_530 = arith.muli %scan3A_504, %mul3A_529 : i32
        %add3A_531 = arith.constant 2 : i32
        %add3A_532 = arith.addi %mul3A_530, %add3A_531 : i32
        %dma_start3A_533 = arith.constant 0 : i32
        %dma_start3A_534 = tpu.memref_slice %arg49[%add3A_532, %dma_start3A_533] : memref<424x128xf32, #tpu.memory_space<vmem>> -> memref<1x128xf32, #tpu.memory_space<vmem>>
        %dma_start3A_535 = tpu.memref_squeeze %dma_start3A_534 : memref<1x128xf32, #tpu.memory_space<vmem>> -> memref<128xf32, #tpu.memory_space<vmem>>
        %dma_start3A_536 = arith.constant 0 : i32
        %dma_start3A_537 = tpu.memref_slice %arg47[%scan3A_504, %dma_start3A_536] : memref<26x128xi32, #tpu.memory_space<vmem>> -> memref<1x128xi32, #tpu.memory_space<vmem>>
        %dma_start3A_538 = tpu.memref_squeeze %dma_start3A_537 : memref<1x128xi32, #tpu.memory_space<vmem>> -> memref<128xi32, #tpu.memory_space<vmem>>
        %dma_start3A_539 = arith.constant 0 : i32
        %dma_start3A_540 = tpu.memref_slice %arg30[%dma_start3A_539] : memref<2609152xf32, #tpu.memory_space<hbm>> -> memref<2609152xf32, #tpu.memory_space<hbm>>
        tpu.enqueue_indirect_dma source(%dma_start3A_540 : memref<2609152xf32, #tpu.memory_space<hbm>>) target(%dma_start3A_535 : memref<128xf32, #tpu.memory_space<vmem>>) offsets(%dma_start3A_538 : memref<128xi32, #tpu.memory_space<vmem>>) semaphore(%arg51 : memref<!tpu.dma_semaphore, #tpu.memory_space<semaphore_mem>>)
        %mul3A_541 = arith.constant 16 : i32
        %mul3A_542 = arith.muli %scan3A_504, %mul3A_541 : i32
        %add3A_543 = arith.constant 3 : i32
        %add3A_544 = arith.addi %mul3A_542, %add3A_543 : i32
        %dma_start3A_545 = arith.constant 0 : i32
        %dma_start3A_546 = tpu.memref_slice %arg49[%add3A_544, %dma_start3A_545] : memref<424x128xf32, #tpu.memory_space<vmem>> -> memref<1x128xf32, #tpu.memory_space<vmem>>
        %dma_start3A_547 = tpu.memref_squeeze %dma_start3A_546 : memref<1x128xf32, #tpu.memory_space<vmem>> -> memref<128xf32, #tpu.memory_space<vmem>>
        %dma_start3A_548 = arith.constant 0 : i32
        %dma_start3A_549 = tpu.memref_slice %arg47[%scan3A_504, %dma_start3A_548] : memref<26x128xi32, #tpu.memory_space<vmem>> -> memref<1x128xi32, #tpu.memory_space<vmem>>
        %dma_start3A_550 = tpu.memref_squeeze %dma_start3A_549 : memref<1x128xi32, #tpu.memory_space<vmem>> -> memref<128xi32, #tpu.memory_space<vmem>>
        %dma_start3A_551 = arith.constant 0 : i32
        %dma_start3A_552 = tpu.memref_slice %arg31[%dma_start3A_551] : memref<2609152xf32, #tpu.memory_space<hbm>> -> memref<2609152xf32, #tpu.memory_space<hbm>>
        tpu.enqueue_indirect_dma source(%dma_start3A_552 : memref<2609152xf32, #tpu.memory_space<hbm>>) target(%dma_start3A_547 : memref<128xf32, #tpu.memory_space<vmem>>) offsets(%dma_start3A_550 : memref<128xi32, #tpu.memory_space<vmem>>) semaphore(%arg51 : memref<!tpu.dma_semaphore, #tpu.memory_space<semaphore_mem>>)
        %mul3A_553 = arith.constant 16 : i32
        %mul3A_554 = arith.muli %scan3A_504, %mul3A_553 : i32
        %add3A_555 = arith.constant 4 : i32
        %add3A_556 = arith.addi %mul3A_554, %add3A_555 : i32
        %dma_start3A_557 = arith.constant 0 : i32
        %dma_start3A_558 = tpu.memref_slice %arg49[%add3A_556, %dma_start3A_557] : memref<424x128xf32, #tpu.memory_space<vmem>> -> memref<1x128xf32, #tpu.memory_space<vmem>>
        %dma_start3A_559 = tpu.memref_squeeze %dma_start3A_558 : memref<1x128xf32, #tpu.memory_space<vmem>> -> memref<128xf32, #tpu.memory_space<vmem>>
        %dma_start3A_560 = arith.constant 0 : i32
        %dma_start3A_561 = tpu.memref_slice %arg47[%scan3A_504, %dma_start3A_560] : memref<26x128xi32, #tpu.memory_space<vmem>> -> memref<1x128xi32, #tpu.memory_space<vmem>>
        %dma_start3A_562 = tpu.memref_squeeze %dma_start3A_561 : memref<1x128xi32, #tpu.memory_space<vmem>> -> memref<128xi32, #tpu.memory_space<vmem>>
        %dma_start3A_563 = arith.constant 0 : i32
        %dma_start3A_564 = tpu.memref_slice %arg32[%dma_start3A_563] : memref<2609152xf32, #tpu.memory_space<hbm>> -> memref<2609152xf32, #tpu.memory_space<hbm>>
        tpu.enqueue_indirect_dma source(%dma_start3A_564 : memref<2609152xf32, #tpu.memory_space<hbm>>) target(%dma_start3A_559 : memref<128xf32, #tpu.memory_space<vmem>>) offsets(%dma_start3A_562 : memref<128xi32, #tpu.memory_space<vmem>>) semaphore(%arg51 : memref<!tpu.dma_semaphore, #tpu.memory_space<semaphore_mem>>)
        %mul3A_565 = arith.constant 16 : i32
        %mul3A_566 = arith.muli %scan3A_504, %mul3A_565 : i32
        %add3A_567 = arith.constant 5 : i32
        %add3A_568 = arith.addi %mul3A_566, %add3A_567 : i32
        %dma_start3A_569 = arith.constant 0 : i32
        %dma_start3A_570 = tpu.memref_slice %arg49[%add3A_568, %dma_start3A_569] : memref<424x128xf32, #tpu.memory_space<vmem>> -> memref<1x128xf32, #tpu.memory_space<vmem>>
        %dma_start3A_571 = tpu.memref_squeeze %dma_start3A_570 : memref<1x128xf32, #tpu.memory_space<vmem>> -> memref<128xf32, #tpu.memory_space<vmem>>
        %dma_start3A_572 = arith.constant 0 : i32
        %dma_start3A_573 = tpu.memref_slice %arg47[%scan3A_504, %dma_start3A_572] : memref<26x128xi32, #tpu.memory_space<vmem>> -> memref<1x128xi32, #tpu.memory_space<vmem>>
        %dma_start3A_574 = tpu.memref_squeeze %dma_start3A_573 : memref<1x128xi32, #tpu.memory_space<vmem>> -> memref<128xi32, #tpu.memory_space<vmem>>
        %dma_start3A_575 = arith.constant 0 : i32
        %dma_start3A_576 = tpu.memref_slice %arg33[%dma_start3A_575] : memref<2609152xf32, #tpu.memory_space<hbm>> -> memref<2609152xf32, #tpu.memory_space<hbm>>
        tpu.enqueue_indirect_dma source(%dma_start3A_576 : memref<2609152xf32, #tpu.memory_space<hbm>>) target(%dma_start3A_571 : memref<128xf32, #tpu.memory_space<vmem>>) offsets(%dma_start3A_574 : memref<128xi32, #tpu.memory_space<vmem>>) semaphore(%arg51 : memref<!tpu.dma_semaphore, #tpu.memory_space<semaphore_mem>>)
        %mul3A_577 = arith.constant 16 : i32
        %mul3A_578 = arith.muli %scan3A_504, %mul3A_577 : i32
        %add3A_579 = arith.constant 6 : i32
        %add3A_580 = arith.addi %mul3A_578, %add3A_579 : i32
        %dma_start3A_581 = arith.constant 0 : i32
        %dma_start3A_582 = tpu.memref_slice %arg49[%add3A_580, %dma_start3A_581] : memref<424x128xf32, #tpu.memory_space<vmem>> -> memref<1x128xf32, #tpu.memory_space<vmem>>
        %dma_start3A_583 = tpu.memref_squeeze %dma_start3A_582 : memref<1x128xf32, #tpu.memory_space<vmem>> -> memref<128xf32, #tpu.memory_space<vmem>>
        %dma_start3A_584 = arith.constant 0 : i32
        %dma_start3A_585 = tpu.memref_slice %arg47[%scan3A_504, %dma_start3A_584] : memref<26x128xi32, #tpu.memory_space<vmem>> -> memref<1x128xi32, #tpu.memory_space<vmem>>
        %dma_start3A_586 = tpu.memref_squeeze %dma_start3A_585 : memref<1x128xi32, #tpu.memory_space<vmem>> -> memref<128xi32, #tpu.memory_space<vmem>>
        %dma_start3A_587 = arith.constant 0 : i32
        %dma_start3A_588 = tpu.memref_slice %arg34[%dma_start3A_587] : memref<2609152xf32, #tpu.memory_space<hbm>> -> memref<2609152xf32, #tpu.memory_space<hbm>>
        tpu.enqueue_indirect_dma source(%dma_start3A_588 : memref<2609152xf32, #tpu.memory_space<hbm>>) target(%dma_start3A_583 : memref<128xf32, #tpu.memory_space<vmem>>) offsets(%dma_start3A_586 : memref<128xi32, #tpu.memory_space<vmem>>) semaphore(%arg51 : memref<!tpu.dma_semaphore, #tpu.memory_space<semaphore_mem>>)
        %mul3A_589 = arith.constant 16 : i32
        %mul3A_590 = arith.muli %scan3A_504, %mul3A_589 : i32
        %add3A_591 = arith.constant 7 : i32
        %add3A_592 = arith.addi %mul3A_590, %add3A_591 : i32
        %dma_start3A_593 = arith.constant 0 : i32
        %dma_start3A_594 = tpu.memref_slice %arg49[%add3A_592, %dma_start3A_593] : memref<424x128xf32, #tpu.memory_space<vmem>> -> memref<1x128xf32, #tpu.memory_space<vmem>>
        %dma_start3A_595 = tpu.memref_squeeze %dma_start3A_594 : memref<1x128xf32, #tpu.memory_space<vmem>> -> memref<128xf32, #tpu.memory_space<vmem>>
        %dma_start3A_596 = arith.constant 0 : i32
        %dma_start3A_597 = tpu.memref_slice %arg47[%scan3A_504, %dma_start3A_596] : memref<26x128xi32, #tpu.memory_space<vmem>> -> memref<1x128xi32, #tpu.memory_space<vmem>>
        %dma_start3A_598 = tpu.memref_squeeze %dma_start3A_597 : memref<1x128xi32, #tpu.memory_space<vmem>> -> memref<128xi32, #tpu.memory_space<vmem>>
        %dma_start3A_599 = arith.constant 0 : i32
        %dma_start3A_600 = tpu.memref_slice %arg35[%dma_start3A_599] : memref<2609152xf32, #tpu.memory_space<hbm>> -> memref<2609152xf32, #tpu.memory_space<hbm>>
        tpu.enqueue_indirect_dma source(%dma_start3A_600 : memref<2609152xf32, #tpu.memory_space<hbm>>) target(%dma_start3A_595 : memref<128xf32, #tpu.memory_space<vmem>>) offsets(%dma_start3A_598 : memref<128xi32, #tpu.memory_space<vmem>>) semaphore(%arg51 : memref<!tpu.dma_semaphore, #tpu.memory_space<semaphore_mem>>)
        %mul3A_601 = arith.constant 16 : i32
        %mul3A_602 = arith.muli %scan3A_504, %mul3A_601 : i32
        %add3A_603 = arith.constant 8 : i32
        %add3A_604 = arith.addi %mul3A_602, %add3A_603 : i32
        %dma_start3A_605 = arith.constant 0 : i32
        %dma_start3A_606 = tpu.memref_slice %arg49[%add3A_604, %dma_start3A_605] : memref<424x128xf32, #tpu.memory_space<vmem>> -> memref<1x128xf32, #tpu.memory_space<vmem>>
        %dma_start3A_607 = tpu.memref_squeeze %dma_start3A_606 : memref<1x128xf32, #tpu.memory_space<vmem>> -> memref<128xf32, #tpu.memory_space<vmem>>
        %dma_start3A_608 = arith.constant 0 : i32
        %dma_start3A_609 = tpu.memref_slice %arg47[%scan3A_504, %dma_start3A_608] : memref<26x128xi32, #tpu.memory_space<vmem>> -> memref<1x128xi32, #tpu.memory_space<vmem>>
        %dma_start3A_610 = tpu.memref_squeeze %dma_start3A_609 : memref<1x128xi32, #tpu.memory_space<vmem>> -> memref<128xi32, #tpu.memory_space<vmem>>
        %dma_start3A_611 = arith.constant 0 : i32
        %dma_start3A_612 = tpu.memref_slice %arg36[%dma_start3A_611] : memref<2609152xf32, #tpu.memory_space<hbm>> -> memref<2609152xf32, #tpu.memory_space<hbm>>
        tpu.enqueue_indirect_dma source(%dma_start3A_612 : memref<2609152xf32, #tpu.memory_space<hbm>>) target(%dma_start3A_607 : memref<128xf32, #tpu.memory_space<vmem>>) offsets(%dma_start3A_610 : memref<128xi32, #tpu.memory_space<vmem>>) semaphore(%arg51 : memref<!tpu.dma_semaphore, #tpu.memory_space<semaphore_mem>>)
        %mul3A_613 = arith.constant 16 : i32
        %mul3A_614 = arith.muli %scan3A_504, %mul3A_613 : i32
        %add3A_615 = arith.constant 9 : i32
        %add3A_616 = arith.addi %mul3A_614, %add3A_615 : i32
        %dma_start3A_617 = arith.constant 0 : i32
        %dma_start3A_618 = tpu.memref_slice %arg49[%add3A_616, %dma_start3A_617] : memref<424x128xf32, #tpu.memory_space<vmem>> -> memref<1x128xf32, #tpu.memory_space<vmem>>
        %dma_start3A_619 = tpu.memref_squeeze %dma_start3A_618 : memref<1x128xf32, #tpu.memory_space<vmem>> -> memref<128xf32, #tpu.memory_space<vmem>>
        %dma_start3A_620 = arith.constant 0 : i32
        %dma_start3A_621 = tpu.memref_slice %arg47[%scan3A_504, %dma_start3A_620] : memref<26x128xi32, #tpu.memory_space<vmem>> -> memref<1x128xi32, #tpu.memory_space<vmem>>
        %dma_start3A_622 = tpu.memref_squeeze %dma_start3A_621 : memref<1x128xi32, #tpu.memory_space<vmem>> -> memref<128xi32, #tpu.memory_space<vmem>>
        %dma_start3A_623 = arith.constant 0 : i32
        %dma_start3A_624 = tpu.memref_slice %arg37[%dma_start3A_623] : memref<2609152xf32, #tpu.memory_space<hbm>> -> memref<2609152xf32, #tpu.memory_space<hbm>>
        tpu.enqueue_indirect_dma source(%dma_start3A_624 : memref<2609152xf32, #tpu.memory_space<hbm>>) target(%dma_start3A_619 : memref<128xf32, #tpu.memory_space<vmem>>) offsets(%dma_start3A_622 : memref<128xi32, #tpu.memory_space<vmem>>) semaphore(%arg51 : memref<!tpu.dma_semaphore, #tpu.memory_space<semaphore_mem>>)
        %mul3A_625 = arith.constant 16 : i32
        %mul3A_626 = arith.muli %scan3A_504, %mul3A_625 : i32
        %add3A_627 = arith.constant 10 : i32
        %add3A_628 = arith.addi %mul3A_626, %add3A_627 : i32
        %dma_start3A_629 = arith.constant 0 : i32
        %dma_start3A_630 = tpu.memref_slice %arg49[%add3A_628, %dma_start3A_629] : memref<424x128xf32, #tpu.memory_space<vmem>> -> memref<1x128xf32, #tpu.memory_space<vmem>>
        %dma_start3A_631 = tpu.memref_squeeze %dma_start3A_630 : memref<1x128xf32, #tpu.memory_space<vmem>> -> memref<128xf32, #tpu.memory_space<vmem>>
        %dma_start3A_632 = arith.constant 0 : i32
        %dma_start3A_633 = tpu.memref_slice %arg47[%scan3A_504, %dma_start3A_632] : memref<26x128xi32, #tpu.memory_space<vmem>> -> memref<1x128xi32, #tpu.memory_space<vmem>>
        %dma_start3A_634 = tpu.memref_squeeze %dma_start3A_633 : memref<1x128xi32, #tpu.memory_space<vmem>> -> memref<128xi32, #tpu.memory_space<vmem>>
        %dma_start3A_635 = arith.constant 0 : i32
        %dma_start3A_636 = tpu.memref_slice %arg38[%dma_start3A_635] : memref<2609152xf32, #tpu.memory_space<hbm>> -> memref<2609152xf32, #tpu.memory_space<hbm>>
        tpu.enqueue_indirect_dma source(%dma_start3A_636 : memref<2609152xf32, #tpu.memory_space<hbm>>) target(%dma_start3A_631 : memref<128xf32, #tpu.memory_space<vmem>>) offsets(%dma_start3A_634 : memref<128xi32, #tpu.memory_space<vmem>>) semaphore(%arg51 : memref<!tpu.dma_semaphore, #tpu.memory_space<semaphore_mem>>)
        %mul3A_637 = arith.constant 16 : i32
        %mul3A_638 = arith.muli %scan3A_504, %mul3A_637 : i32
        %add3A_639 = arith.constant 11 : i32
        %add3A_640 = arith.addi %mul3A_638, %add3A_639 : i32
        %dma_start3A_641 = arith.constant 0 : i32
        %dma_start3A_642 = tpu.memref_slice %arg49[%add3A_640, %dma_start3A_641] : memref<424x128xf32, #tpu.memory_space<vmem>> -> memref<1x128xf32, #tpu.memory_space<vmem>>
        %dma_start3A_643 = tpu.memref_squeeze %dma_start3A_642 : memref<1x128xf32, #tpu.memory_space<vmem>> -> memref<128xf32, #tpu.memory_space<vmem>>
        %dma_start3A_644 = arith.constant 0 : i32
        %dma_start3A_645 = tpu.memref_slice %arg47[%scan3A_504, %dma_start3A_644] : memref<26x128xi32, #tpu.memory_space<vmem>> -> memref<1x128xi32, #tpu.memory_space<vmem>>
        %dma_start3A_646 = tpu.memref_squeeze %dma_start3A_645 : memref<1x128xi32, #tpu.memory_space<vmem>> -> memref<128xi32, #tpu.memory_space<vmem>>
        %dma_start3A_647 = arith.constant 0 : i32
        %dma_start3A_648 = tpu.memref_slice %arg39[%dma_start3A_647] : memref<2609152xf32, #tpu.memory_space<hbm>> -> memref<2609152xf32, #tpu.memory_space<hbm>>
        tpu.enqueue_indirect_dma source(%dma_start3A_648 : memref<2609152xf32, #tpu.memory_space<hbm>>) target(%dma_start3A_643 : memref<128xf32, #tpu.memory_space<vmem>>) offsets(%dma_start3A_646 : memref<128xi32, #tpu.memory_space<vmem>>) semaphore(%arg51 : memref<!tpu.dma_semaphore, #tpu.memory_space<semaphore_mem>>)
        %mul3A_649 = arith.constant 16 : i32
        %mul3A_650 = arith.muli %scan3A_504, %mul3A_649 : i32
        %add3A_651 = arith.constant 12 : i32
        %add3A_652 = arith.addi %mul3A_650, %add3A_651 : i32
        %dma_start3A_653 = arith.constant 0 : i32
        %dma_start3A_654 = tpu.memref_slice %arg49[%add3A_652, %dma_start3A_653] : memref<424x128xf32, #tpu.memory_space<vmem>> -> memref<1x128xf32, #tpu.memory_space<vmem>>
        %dma_start3A_655 = tpu.memref_squeeze %dma_start3A_654 : memref<1x128xf32, #tpu.memory_space<vmem>> -> memref<128xf32, #tpu.memory_space<vmem>>
        %dma_start3A_656 = arith.constant 0 : i32
        %dma_start3A_657 = tpu.memref_slice %arg47[%scan3A_504, %dma_start3A_656] : memref<26x128xi32, #tpu.memory_space<vmem>> -> memref<1x128xi32, #tpu.memory_space<vmem>>
        %dma_start3A_658 = tpu.memref_squeeze %dma_start3A_657 : memref<1x128xi32, #tpu.memory_space<vmem>> -> memref<128xi32, #tpu.memory_space<vmem>>
        %dma_start3A_659 = arith.constant 0 : i32
        %dma_start3A_660 = tpu.memref_slice %arg40[%dma_start3A_659] : memref<2609152xf32, #tpu.memory_space<hbm>> -> memref<2609152xf32, #tpu.memory_space<hbm>>
        tpu.enqueue_indirect_dma source(%dma_start3A_660 : memref<2609152xf32, #tpu.memory_space<hbm>>) target(%dma_start3A_655 : memref<128xf32, #tpu.memory_space<vmem>>) offsets(%dma_start3A_658 : memref<128xi32, #tpu.memory_space<vmem>>) semaphore(%arg51 : memref<!tpu.dma_semaphore, #tpu.memory_space<semaphore_mem>>)
        %mul3A_661 = arith.constant 16 : i32
        %mul3A_662 = arith.muli %scan3A_504, %mul3A_661 : i32
        %add3A_663 = arith.constant 13 : i32
        %add3A_664 = arith.addi %mul3A_662, %add3A_663 : i32
        %dma_start3A_665 = arith.constant 0 : i32
        %dma_start3A_666 = tpu.memref_slice %arg49[%add3A_664, %dma_start3A_665] : memref<424x128xf32, #tpu.memory_space<vmem>> -> memref<1x128xf32, #tpu.memory_space<vmem>>
        %dma_start3A_667 = tpu.memref_squeeze %dma_start3A_666 : memref<1x128xf32, #tpu.memory_space<vmem>> -> memref<128xf32, #tpu.memory_space<vmem>>
        %dma_start3A_668 = arith.constant 0 : i32
        %dma_start3A_669 = tpu.memref_slice %arg47[%scan3A_504, %dma_start3A_668] : memref<26x128xi32, #tpu.memory_space<vmem>> -> memref<1x128xi32, #tpu.memory_space<vmem>>
        %dma_start3A_670 = tpu.memref_squeeze %dma_start3A_669 : memref<1x128xi32, #tpu.memory_space<vmem>> -> memref<128xi32, #tpu.memory_space<vmem>>
        %dma_start3A_671 = arith.constant 0 : i32
        %dma_start3A_672 = tpu.memref_slice %arg41[%dma_start3A_671] : memref<2609152xf32, #tpu.memory_space<hbm>> -> memref<2609152xf32, #tpu.memory_space<hbm>>
        tpu.enqueue_indirect_dma source(%dma_start3A_672 : memref<2609152xf32, #tpu.memory_space<hbm>>) target(%dma_start3A_667 : memref<128xf32, #tpu.memory_space<vmem>>) offsets(%dma_start3A_670 : memref<128xi32, #tpu.memory_space<vmem>>) semaphore(%arg51 : memref<!tpu.dma_semaphore, #tpu.memory_space<semaphore_mem>>)
        %mul3A_673 = arith.constant 16 : i32
        %mul3A_674 = arith.muli %scan3A_504, %mul3A_673 : i32
        %add3A_675 = arith.constant 14 : i32
        %add3A_676 = arith.addi %mul3A_674, %add3A_675 : i32
        %dma_start3A_677 = arith.constant 0 : i32
        %dma_start3A_678 = tpu.memref_slice %arg49[%add3A_676, %dma_start3A_677] : memref<424x128xf32, #tpu.memory_space<vmem>> -> memref<1x128xf32, #tpu.memory_space<vmem>>
        %dma_start3A_679 = tpu.memref_squeeze %dma_start3A_678 : memref<1x128xf32, #tpu.memory_space<vmem>> -> memref<128xf32, #tpu.memory_space<vmem>>
        %dma_start3A_680 = arith.constant 0 : i32
        %dma_start3A_681 = tpu.memref_slice %arg47[%scan3A_504, %dma_start3A_680] : memref<26x128xi32, #tpu.memory_space<vmem>> -> memref<1x128xi32, #tpu.memory_space<vmem>>
        %dma_start3A_682 = tpu.memref_squeeze %dma_start3A_681 : memref<1x128xi32, #tpu.memory_space<vmem>> -> memref<128xi32, #tpu.memory_space<vmem>>
        %dma_start3A_683 = arith.constant 0 : i32
        %dma_start3A_684 = tpu.memref_slice %arg42[%dma_start3A_683] : memref<2609152xf32, #tpu.memory_space<hbm>> -> memref<2609152xf32, #tpu.memory_space<hbm>>
        tpu.enqueue_indirect_dma source(%dma_start3A_684 : memref<2609152xf32, #tpu.memory_space<hbm>>) target(%dma_start3A_679 : memref<128xf32, #tpu.memory_space<vmem>>) offsets(%dma_start3A_682 : memref<128xi32, #tpu.memory_space<vmem>>) semaphore(%arg51 : memref<!tpu.dma_semaphore, #tpu.memory_space<semaphore_mem>>)
        %mul3A_685 = arith.constant 16 : i32
        %mul3A_686 = arith.muli %scan3A_504, %mul3A_685 : i32
        %add3A_687 = arith.constant 15 : i32
        %add3A_688 = arith.addi %mul3A_686, %add3A_687 : i32
        %dma_start3A_689 = arith.constant 0 : i32
        %dma_start3A_690 = tpu.memref_slice %arg49[%add3A_688, %dma_start3A_689] : memref<424x128xf32, #tpu.memory_space<vmem>> -> memref<1x128xf32, #tpu.memory_space<vmem>>
        %dma_start3A_691 = tpu.memref_squeeze %dma_start3A_690 : memref<1x128xf32, #tpu.memory_space<vmem>> -> memref<128xf32, #tpu.memory_space<vmem>>
        %dma_start3A_692 = arith.constant 0 : i32
        %dma_start3A_693 = tpu.memref_slice %arg47[%scan3A_504, %dma_start3A_692] : memref<26x128xi32, #tpu.memory_space<vmem>> -> memref<1x128xi32, #tpu.memory_space<vmem>>
        %dma_start3A_694 = tpu.memref_squeeze %dma_start3A_693 : memref<1x128xi32, #tpu.memory_space<vmem>> -> memref<128xi32, #tpu.memory_space<vmem>>
        %dma_start3A_695 = arith.constant 0 : i32
        %dma_start3A_696 = tpu.memref_slice %arg43[%dma_start3A_695] : memref<2609152xf32, #tpu.memory_space<hbm>> -> memref<2609152xf32, #tpu.memory_space<hbm>>
        tpu.enqueue_indirect_dma source(%dma_start3A_696 : memref<2609152xf32, #tpu.memory_space<hbm>>) target(%dma_start3A_691 : memref<128xf32, #tpu.memory_space<vmem>>) offsets(%dma_start3A_694 : memref<128xi32, #tpu.memory_space<vmem>>) semaphore(%arg51 : memref<!tpu.dma_semaphore, #tpu.memory_space<semaphore_mem>>)
        %dma_start3A_697 = arith.constant 0 : i32
        %dma_start3A_698 = tpu.memref_slice %arg50[%scan3A_504, %dma_start3A_697] : memref<26x128xf32, #tpu.memory_space<vmem>> -> memref<1x128xf32, #tpu.memory_space<vmem>>
        %dma_start3A_699 = tpu.memref_squeeze %dma_start3A_698 : memref<1x128xf32, #tpu.memory_space<vmem>> -> memref<128xf32, #tpu.memory_space<vmem>>
        %dma_start3A_700 = arith.constant 0 : i32
        %dma_start3A_701 = tpu.memref_slice %arg48[%scan3A_504, %dma_start3A_700] : memref<26x128xi32, #tpu.memory_space<vmem>> -> memref<1x128xi32, #tpu.memory_space<vmem>>
        %dma_start3A_702 = tpu.memref_squeeze %dma_start3A_701 : memref<1x128xi32, #tpu.memory_space<vmem>> -> memref<128xi32, #tpu.memory_space<vmem>>
        %dma_start3A_703 = arith.constant 0 : i32
        %dma_start3A_704 = tpu.memref_slice %arg44[%dma_start3A_703] : memref<2600000xf32, #tpu.memory_space<hbm>> -> memref<2600000xf32, #tpu.memory_space<hbm>>
        tpu.enqueue_indirect_dma source(%dma_start3A_704 : memref<2600000xf32, #tpu.memory_space<hbm>>) target(%dma_start3A_699 : memref<128xf32, #tpu.memory_space<vmem>>) offsets(%dma_start3A_702 : memref<128xi32, #tpu.memory_space<vmem>>) semaphore(%arg52 : memref<!tpu.dma_semaphore, #tpu.memory_space<semaphore_mem>>)
      }
      %scan3A_489 = arith.constant 26 : i32
      %scan3A_490 = arith.constant 0 : i32
      %scan3A_491 = arith.constant 0 : i32
      %scan3A_492 = arith.constant 26 : i32
      %scan3A_493 = arith.addi %scan3A_491, %scan3A_492 : i32
      %scan3A_494 = arith.constant 1 : i32
      scf.for %scan3A_504 = %scan3A_491 to %scan3A_493 step %scan3A_494  : i32 {
        %mul3A_505 = arith.constant 16 : i32
        %mul3A_506 = arith.muli %scan3A_504, %mul3A_505 : i32
        %add3A_507 = arith.constant 0 : i32
        %add3A_508 = arith.addi %mul3A_506, %add3A_507 : i32
        %dma_wait3A_509 = arith.constant 0 : i32
        %dma_wait3A_510 = tpu.memref_slice %arg49[%add3A_508, %dma_wait3A_509] : memref<424x128xf32, #tpu.memory_space<vmem>> -> memref<1x128xf32, #tpu.memory_space<vmem>>
        %dma_wait3A_511 = tpu.memref_squeeze %dma_wait3A_510 : memref<1x128xf32, #tpu.memory_space<vmem>> -> memref<128xf32, #tpu.memory_space<vmem>>
        %dma_wait3A_512 = arith.constant 0 : i32
        %dma_wait3A_513 = tpu.memref_slice %arg47[%scan3A_504, %dma_wait3A_512] : memref<26x128xi32, #tpu.memory_space<vmem>> -> memref<1x128xi32, #tpu.memory_space<vmem>>
        %dma_wait3A_514 = tpu.memref_squeeze %dma_wait3A_513 : memref<1x128xi32, #tpu.memory_space<vmem>> -> memref<128xi32, #tpu.memory_space<vmem>>
        %dma_wait3A_515 = arith.constant 0 : i32
        %dma_wait3A_516 = tpu.memref_slice %arg28[%dma_wait3A_515] : memref<2609152xf32, #tpu.memory_space<hbm>> -> memref<2609152xf32, #tpu.memory_space<hbm>>
        tpu.wait_indirect_dma semaphore(%arg51 : memref<!tpu.dma_semaphore, #tpu.memory_space<semaphore_mem>>) src(%dma_wait3A_516 : memref<2609152xf32, #tpu.memory_space<hbm>>) dst(%dma_wait3A_511 : memref<128xf32, #tpu.memory_space<vmem>>)
        %mul3A_517 = arith.constant 16 : i32
        %mul3A_518 = arith.muli %scan3A_504, %mul3A_517 : i32
        %add3A_519 = arith.constant 1 : i32
        %add3A_520 = arith.addi %mul3A_518, %add3A_519 : i32
        %dma_wait3A_521 = arith.constant 0 : i32
        %dma_wait3A_522 = tpu.memref_slice %arg49[%add3A_520, %dma_wait3A_521] : memref<424x128xf32, #tpu.memory_space<vmem>> -> memref<1x128xf32, #tpu.memory_space<vmem>>
        %dma_wait3A_523 = tpu.memref_squeeze %dma_wait3A_522 : memref<1x128xf32, #tpu.memory_space<vmem>> -> memref<128xf32, #tpu.memory_space<vmem>>
        %dma_wait3A_524 = arith.constant 0 : i32
        %dma_wait3A_525 = tpu.memref_slice %arg47[%scan3A_504, %dma_wait3A_524] : memref<26x128xi32, #tpu.memory_space<vmem>> -> memref<1x128xi32, #tpu.memory_space<vmem>>
        %dma_wait3A_526 = tpu.memref_squeeze %dma_wait3A_525 : memref<1x128xi32, #tpu.memory_space<vmem>> -> memref<128xi32, #tpu.memory_space<vmem>>
        %dma_wait3A_527 = arith.constant 0 : i32
        %dma_wait3A_528 = tpu.memref_slice %arg29[%dma_wait3A_527] : memref<2609152xf32, #tpu.memory_space<hbm>> -> memref<2609152xf32, #tpu.memory_space<hbm>>
        tpu.wait_indirect_dma semaphore(%arg51 : memref<!tpu.dma_semaphore, #tpu.memory_space<semaphore_mem>>) src(%dma_wait3A_528 : memref<2609152xf32, #tpu.memory_space<hbm>>) dst(%dma_wait3A_523 : memref<128xf32, #tpu.memory_space<vmem>>)
        %mul3A_529 = arith.constant 16 : i32
        %mul3A_530 = arith.muli %scan3A_504, %mul3A_529 : i32
        %add3A_531 = arith.constant 2 : i32
        %add3A_532 = arith.addi %mul3A_530, %add3A_531 : i32
        %dma_wait3A_533 = arith.constant 0 : i32
        %dma_wait3A_534 = tpu.memref_slice %arg49[%add3A_532, %dma_wait3A_533] : memref<424x128xf32, #tpu.memory_space<vmem>> -> memref<1x128xf32, #tpu.memory_space<vmem>>
        %dma_wait3A_535 = tpu.memref_squeeze %dma_wait3A_534 : memref<1x128xf32, #tpu.memory_space<vmem>> -> memref<128xf32, #tpu.memory_space<vmem>>
        %dma_wait3A_536 = arith.constant 0 : i32
        %dma_wait3A_537 = tpu.memref_slice %arg47[%scan3A_504, %dma_wait3A_536] : memref<26x128xi32, #tpu.memory_space<vmem>> -> memref<1x128xi32, #tpu.memory_space<vmem>>
        %dma_wait3A_538 = tpu.memref_squeeze %dma_wait3A_537 : memref<1x128xi32, #tpu.memory_space<vmem>> -> memref<128xi32, #tpu.memory_space<vmem>>
        %dma_wait3A_539 = arith.constant 0 : i32
        %dma_wait3A_540 = tpu.memref_slice %arg30[%dma_wait3A_539] : memref<2609152xf32, #tpu.memory_space<hbm>> -> memref<2609152xf32, #tpu.memory_space<hbm>>
        tpu.wait_indirect_dma semaphore(%arg51 : memref<!tpu.dma_semaphore, #tpu.memory_space<semaphore_mem>>) src(%dma_wait3A_540 : memref<2609152xf32, #tpu.memory_space<hbm>>) dst(%dma_wait3A_535 : memref<128xf32, #tpu.memory_space<vmem>>)
        %mul3A_541 = arith.constant 16 : i32
        %mul3A_542 = arith.muli %scan3A_504, %mul3A_541 : i32
        %add3A_543 = arith.constant 3 : i32
        %add3A_544 = arith.addi %mul3A_542, %add3A_543 : i32
        %dma_wait3A_545 = arith.constant 0 : i32
        %dma_wait3A_546 = tpu.memref_slice %arg49[%add3A_544, %dma_wait3A_545] : memref<424x128xf32, #tpu.memory_space<vmem>> -> memref<1x128xf32, #tpu.memory_space<vmem>>
        %dma_wait3A_547 = tpu.memref_squeeze %dma_wait3A_546 : memref<1x128xf32, #tpu.memory_space<vmem>> -> memref<128xf32, #tpu.memory_space<vmem>>
        %dma_wait3A_548 = arith.constant 0 : i32
        %dma_wait3A_549 = tpu.memref_slice %arg47[%scan3A_504, %dma_wait3A_548] : memref<26x128xi32, #tpu.memory_space<vmem>> -> memref<1x128xi32, #tpu.memory_space<vmem>>
        %dma_wait3A_550 = tpu.memref_squeeze %dma_wait3A_549 : memref<1x128xi32, #tpu.memory_space<vmem>> -> memref<128xi32, #tpu.memory_space<vmem>>
        %dma_wait3A_551 = arith.constant 0 : i32
        %dma_wait3A_552 = tpu.memref_slice %arg31[%dma_wait3A_551] : memref<2609152xf32, #tpu.memory_space<hbm>> -> memref<2609152xf32, #tpu.memory_space<hbm>>
        tpu.wait_indirect_dma semaphore(%arg51 : memref<!tpu.dma_semaphore, #tpu.memory_space<semaphore_mem>>) src(%dma_wait3A_552 : memref<2609152xf32, #tpu.memory_space<hbm>>) dst(%dma_wait3A_547 : memref<128xf32, #tpu.memory_space<vmem>>)
        %mul3A_553 = arith.constant 16 : i32
        %mul3A_554 = arith.muli %scan3A_504, %mul3A_553 : i32
        %add3A_555 = arith.constant 4 : i32
        %add3A_556 = arith.addi %mul3A_554, %add3A_555 : i32
        %dma_wait3A_557 = arith.constant 0 : i32
        %dma_wait3A_558 = tpu.memref_slice %arg49[%add3A_556, %dma_wait3A_557] : memref<424x128xf32, #tpu.memory_space<vmem>> -> memref<1x128xf32, #tpu.memory_space<vmem>>
        %dma_wait3A_559 = tpu.memref_squeeze %dma_wait3A_558 : memref<1x128xf32, #tpu.memory_space<vmem>> -> memref<128xf32, #tpu.memory_space<vmem>>
        %dma_wait3A_560 = arith.constant 0 : i32
        %dma_wait3A_561 = tpu.memref_slice %arg47[%scan3A_504, %dma_wait3A_560] : memref<26x128xi32, #tpu.memory_space<vmem>> -> memref<1x128xi32, #tpu.memory_space<vmem>>
        %dma_wait3A_562 = tpu.memref_squeeze %dma_wait3A_561 : memref<1x128xi32, #tpu.memory_space<vmem>> -> memref<128xi32, #tpu.memory_space<vmem>>
        %dma_wait3A_563 = arith.constant 0 : i32
        %dma_wait3A_564 = tpu.memref_slice %arg32[%dma_wait3A_563] : memref<2609152xf32, #tpu.memory_space<hbm>> -> memref<2609152xf32, #tpu.memory_space<hbm>>
        tpu.wait_indirect_dma semaphore(%arg51 : memref<!tpu.dma_semaphore, #tpu.memory_space<semaphore_mem>>) src(%dma_wait3A_564 : memref<2609152xf32, #tpu.memory_space<hbm>>) dst(%dma_wait3A_559 : memref<128xf32, #tpu.memory_space<vmem>>)
        %mul3A_565 = arith.constant 16 : i32
        %mul3A_566 = arith.muli %scan3A_504, %mul3A_565 : i32
        %add3A_567 = arith.constant 5 : i32
        %add3A_568 = arith.addi %mul3A_566, %add3A_567 : i32
        %dma_wait3A_569 = arith.constant 0 : i32
        %dma_wait3A_570 = tpu.memref_slice %arg49[%add3A_568, %dma_wait3A_569] : memref<424x128xf32, #tpu.memory_space<vmem>> -> memref<1x128xf32, #tpu.memory_space<vmem>>
        %dma_wait3A_571 = tpu.memref_squeeze %dma_wait3A_570 : memref<1x128xf32, #tpu.memory_space<vmem>> -> memref<128xf32, #tpu.memory_space<vmem>>
        %dma_wait3A_572 = arith.constant 0 : i32
        %dma_wait3A_573 = tpu.memref_slice %arg47[%scan3A_504, %dma_wait3A_572] : memref<26x128xi32, #tpu.memory_space<vmem>> -> memref<1x128xi32, #tpu.memory_space<vmem>>
        %dma_wait3A_574 = tpu.memref_squeeze %dma_wait3A_573 : memref<1x128xi32, #tpu.memory_space<vmem>> -> memref<128xi32, #tpu.memory_space<vmem>>
        %dma_wait3A_575 = arith.constant 0 : i32
        %dma_wait3A_576 = tpu.memref_slice %arg33[%dma_wait3A_575] : memref<2609152xf32, #tpu.memory_space<hbm>> -> memref<2609152xf32, #tpu.memory_space<hbm>>
        tpu.wait_indirect_dma semaphore(%arg51 : memref<!tpu.dma_semaphore, #tpu.memory_space<semaphore_mem>>) src(%dma_wait3A_576 : memref<2609152xf32, #tpu.memory_space<hbm>>) dst(%dma_wait3A_571 : memref<128xf32, #tpu.memory_space<vmem>>)
        %mul3A_577 = arith.constant 16 : i32
        %mul3A_578 = arith.muli %scan3A_504, %mul3A_577 : i32
        %add3A_579 = arith.constant 6 : i32
        %add3A_580 = arith.addi %mul3A_578, %add3A_579 : i32
        %dma_wait3A_581 = arith.constant 0 : i32
        %dma_wait3A_582 = tpu.memref_slice %arg49[%add3A_580, %dma_wait3A_581] : memref<424x128xf32, #tpu.memory_space<vmem>> -> memref<1x128xf32, #tpu.memory_space<vmem>>
        %dma_wait3A_583 = tpu.memref_squeeze %dma_wait3A_582 : memref<1x128xf32, #tpu.memory_space<vmem>> -> memref<128xf32, #tpu.memory_space<vmem>>
        %dma_wait3A_584 = arith.constant 0 : i32
        %dma_wait3A_585 = tpu.memref_slice %arg47[%scan3A_504, %dma_wait3A_584] : memref<26x128xi32, #tpu.memory_space<vmem>> -> memref<1x128xi32, #tpu.memory_space<vmem>>
        %dma_wait3A_586 = tpu.memref_squeeze %dma_wait3A_585 : memref<1x128xi32, #tpu.memory_space<vmem>> -> memref<128xi32, #tpu.memory_space<vmem>>
        %dma_wait3A_587 = arith.constant 0 : i32
        %dma_wait3A_588 = tpu.memref_slice %arg34[%dma_wait3A_587] : memref<2609152xf32, #tpu.memory_space<hbm>> -> memref<2609152xf32, #tpu.memory_space<hbm>>
        tpu.wait_indirect_dma semaphore(%arg51 : memref<!tpu.dma_semaphore, #tpu.memory_space<semaphore_mem>>) src(%dma_wait3A_588 : memref<2609152xf32, #tpu.memory_space<hbm>>) dst(%dma_wait3A_583 : memref<128xf32, #tpu.memory_space<vmem>>)
        %mul3A_589 = arith.constant 16 : i32
        %mul3A_590 = arith.muli %scan3A_504, %mul3A_589 : i32
        %add3A_591 = arith.constant 7 : i32
        %add3A_592 = arith.addi %mul3A_590, %add3A_591 : i32
        %dma_wait3A_593 = arith.constant 0 : i32
        %dma_wait3A_594 = tpu.memref_slice %arg49[%add3A_592, %dma_wait3A_593] : memref<424x128xf32, #tpu.memory_space<vmem>> -> memref<1x128xf32, #tpu.memory_space<vmem>>
        %dma_wait3A_595 = tpu.memref_squeeze %dma_wait3A_594 : memref<1x128xf32, #tpu.memory_space<vmem>> -> memref<128xf32, #tpu.memory_space<vmem>>
        %dma_wait3A_596 = arith.constant 0 : i32
        %dma_wait3A_597 = tpu.memref_slice %arg47[%scan3A_504, %dma_wait3A_596] : memref<26x128xi32, #tpu.memory_space<vmem>> -> memref<1x128xi32, #tpu.memory_space<vmem>>
        %dma_wait3A_598 = tpu.memref_squeeze %dma_wait3A_597 : memref<1x128xi32, #tpu.memory_space<vmem>> -> memref<128xi32, #tpu.memory_space<vmem>>
        %dma_wait3A_599 = arith.constant 0 : i32
        %dma_wait3A_600 = tpu.memref_slice %arg35[%dma_wait3A_599] : memref<2609152xf32, #tpu.memory_space<hbm>> -> memref<2609152xf32, #tpu.memory_space<hbm>>
        tpu.wait_indirect_dma semaphore(%arg51 : memref<!tpu.dma_semaphore, #tpu.memory_space<semaphore_mem>>) src(%dma_wait3A_600 : memref<2609152xf32, #tpu.memory_space<hbm>>) dst(%dma_wait3A_595 : memref<128xf32, #tpu.memory_space<vmem>>)
        %mul3A_601 = arith.constant 16 : i32
        %mul3A_602 = arith.muli %scan3A_504, %mul3A_601 : i32
        %add3A_603 = arith.constant 8 : i32
        %add3A_604 = arith.addi %mul3A_602, %add3A_603 : i32
        %dma_wait3A_605 = arith.constant 0 : i32
        %dma_wait3A_606 = tpu.memref_slice %arg49[%add3A_604, %dma_wait3A_605] : memref<424x128xf32, #tpu.memory_space<vmem>> -> memref<1x128xf32, #tpu.memory_space<vmem>>
        %dma_wait3A_607 = tpu.memref_squeeze %dma_wait3A_606 : memref<1x128xf32, #tpu.memory_space<vmem>> -> memref<128xf32, #tpu.memory_space<vmem>>
        %dma_wait3A_608 = arith.constant 0 : i32
        %dma_wait3A_609 = tpu.memref_slice %arg47[%scan3A_504, %dma_wait3A_608] : memref<26x128xi32, #tpu.memory_space<vmem>> -> memref<1x128xi32, #tpu.memory_space<vmem>>
        %dma_wait3A_610 = tpu.memref_squeeze %dma_wait3A_609 : memref<1x128xi32, #tpu.memory_space<vmem>> -> memref<128xi32, #tpu.memory_space<vmem>>
        %dma_wait3A_611 = arith.constant 0 : i32
        %dma_wait3A_612 = tpu.memref_slice %arg36[%dma_wait3A_611] : memref<2609152xf32, #tpu.memory_space<hbm>> -> memref<2609152xf32, #tpu.memory_space<hbm>>
        tpu.wait_indirect_dma semaphore(%arg51 : memref<!tpu.dma_semaphore, #tpu.memory_space<semaphore_mem>>) src(%dma_wait3A_612 : memref<2609152xf32, #tpu.memory_space<hbm>>) dst(%dma_wait3A_607 : memref<128xf32, #tpu.memory_space<vmem>>)
        %mul3A_613 = arith.constant 16 : i32
        %mul3A_614 = arith.muli %scan3A_504, %mul3A_613 : i32
        %add3A_615 = arith.constant 9 : i32
        %add3A_616 = arith.addi %mul3A_614, %add3A_615 : i32
        %dma_wait3A_617 = arith.constant 0 : i32
        %dma_wait3A_618 = tpu.memref_slice %arg49[%add3A_616, %dma_wait3A_617] : memref<424x128xf32, #tpu.memory_space<vmem>> -> memref<1x128xf32, #tpu.memory_space<vmem>>
        %dma_wait3A_619 = tpu.memref_squeeze %dma_wait3A_618 : memref<1x128xf32, #tpu.memory_space<vmem>> -> memref<128xf32, #tpu.memory_space<vmem>>
        %dma_wait3A_620 = arith.constant 0 : i32
        %dma_wait3A_621 = tpu.memref_slice %arg47[%scan3A_504, %dma_wait3A_620] : memref<26x128xi32, #tpu.memory_space<vmem>> -> memref<1x128xi32, #tpu.memory_space<vmem>>
        %dma_wait3A_622 = tpu.memref_squeeze %dma_wait3A_621 : memref<1x128xi32, #tpu.memory_space<vmem>> -> memref<128xi32, #tpu.memory_space<vmem>>
        %dma_wait3A_623 = arith.constant 0 : i32
        %dma_wait3A_624 = tpu.memref_slice %arg37[%dma_wait3A_623] : memref<2609152xf32, #tpu.memory_space<hbm>> -> memref<2609152xf32, #tpu.memory_space<hbm>>
        tpu.wait_indirect_dma semaphore(%arg51 : memref<!tpu.dma_semaphore, #tpu.memory_space<semaphore_mem>>) src(%dma_wait3A_624 : memref<2609152xf32, #tpu.memory_space<hbm>>) dst(%dma_wait3A_619 : memref<128xf32, #tpu.memory_space<vmem>>)
        %mul3A_625 = arith.constant 16 : i32
        %mul3A_626 = arith.muli %scan3A_504, %mul3A_625 : i32
        %add3A_627 = arith.constant 10 : i32
        %add3A_628 = arith.addi %mul3A_626, %add3A_627 : i32
        %dma_wait3A_629 = arith.constant 0 : i32
        %dma_wait3A_630 = tpu.memref_slice %arg49[%add3A_628, %dma_wait3A_629] : memref<424x128xf32, #tpu.memory_space<vmem>> -> memref<1x128xf32, #tpu.memory_space<vmem>>
        %dma_wait3A_631 = tpu.memref_squeeze %dma_wait3A_630 : memref<1x128xf32, #tpu.memory_space<vmem>> -> memref<128xf32, #tpu.memory_space<vmem>>
        %dma_wait3A_632 = arith.constant 0 : i32
        %dma_wait3A_633 = tpu.memref_slice %arg47[%scan3A_504, %dma_wait3A_632] : memref<26x128xi32, #tpu.memory_space<vmem>> -> memref<1x128xi32, #tpu.memory_space<vmem>>
        %dma_wait3A_634 = tpu.memref_squeeze %dma_wait3A_633 : memref<1x128xi32, #tpu.memory_space<vmem>> -> memref<128xi32, #tpu.memory_space<vmem>>
        %dma_wait3A_635 = arith.constant 0 : i32
        %dma_wait3A_636 = tpu.memref_slice %arg38[%dma_wait3A_635] : memref<2609152xf32, #tpu.memory_space<hbm>> -> memref<2609152xf32, #tpu.memory_space<hbm>>
        tpu.wait_indirect_dma semaphore(%arg51 : memref<!tpu.dma_semaphore, #tpu.memory_space<semaphore_mem>>) src(%dma_wait3A_636 : memref<2609152xf32, #tpu.memory_space<hbm>>) dst(%dma_wait3A_631 : memref<128xf32, #tpu.memory_space<vmem>>)
        %mul3A_637 = arith.constant 16 : i32
        %mul3A_638 = arith.muli %scan3A_504, %mul3A_637 : i32
        %add3A_639 = arith.constant 11 : i32
        %add3A_640 = arith.addi %mul3A_638, %add3A_639 : i32
        %dma_wait3A_641 = arith.constant 0 : i32
        %dma_wait3A_642 = tpu.memref_slice %arg49[%add3A_640, %dma_wait3A_641] : memref<424x128xf32, #tpu.memory_space<vmem>> -> memref<1x128xf32, #tpu.memory_space<vmem>>
        %dma_wait3A_643 = tpu.memref_squeeze %dma_wait3A_642 : memref<1x128xf32, #tpu.memory_space<vmem>> -> memref<128xf32, #tpu.memory_space<vmem>>
        %dma_wait3A_644 = arith.constant 0 : i32
        %dma_wait3A_645 = tpu.memref_slice %arg47[%scan3A_504, %dma_wait3A_644] : memref<26x128xi32, #tpu.memory_space<vmem>> -> memref<1x128xi32, #tpu.memory_space<vmem>>
        %dma_wait3A_646 = tpu.memref_squeeze %dma_wait3A_645 : memref<1x128xi32, #tpu.memory_space<vmem>> -> memref<128xi32, #tpu.memory_space<vmem>>
        %dma_wait3A_647 = arith.constant 0 : i32
        %dma_wait3A_648 = tpu.memref_slice %arg39[%dma_wait3A_647] : memref<2609152xf32, #tpu.memory_space<hbm>> -> memref<2609152xf32, #tpu.memory_space<hbm>>
        tpu.wait_indirect_dma semaphore(%arg51 : memref<!tpu.dma_semaphore, #tpu.memory_space<semaphore_mem>>) src(%dma_wait3A_648 : memref<2609152xf32, #tpu.memory_space<hbm>>) dst(%dma_wait3A_643 : memref<128xf32, #tpu.memory_space<vmem>>)
        %mul3A_649 = arith.constant 16 : i32
        %mul3A_650 = arith.muli %scan3A_504, %mul3A_649 : i32
        %add3A_651 = arith.constant 12 : i32
        %add3A_652 = arith.addi %mul3A_650, %add3A_651 : i32
        %dma_wait3A_653 = arith.constant 0 : i32
        %dma_wait3A_654 = tpu.memref_slice %arg49[%add3A_652, %dma_wait3A_653] : memref<424x128xf32, #tpu.memory_space<vmem>> -> memref<1x128xf32, #tpu.memory_space<vmem>>
        %dma_wait3A_655 = tpu.memref_squeeze %dma_wait3A_654 : memref<1x128xf32, #tpu.memory_space<vmem>> -> memref<128xf32, #tpu.memory_space<vmem>>
        %dma_wait3A_656 = arith.constant 0 : i32
        %dma_wait3A_657 = tpu.memref_slice %arg47[%scan3A_504, %dma_wait3A_656] : memref<26x128xi32, #tpu.memory_space<vmem>> -> memref<1x128xi32, #tpu.memory_space<vmem>>
        %dma_wait3A_658 = tpu.memref_squeeze %dma_wait3A_657 : memref<1x128xi32, #tpu.memory_space<vmem>> -> memref<128xi32, #tpu.memory_space<vmem>>
        %dma_wait3A_659 = arith.constant 0 : i32
        %dma_wait3A_660 = tpu.memref_slice %arg40[%dma_wait3A_659] : memref<2609152xf32, #tpu.memory_space<hbm>> -> memref<2609152xf32, #tpu.memory_space<hbm>>
        tpu.wait_indirect_dma semaphore(%arg51 : memref<!tpu.dma_semaphore, #tpu.memory_space<semaphore_mem>>) src(%dma_wait3A_660 : memref<2609152xf32, #tpu.memory_space<hbm>>) dst(%dma_wait3A_655 : memref<128xf32, #tpu.memory_space<vmem>>)
        %mul3A_661 = arith.constant 16 : i32
        %mul3A_662 = arith.muli %scan3A_504, %mul3A_661 : i32
        %add3A_663 = arith.constant 13 : i32
        %add3A_664 = arith.addi %mul3A_662, %add3A_663 : i32
        %dma_wait3A_665 = arith.constant 0 : i32
        %dma_wait3A_666 = tpu.memref_slice %arg49[%add3A_664, %dma_wait3A_665] : memref<424x128xf32, #tpu.memory_space<vmem>> -> memref<1x128xf32, #tpu.memory_space<vmem>>
        %dma_wait3A_667 = tpu.memref_squeeze %dma_wait3A_666 : memref<1x128xf32, #tpu.memory_space<vmem>> -> memref<128xf32, #tpu.memory_space<vmem>>
        %dma_wait3A_668 = arith.constant 0 : i32
        %dma_wait3A_669 = tpu.memref_slice %arg47[%scan3A_504, %dma_wait3A_668] : memref<26x128xi32, #tpu.memory_space<vmem>> -> memref<1x128xi32, #tpu.memory_space<vmem>>
        %dma_wait3A_670 = tpu.memref_squeeze %dma_wait3A_669 : memref<1x128xi32, #tpu.memory_space<vmem>> -> memref<128xi32, #tpu.memory_space<vmem>>
        %dma_wait3A_671 = arith.constant 0 : i32
        %dma_wait3A_672 = tpu.memref_slice %arg41[%dma_wait3A_671] : memref<2609152xf32, #tpu.memory_space<hbm>> -> memref<2609152xf32, #tpu.memory_space<hbm>>
        tpu.wait_indirect_dma semaphore(%arg51 : memref<!tpu.dma_semaphore, #tpu.memory_space<semaphore_mem>>) src(%dma_wait3A_672 : memref<2609152xf32, #tpu.memory_space<hbm>>) dst(%dma_wait3A_667 : memref<128xf32, #tpu.memory_space<vmem>>)
        %mul3A_673 = arith.constant 16 : i32
        %mul3A_674 = arith.muli %scan3A_504, %mul3A_673 : i32
        %add3A_675 = arith.constant 14 : i32
        %add3A_676 = arith.addi %mul3A_674, %add3A_675 : i32
        %dma_wait3A_677 = arith.constant 0 : i32
        %dma_wait3A_678 = tpu.memref_slice %arg49[%add3A_676, %dma_wait3A_677] : memref<424x128xf32, #tpu.memory_space<vmem>> -> memref<1x128xf32, #tpu.memory_space<vmem>>
        %dma_wait3A_679 = tpu.memref_squeeze %dma_wait3A_678 : memref<1x128xf32, #tpu.memory_space<vmem>> -> memref<128xf32, #tpu.memory_space<vmem>>
        %dma_wait3A_680 = arith.constant 0 : i32
        %dma_wait3A_681 = tpu.memref_slice %arg47[%scan3A_504, %dma_wait3A_680] : memref<26x128xi32, #tpu.memory_space<vmem>> -> memref<1x128xi32, #tpu.memory_space<vmem>>
        %dma_wait3A_682 = tpu.memref_squeeze %dma_wait3A_681 : memref<1x128xi32, #tpu.memory_space<vmem>> -> memref<128xi32, #tpu.memory_space<vmem>>
        %dma_wait3A_683 = arith.constant 0 : i32
        %dma_wait3A_684 = tpu.memref_slice %arg42[%dma_wait3A_683] : memref<2609152xf32, #tpu.memory_space<hbm>> -> memref<2609152xf32, #tpu.memory_space<hbm>>
        tpu.wait_indirect_dma semaphore(%arg51 : memref<!tpu.dma_semaphore, #tpu.memory_space<semaphore_mem>>) src(%dma_wait3A_684 : memref<2609152xf32, #tpu.memory_space<hbm>>) dst(%dma_wait3A_679 : memref<128xf32, #tpu.memory_space<vmem>>)
        %mul3A_685 = arith.constant 16 : i32
        %mul3A_686 = arith.muli %scan3A_504, %mul3A_685 : i32
        %add3A_687 = arith.constant 15 : i32
        %add3A_688 = arith.addi %mul3A_686, %add3A_687 : i32
        %dma_wait3A_689 = arith.constant 0 : i32
        %dma_wait3A_690 = tpu.memref_slice %arg49[%add3A_688, %dma_wait3A_689] : memref<424x128xf32, #tpu.memory_space<vmem>> -> memref<1x128xf32, #tpu.memory_space<vmem>>
        %dma_wait3A_691 = tpu.memref_squeeze %dma_wait3A_690 : memref<1x128xf32, #tpu.memory_space<vmem>> -> memref<128xf32, #tpu.memory_space<vmem>>
        %dma_wait3A_692 = arith.constant 0 : i32
        %dma_wait3A_693 = tpu.memref_slice %arg47[%scan3A_504, %dma_wait3A_692] : memref<26x128xi32, #tpu.memory_space<vmem>> -> memref<1x128xi32, #tpu.memory_space<vmem>>
        %dma_wait3A_694 = tpu.memref_squeeze %dma_wait3A_693 : memref<1x128xi32, #tpu.memory_space<vmem>> -> memref<128xi32, #tpu.memory_space<vmem>>
        %dma_wait3A_695 = arith.constant 0 : i32
        %dma_wait3A_696 = tpu.memref_slice %arg43[%dma_wait3A_695] : memref<2609152xf32, #tpu.memory_space<hbm>> -> memref<2609152xf32, #tpu.memory_space<hbm>>
        tpu.wait_indirect_dma semaphore(%arg51 : memref<!tpu.dma_semaphore, #tpu.memory_space<semaphore_mem>>) src(%dma_wait3A_696 : memref<2609152xf32, #tpu.memory_space<hbm>>) dst(%dma_wait3A_691 : memref<128xf32, #tpu.memory_space<vmem>>)
        %dma_wait3A_697 = arith.constant 0 : i32
        %dma_wait3A_698 = tpu.memref_slice %arg50[%scan3A_504, %dma_wait3A_697] : memref<26x128xf32, #tpu.memory_space<vmem>> -> memref<1x128xf32, #tpu.memory_space<vmem>>
        %dma_wait3A_699 = tpu.memref_squeeze %dma_wait3A_698 : memref<1x128xf32, #tpu.memory_space<vmem>> -> memref<128xf32, #tpu.memory_space<vmem>>
        %dma_wait3A_700 = arith.constant 0 : i32
        %dma_wait3A_701 = tpu.memref_slice %arg48[%scan3A_504, %dma_wait3A_700] : memref<26x128xi32, #tpu.memory_space<vmem>> -> memref<1x128xi32, #tpu.memory_space<vmem>>
        %dma_wait3A_702 = tpu.memref_squeeze %dma_wait3A_701 : memref<1x128xi32, #tpu.memory_space<vmem>> -> memref<128xi32, #tpu.memory_space<vmem>>
        %dma_wait3A_703 = arith.constant 0 : i32
        %dma_wait3A_704 = tpu.memref_slice %arg44[%dma_wait3A_703] : memref<2600000xf32, #tpu.memory_space<hbm>> -> memref<2600000xf32, #tpu.memory_space<hbm>>
        tpu.wait_indirect_dma semaphore(%arg52 : memref<!tpu.dma_semaphore, #tpu.memory_space<semaphore_mem>>) src(%dma_wait3A_704 : memref<2600000xf32, #tpu.memory_space<hbm>>) dst(%dma_wait3A_699 : memref<128xf32, #tpu.memory_space<vmem>>)
      }
      %scan3A_495 = arith.constant 26 : i32
      %scan3A_496 = arith.constant 0 : i32
      %scan3A_497 = arith.constant 0 : i32
      %scan3A_498 = arith.constant 8 : i32
      %scan3A_499 = arith.addi %scan3A_497, %scan3A_498 : i32
      %scan3A_500 = arith.constant 1 : i32
      scf.for %scan3A_504 = %scan3A_497 to %scan3A_499 step %scan3A_500  : i32 {
        %mul3A_505 = arith.constant 16 : i32
        %mul3A_506 = arith.muli %scan3A_504, %mul3A_505 : i32
        %get3A = arith.constant 0 : i32
        %get3A_507 = arith.index_cast %get3A : i32 to index
        %get3A_508 = arith.index_cast %mul3A_506 : i32 to index
        %get3A_509 = tpu.vector_load %arg50[%get3A_507, %get3A_508] {strides = array<i32>} : memref<26x128xf32, #tpu.memory_space<vmem>>, vector<16xf32>,
        %scan3A_510 = arith.constant 1 : i32
        %scan3A_511 = arith.constant 25 : i32
        %scan3A_512 = arith.addi %scan3A_510, %scan3A_511 : i32
        %scan3A_513 = arith.constant 1 : i32
        %scan3A_514 = scf.for %scan3A_521 = %scan3A_510 to %scan3A_512 step %scan3A_513 iter_args(%scan3A_522 = %get3A_509) -> (vector<16xf32>)  : i32 {
          %mul3A_523 = arith.constant 16 : i32
          %mul3A_524 = arith.muli %scan3A_504, %mul3A_523 : i32
          %get3A_525 = arith.index_cast %scan3A_521 : i32 to index
          %get3A_526 = arith.index_cast %mul3A_524 : i32 to index
          %get3A_527 = tpu.vector_load %arg50[%get3A_525, %get3A_526] {strides = array<i32>} : memref<26x128xf32, #tpu.memory_space<vmem>>, vector<16xf32>,
          %add3A_528 = arith.addf %scan3A_522, %get3A_527 : vector<16xf32>
          scf.yield %add3A_528 : vector<16xf32>
        }
        %scan3A_515 = arith.constant 25 : i32
        %mul3A_516 = arith.constant 16 : i32
        %mul3A_517 = arith.muli %scan3A_504, %mul3A_516 : i32
        %swap3A = arith.constant 416 : i32
        %swap3A_518 = arith.index_cast %swap3A : i32 to index
        %swap3A_519 = arith.index_cast %mul3A_517 : i32 to index
        %swap3A_520 = tpu.vector_load %arg49[%swap3A_518, %swap3A_519] {strides = array<i32>} : memref<424x128xf32, #tpu.memory_space<vmem>>, vector<16xf32>,
        tpu.vector_store %arg49[%swap3A_518, %swap3A_519], %scan3A_514 {strides = array<i32>} : memref<424x128xf32, #tpu.memory_space<vmem>>, vector<16xf32>,
      }
      %scan3A_501 = arith.constant 8 : i32
      %mul3A_502 = arith.constant 424 : i32
      %mul3A_503 = arith.muli %add3A_477, %mul3A_502 : i32
      "tpu.region"() ({
        %run_scoped3A = tpu.sem_alloc : memref<!tpu.dma_semaphore, #tpu.memory_space<semaphore_mem>>
        %dma_start3A_504 = arith.constant 0 : i32
        %dma_start3A_505 = tpu.memref_slice %arg45[%mul3A_503, %dma_start3A_504] : memref<54272x128xf32, #tpu.memory_space<hbm>> -> memref<424x128xf32, #tpu.memory_space<hbm>>
        %dma_start3A_506 = arith.constant 0 : i32
        %dma_start3A_507 = tpu.memref_slice %arg45[%mul3A_503, %dma_start3A_506] : memref<54272x128xf32, #tpu.memory_space<hbm>> -> memref<424x128xf32, #tpu.memory_space<hbm>>
        tpu.enqueue_dma source(%arg49 : memref<424x128xf32, #tpu.memory_space<vmem>>) target(%dma_start3A_507 : memref<424x128xf32, #tpu.memory_space<hbm>>) target_semaphore(%run_scoped3A : memref<!tpu.dma_semaphore, #tpu.memory_space<semaphore_mem>>)
        %dma_wait3A_508 = arith.constant 0 : i32
        %dma_wait3A_509 = tpu.memref_slice %arg45[%mul3A_503, %dma_wait3A_508] : memref<54272x128xf32, #tpu.memory_space<hbm>> -> memref<424x128xf32, #tpu.memory_space<hbm>>
        %dma_wait3A_510 = arith.constant 0 : i32
        %dma_wait3A_511 = tpu.memref_slice %arg45[%mul3A_503, %dma_wait3A_510] : memref<54272x128xf32, #tpu.memory_space<hbm>> -> memref<424x128xf32, #tpu.memory_space<hbm>>
        tpu.wait_dma2 semaphore(%run_scoped3A : memref<!tpu.dma_semaphore, #tpu.memory_space<semaphore_mem>>) src(%arg49 : memref<424x128xf32, #tpu.memory_space<vmem>>) dst(%dma_wait3A_511 : memref<424x128xf32, #tpu.memory_space<hbm>>)
        tpu.yield
      }) : () -> ()
    }
    %scan3A_473 = arith.constant 4 : i32
    return
  }
}

module attributes {stable_mosaic.version = 14 : i64} {
  func.func @_slice_body(%arg0: i32, %arg1: memref<26x16x2048xf32, #tpu.memory_space<vmem>>, %arg2: memref<416x128xf32, #tpu.memory_space<vmem>>, %arg3: memref<416x128xf32, #tpu.memory_space<vmem>>, %arg4: memref<416x128xf32, #tpu.memory_space<vmem>>, %arg5: memref<416x128xf32, #tpu.memory_space<vmem>>, %arg6: memref<416x128xf32, #tpu.memory_space<vmem>>, %arg7: memref<416x128xf32, #tpu.memory_space<vmem>>, %arg8: memref<416x128xf32, #tpu.memory_space<vmem>>, %arg9: memref<416x128xf32, #tpu.memory_space<vmem>>, %arg10: memref<416x128xf32, #tpu.memory_space<vmem>>, %arg11: memref<416x128xf32, #tpu.memory_space<vmem>>, %arg12: memref<416x128xf32, #tpu.memory_space<vmem>>, %arg13: memref<416x128xf32, #tpu.memory_space<vmem>>, %arg14: memref<416x128xf32, #tpu.memory_space<vmem>>, %arg15: memref<416x128xf32, #tpu.memory_space<vmem>>, %arg16: memref<416x128xf32, #tpu.memory_space<vmem>>, %arg17: memref<416x128xf32, #tpu.memory_space<vmem>>) attributes {dimension_semantics = [#tpu.dimension_semantics<arbitrary>], iteration_bounds = array<i64: 49>, scalar_prefetch = 0 : i64, scratch_operands = 0 : i64, tpu.core_type = #tpu.core_type<tc>, window_params = [{transform_indices = @transform_0, window_bounds = array<i64: 26, 16, 2048>}, {transform_indices = @transform_1, window_bounds = array<i64: 416, 128>}, {transform_indices = @transform_2, window_bounds = array<i64: 416, 128>}, {transform_indices = @transform_3, window_bounds = array<i64: 416, 128>}, {transform_indices = @transform_4, window_bounds = array<i64: 416, 128>}, {transform_indices = @transform_5, window_bounds = array<i64: 416, 128>}, {transform_indices = @transform_6, window_bounds = array<i64: 416, 128>}, {transform_indices = @transform_7, window_bounds = array<i64: 416, 128>}, {transform_indices = @transform_8, window_bounds = array<i64: 416, 128>}, {transform_indices = @transform_9, window_bounds = array<i64: 416, 128>}, {transform_indices = @transform_10, window_bounds = array<i64: 416, 128>}, {transform_indices = @transform_11, window_bounds = array<i64: 416, 128>}, {transform_indices = @transform_12, window_bounds = array<i64: 416, 128>}, {transform_indices = @transform_13, window_bounds = array<i64: 416, 128>}, {transform_indices = @transform_14, window_bounds = array<i64: 416, 128>}, {transform_indices = @transform_15, window_bounds = array<i64: 416, 128>}, {transform_indices = @transform_16, window_bounds = array<i64: 416, 128>}]} {
    %get3A = arith.constant 0 : index
    %get3A_0 = arith.constant 0 : index
    %get3A_1 = arith.constant 0 : index
    %get3A_2 = vector.load %arg1[%get3A, %get3A_0, %get3A_1] : memref<26x16x2048xf32, #tpu.memory_space<vmem>>, vector<26x16x2048xf32>
    %slice3A = vector.extract_strided_slice %get3A_2 {offsets = [0, 0, 0], sizes = [26, 1, 2048], strides = [1, 1, 1]} : vector<26x16x2048xf32> to vector<26x1x2048xf32>
    %squeeze3A = vector.shape_cast %slice3A : vector<26x1x2048xf32> to vector<26x2048xf32>
    %reshape3A = vector.shape_cast %squeeze3A : vector<26x2048xf32> to vector<416x128xf32>
    %swap3A = arith.constant 0 : index
    %swap3A_3 = arith.constant 0 : index
    %swap3A_4 = vector.load %arg2[%swap3A, %swap3A_3] : memref<416x128xf32, #tpu.memory_space<vmem>>, vector<416x128xf32>
    tpu.vector_store %arg2[%swap3A, %swap3A_3], %reshape3A {strides = array<i32>} : memref<416x128xf32, #tpu.memory_space<vmem>>, vector<416x128xf32>,
    %slice3A_5 = vector.extract_strided_slice %get3A_2 {offsets = [0, 1, 0], sizes = [26, 1, 2048], strides = [1, 1, 1]} : vector<26x16x2048xf32> to vector<26x1x2048xf32>
    %squeeze3A_6 = vector.shape_cast %slice3A_5 : vector<26x1x2048xf32> to vector<26x2048xf32>
    %reshape3A_7 = vector.shape_cast %squeeze3A_6 : vector<26x2048xf32> to vector<416x128xf32>
    %swap3A_8 = arith.constant 0 : index
    %swap3A_9 = arith.constant 0 : index
    %swap3A_10 = vector.load %arg3[%swap3A_8, %swap3A_9] : memref<416x128xf32, #tpu.memory_space<vmem>>, vector<416x128xf32>
    tpu.vector_store %arg3[%swap3A_8, %swap3A_9], %reshape3A_7 {strides = array<i32>} : memref<416x128xf32, #tpu.memory_space<vmem>>, vector<416x128xf32>,
    %slice3A_11 = vector.extract_strided_slice %get3A_2 {offsets = [0, 2, 0], sizes = [26, 1, 2048], strides = [1, 1, 1]} : vector<26x16x2048xf32> to vector<26x1x2048xf32>
    %squeeze3A_12 = vector.shape_cast %slice3A_11 : vector<26x1x2048xf32> to vector<26x2048xf32>
    %reshape3A_13 = vector.shape_cast %squeeze3A_12 : vector<26x2048xf32> to vector<416x128xf32>
    %swap3A_14 = arith.constant 0 : index
    %swap3A_15 = arith.constant 0 : index
    %swap3A_16 = vector.load %arg4[%swap3A_14, %swap3A_15] : memref<416x128xf32, #tpu.memory_space<vmem>>, vector<416x128xf32>
    tpu.vector_store %arg4[%swap3A_14, %swap3A_15], %reshape3A_13 {strides = array<i32>} : memref<416x128xf32, #tpu.memory_space<vmem>>, vector<416x128xf32>,
    %slice3A_17 = vector.extract_strided_slice %get3A_2 {offsets = [0, 3, 0], sizes = [26, 1, 2048], strides = [1, 1, 1]} : vector<26x16x2048xf32> to vector<26x1x2048xf32>
    %squeeze3A_18 = vector.shape_cast %slice3A_17 : vector<26x1x2048xf32> to vector<26x2048xf32>
    %reshape3A_19 = vector.shape_cast %squeeze3A_18 : vector<26x2048xf32> to vector<416x128xf32>
    %swap3A_20 = arith.constant 0 : index
    %swap3A_21 = arith.constant 0 : index
    %swap3A_22 = vector.load %arg5[%swap3A_20, %swap3A_21] : memref<416x128xf32, #tpu.memory_space<vmem>>, vector<416x128xf32>
    tpu.vector_store %arg5[%swap3A_20, %swap3A_21], %reshape3A_19 {strides = array<i32>} : memref<416x128xf32, #tpu.memory_space<vmem>>, vector<416x128xf32>,
    %slice3A_23 = vector.extract_strided_slice %get3A_2 {offsets = [0, 4, 0], sizes = [26, 1, 2048], strides = [1, 1, 1]} : vector<26x16x2048xf32> to vector<26x1x2048xf32>
    %squeeze3A_24 = vector.shape_cast %slice3A_23 : vector<26x1x2048xf32> to vector<26x2048xf32>
    %reshape3A_25 = vector.shape_cast %squeeze3A_24 : vector<26x2048xf32> to vector<416x128xf32>
    %swap3A_26 = arith.constant 0 : index
    %swap3A_27 = arith.constant 0 : index
    %swap3A_28 = vector.load %arg6[%swap3A_26, %swap3A_27] : memref<416x128xf32, #tpu.memory_space<vmem>>, vector<416x128xf32>
    tpu.vector_store %arg6[%swap3A_26, %swap3A_27], %reshape3A_25 {strides = array<i32>} : memref<416x128xf32, #tpu.memory_space<vmem>>, vector<416x128xf32>,
    %slice3A_29 = vector.extract_strided_slice %get3A_2 {offsets = [0, 5, 0], sizes = [26, 1, 2048], strides = [1, 1, 1]} : vector<26x16x2048xf32> to vector<26x1x2048xf32>
    %squeeze3A_30 = vector.shape_cast %slice3A_29 : vector<26x1x2048xf32> to vector<26x2048xf32>
    %reshape3A_31 = vector.shape_cast %squeeze3A_30 : vector<26x2048xf32> to vector<416x128xf32>
    %swap3A_32 = arith.constant 0 : index
    %swap3A_33 = arith.constant 0 : index
    %swap3A_34 = vector.load %arg7[%swap3A_32, %swap3A_33] : memref<416x128xf32, #tpu.memory_space<vmem>>, vector<416x128xf32>
    tpu.vector_store %arg7[%swap3A_32, %swap3A_33], %reshape3A_31 {strides = array<i32>} : memref<416x128xf32, #tpu.memory_space<vmem>>, vector<416x128xf32>,
    %slice3A_35 = vector.extract_strided_slice %get3A_2 {offsets = [0, 6, 0], sizes = [26, 1, 2048], strides = [1, 1, 1]} : vector<26x16x2048xf32> to vector<26x1x2048xf32>
    %squeeze3A_36 = vector.shape_cast %slice3A_35 : vector<26x1x2048xf32> to vector<26x2048xf32>
    %reshape3A_37 = vector.shape_cast %squeeze3A_36 : vector<26x2048xf32> to vector<416x128xf32>
    %swap3A_38 = arith.constant 0 : index
    %swap3A_39 = arith.constant 0 : index
    %swap3A_40 = vector.load %arg8[%swap3A_38, %swap3A_39] : memref<416x128xf32, #tpu.memory_space<vmem>>, vector<416x128xf32>
    tpu.vector_store %arg8[%swap3A_38, %swap3A_39], %reshape3A_37 {strides = array<i32>} : memref<416x128xf32, #tpu.memory_space<vmem>>, vector<416x128xf32>,
    %slice3A_41 = vector.extract_strided_slice %get3A_2 {offsets = [0, 7, 0], sizes = [26, 1, 2048], strides = [1, 1, 1]} : vector<26x16x2048xf32> to vector<26x1x2048xf32>
    %squeeze3A_42 = vector.shape_cast %slice3A_41 : vector<26x1x2048xf32> to vector<26x2048xf32>
    %reshape3A_43 = vector.shape_cast %squeeze3A_42 : vector<26x2048xf32> to vector<416x128xf32>
    %swap3A_44 = arith.constant 0 : index
    %swap3A_45 = arith.constant 0 : index
    %swap3A_46 = vector.load %arg9[%swap3A_44, %swap3A_45] : memref<416x128xf32, #tpu.memory_space<vmem>>, vector<416x128xf32>
    tpu.vector_store %arg9[%swap3A_44, %swap3A_45], %reshape3A_43 {strides = array<i32>} : memref<416x128xf32, #tpu.memory_space<vmem>>, vector<416x128xf32>,
    %slice3A_47 = vector.extract_strided_slice %get3A_2 {offsets = [0, 8, 0], sizes = [26, 1, 2048], strides = [1, 1, 1]} : vector<26x16x2048xf32> to vector<26x1x2048xf32>
    %squeeze3A_48 = vector.shape_cast %slice3A_47 : vector<26x1x2048xf32> to vector<26x2048xf32>
    %reshape3A_49 = vector.shape_cast %squeeze3A_48 : vector<26x2048xf32> to vector<416x128xf32>
    %swap3A_50 = arith.constant 0 : index
    %swap3A_51 = arith.constant 0 : index
    %swap3A_52 = vector.load %arg10[%swap3A_50, %swap3A_51] : memref<416x128xf32, #tpu.memory_space<vmem>>, vector<416x128xf32>
    tpu.vector_store %arg10[%swap3A_50, %swap3A_51], %reshape3A_49 {strides = array<i32>} : memref<416x128xf32, #tpu.memory_space<vmem>>, vector<416x128xf32>,
    %slice3A_53 = vector.extract_strided_slice %get3A_2 {offsets = [0, 9, 0], sizes = [26, 1, 2048], strides = [1, 1, 1]} : vector<26x16x2048xf32> to vector<26x1x2048xf32>
    %squeeze3A_54 = vector.shape_cast %slice3A_53 : vector<26x1x2048xf32> to vector<26x2048xf32>
    %reshape3A_55 = vector.shape_cast %squeeze3A_54 : vector<26x2048xf32> to vector<416x128xf32>
    %swap3A_56 = arith.constant 0 : index
    %swap3A_57 = arith.constant 0 : index
    %swap3A_58 = vector.load %arg11[%swap3A_56, %swap3A_57] : memref<416x128xf32, #tpu.memory_space<vmem>>, vector<416x128xf32>
    tpu.vector_store %arg11[%swap3A_56, %swap3A_57], %reshape3A_55 {strides = array<i32>} : memref<416x128xf32, #tpu.memory_space<vmem>>, vector<416x128xf32>,
    %slice3A_59 = vector.extract_strided_slice %get3A_2 {offsets = [0, 10, 0], sizes = [26, 1, 2048], strides = [1, 1, 1]} : vector<26x16x2048xf32> to vector<26x1x2048xf32>
    %squeeze3A_60 = vector.shape_cast %slice3A_59 : vector<26x1x2048xf32> to vector<26x2048xf32>
    %reshape3A_61 = vector.shape_cast %squeeze3A_60 : vector<26x2048xf32> to vector<416x128xf32>
    %swap3A_62 = arith.constant 0 : index
    %swap3A_63 = arith.constant 0 : index
    %swap3A_64 = vector.load %arg12[%swap3A_62, %swap3A_63] : memref<416x128xf32, #tpu.memory_space<vmem>>, vector<416x128xf32>
    tpu.vector_store %arg12[%swap3A_62, %swap3A_63], %reshape3A_61 {strides = array<i32>} : memref<416x128xf32, #tpu.memory_space<vmem>>, vector<416x128xf32>,
    %slice3A_65 = vector.extract_strided_slice %get3A_2 {offsets = [0, 11, 0], sizes = [26, 1, 2048], strides = [1, 1, 1]} : vector<26x16x2048xf32> to vector<26x1x2048xf32>
    %squeeze3A_66 = vector.shape_cast %slice3A_65 : vector<26x1x2048xf32> to vector<26x2048xf32>
    %reshape3A_67 = vector.shape_cast %squeeze3A_66 : vector<26x2048xf32> to vector<416x128xf32>
    %swap3A_68 = arith.constant 0 : index
    %swap3A_69 = arith.constant 0 : index
    %swap3A_70 = vector.load %arg13[%swap3A_68, %swap3A_69] : memref<416x128xf32, #tpu.memory_space<vmem>>, vector<416x128xf32>
    tpu.vector_store %arg13[%swap3A_68, %swap3A_69], %reshape3A_67 {strides = array<i32>} : memref<416x128xf32, #tpu.memory_space<vmem>>, vector<416x128xf32>,
    %slice3A_71 = vector.extract_strided_slice %get3A_2 {offsets = [0, 12, 0], sizes = [26, 1, 2048], strides = [1, 1, 1]} : vector<26x16x2048xf32> to vector<26x1x2048xf32>
    %squeeze3A_72 = vector.shape_cast %slice3A_71 : vector<26x1x2048xf32> to vector<26x2048xf32>
    %reshape3A_73 = vector.shape_cast %squeeze3A_72 : vector<26x2048xf32> to vector<416x128xf32>
    %swap3A_74 = arith.constant 0 : index
    %swap3A_75 = arith.constant 0 : index
    %swap3A_76 = vector.load %arg14[%swap3A_74, %swap3A_75] : memref<416x128xf32, #tpu.memory_space<vmem>>, vector<416x128xf32>
    tpu.vector_store %arg14[%swap3A_74, %swap3A_75], %reshape3A_73 {strides = array<i32>} : memref<416x128xf32, #tpu.memory_space<vmem>>, vector<416x128xf32>,
    %slice3A_77 = vector.extract_strided_slice %get3A_2 {offsets = [0, 13, 0], sizes = [26, 1, 2048], strides = [1, 1, 1]} : vector<26x16x2048xf32> to vector<26x1x2048xf32>
    %squeeze3A_78 = vector.shape_cast %slice3A_77 : vector<26x1x2048xf32> to vector<26x2048xf32>
    %reshape3A_79 = vector.shape_cast %squeeze3A_78 : vector<26x2048xf32> to vector<416x128xf32>
    %swap3A_80 = arith.constant 0 : index
    %swap3A_81 = arith.constant 0 : index
    %swap3A_82 = vector.load %arg15[%swap3A_80, %swap3A_81] : memref<416x128xf32, #tpu.memory_space<vmem>>, vector<416x128xf32>
    tpu.vector_store %arg15[%swap3A_80, %swap3A_81], %reshape3A_79 {strides = array<i32>} : memref<416x128xf32, #tpu.memory_space<vmem>>, vector<416x128xf32>,
    %slice3A_83 = vector.extract_strided_slice %get3A_2 {offsets = [0, 14, 0], sizes = [26, 1, 2048], strides = [1, 1, 1]} : vector<26x16x2048xf32> to vector<26x1x2048xf32>
    %squeeze3A_84 = vector.shape_cast %slice3A_83 : vector<26x1x2048xf32> to vector<26x2048xf32>
    %reshape3A_85 = vector.shape_cast %squeeze3A_84 : vector<26x2048xf32> to vector<416x128xf32>
    %swap3A_86 = arith.constant 0 : index
    %swap3A_87 = arith.constant 0 : index
    %swap3A_88 = vector.load %arg16[%swap3A_86, %swap3A_87] : memref<416x128xf32, #tpu.memory_space<vmem>>, vector<416x128xf32>
    tpu.vector_store %arg16[%swap3A_86, %swap3A_87], %reshape3A_85 {strides = array<i32>} : memref<416x128xf32, #tpu.memory_space<vmem>>, vector<416x128xf32>,
    %slice3A_89 = vector.extract_strided_slice %get3A_2 {offsets = [0, 15, 0], sizes = [26, 1, 2048], strides = [1, 1, 1]} : vector<26x16x2048xf32> to vector<26x1x2048xf32>
    %squeeze3A_90 = vector.shape_cast %slice3A_89 : vector<26x1x2048xf32> to vector<26x2048xf32>
    %reshape3A_91 = vector.shape_cast %squeeze3A_90 : vector<26x2048xf32> to vector<416x128xf32>
    %swap3A_92 = arith.constant 0 : index
    %swap3A_93 = arith.constant 0 : index
    %swap3A_94 = vector.load %arg17[%swap3A_92, %swap3A_93] : memref<416x128xf32, #tpu.memory_space<vmem>>, vector<416x128xf32>
    tpu.vector_store %arg17[%swap3A_92, %swap3A_93], %reshape3A_91 {strides = array<i32>} : memref<416x128xf32, #tpu.memory_space<vmem>>, vector<416x128xf32>,
    return
  }
  func.func @transform_0(%arg0: i32) -> (i32, i32, i32) {
    %c0_i32 = arith.constant 0 : i32
    %c0_i32_0 = arith.constant 0 : i32
    %c0_i32_1 = arith.constant 0 : i32
    return %c0_i32, %c0_i32_0, %arg0 : i32, i32, i32
  }
  func.func @transform_1(%arg0: i32) -> (i32, i32) {
    %c0_i32 = arith.constant 0 : i32
    %c0_i32_0 = arith.constant 0 : i32
    return %arg0, %c0_i32 : i32, i32
  }
  func.func @transform_2(%arg0: i32) -> (i32, i32) {
    %c0_i32 = arith.constant 0 : i32
    %c0_i32_0 = arith.constant 0 : i32
    return %arg0, %c0_i32 : i32, i32
  }
  func.func @transform_3(%arg0: i32) -> (i32, i32) {
    %c0_i32 = arith.constant 0 : i32
    %c0_i32_0 = arith.constant 0 : i32
    return %arg0, %c0_i32 : i32, i32
  }
  func.func @transform_4(%arg0: i32) -> (i32, i32) {
    %c0_i32 = arith.constant 0 : i32
    %c0_i32_0 = arith.constant 0 : i32
    return %arg0, %c0_i32 : i32, i32
  }
  func.func @transform_5(%arg0: i32) -> (i32, i32) {
    %c0_i32 = arith.constant 0 : i32
    %c0_i32_0 = arith.constant 0 : i32
    return %arg0, %c0_i32 : i32, i32
  }
  func.func @transform_6(%arg0: i32) -> (i32, i32) {
    %c0_i32 = arith.constant 0 : i32
    %c0_i32_0 = arith.constant 0 : i32
    return %arg0, %c0_i32 : i32, i32
  }
  func.func @transform_7(%arg0: i32) -> (i32, i32) {
    %c0_i32 = arith.constant 0 : i32
    %c0_i32_0 = arith.constant 0 : i32
    return %arg0, %c0_i32 : i32, i32
  }
  func.func @transform_8(%arg0: i32) -> (i32, i32) {
    %c0_i32 = arith.constant 0 : i32
    %c0_i32_0 = arith.constant 0 : i32
    return %arg0, %c0_i32 : i32, i32
  }
  func.func @transform_9(%arg0: i32) -> (i32, i32) {
    %c0_i32 = arith.constant 0 : i32
    %c0_i32_0 = arith.constant 0 : i32
    return %arg0, %c0_i32 : i32, i32
  }
  func.func @transform_10(%arg0: i32) -> (i32, i32) {
    %c0_i32 = arith.constant 0 : i32
    %c0_i32_0 = arith.constant 0 : i32
    return %arg0, %c0_i32 : i32, i32
  }
  func.func @transform_11(%arg0: i32) -> (i32, i32) {
    %c0_i32 = arith.constant 0 : i32
    %c0_i32_0 = arith.constant 0 : i32
    return %arg0, %c0_i32 : i32, i32
  }
  func.func @transform_12(%arg0: i32) -> (i32, i32) {
    %c0_i32 = arith.constant 0 : i32
    %c0_i32_0 = arith.constant 0 : i32
    return %arg0, %c0_i32 : i32, i32
  }
  func.func @transform_13(%arg0: i32) -> (i32, i32) {
    %c0_i32 = arith.constant 0 : i32
    %c0_i32_0 = arith.constant 0 : i32
    return %arg0, %c0_i32 : i32, i32
  }
  func.func @transform_14(%arg0: i32) -> (i32, i32) {
    %c0_i32 = arith.constant 0 : i32
    %c0_i32_0 = arith.constant 0 : i32
    return %arg0, %c0_i32 : i32, i32
  }
  func.func @transform_15(%arg0: i32) -> (i32, i32) {
    %c0_i32 = arith.constant 0 : i32
    %c0_i32_0 = arith.constant 0 : i32
    return %arg0, %c0_i32 : i32, i32
  }
  func.func @transform_16(%arg0: i32) -> (i32, i32) {
    %c0_i32 = arith.constant 0 : i32
    %c0_i32_0 = arith.constant 0 : i32
    return %arg0, %c0_i32 : i32, i32
  }
}

module attributes {stable_mosaic.version = 14 : i64} {
  func.func @_tc_body(%arg0: i32, %arg1: memref<3392x128xf32, #tpu.memory_space<vmem>>, %arg2: memref<256x416xf32, #tpu.memory_space<vmem>>, %arg3: memref<256x1xf32, #tpu.memory_space<vmem>>, %arg4: memref<128x256xf32, #tpu.memory_space<vmem>>, %arg5: memref<128x1xf32, #tpu.memory_space<vmem>>, %arg6: memref<64x128xf32, #tpu.memory_space<vmem>>, %arg7: memref<64x1xf32, #tpu.memory_space<vmem>>, %arg8: memref<1x64xf32, #tpu.memory_space<vmem>>, %arg9: memref<1x1xf32, #tpu.memory_space<vmem>>, %arg10: memref<8x128xf32, #tpu.memory_space<vmem>>) attributes {dimension_semantics = [#tpu.dimension_semantics<arbitrary>], iteration_bounds = array<i64: 16>, scalar_prefetch = 0 : i64, scratch_operands = 0 : i64, tpu.core_type = #tpu.core_type<tc>, window_params = [{transform_indices = @transform_0, window_bounds = array<i64: 3392, 128>}, {pipeline_mode = #tpu.pipeline_mode<synchronous>, transform_indices = @transform_1, window_bounds = array<i64: 256, 416>}, {pipeline_mode = #tpu.pipeline_mode<synchronous>, transform_indices = @transform_2, window_bounds = array<i64: 256, 1>}, {pipeline_mode = #tpu.pipeline_mode<synchronous>, transform_indices = @transform_3, window_bounds = array<i64: 128, 256>}, {pipeline_mode = #tpu.pipeline_mode<synchronous>, transform_indices = @transform_4, window_bounds = array<i64: 128, 1>}, {pipeline_mode = #tpu.pipeline_mode<synchronous>, transform_indices = @transform_5, window_bounds = array<i64: 64, 128>}, {pipeline_mode = #tpu.pipeline_mode<synchronous>, transform_indices = @transform_6, window_bounds = array<i64: 64, 1>}, {pipeline_mode = #tpu.pipeline_mode<synchronous>, transform_indices = @transform_7, window_bounds = array<i64: 1, 64>}, {pipeline_mode = #tpu.pipeline_mode<synchronous>, transform_indices = @transform_8, window_bounds = array<i64: 1, 1>}, {transform_indices = @transform_9, window_bounds = array<i64: 8, 128>}]} {
    %iota3A = tpu.iota {dimensions = array<i32: 0>} : vector<16x416xi32>
    %iota3A_0 = tpu.iota {dimensions = array<i32: 1>} : vector<16x416xi32>
    %jit3A = arith.constant 16 : i32
    %eq3A = arith.constant 0 : i32
    %eq3A_1 = arith.cmpi eq, %jit3A, %eq3A : i32
    %jit3A_2 = arith.constant 1 : i32
    %select_n3A = arith.select %eq3A_1, %jit3A_2, %jit3A : i32
    %rem3A = vector.broadcast %select_n3A : i32 to vector<16x416xi32>
    %rem3A_3 = arith.remsi %iota3A_0, %rem3A : vector<16x416xi32>
    %ne3A = arith.constant 0 : i32
    %ne3A_4 = vector.broadcast %ne3A : i32 to vector<16x416xi32>
    %ne3A_5 = arith.cmpi ne, %rem3A_3, %ne3A_4 : vector<16x416xi32>
    %lt3A = arith.constant 0 : i32
    %lt3A_6 = vector.broadcast %lt3A : i32 to vector<16x416xi32>
    %lt3A_7 = arith.cmpi slt, %rem3A_3, %lt3A_6 : vector<16x416xi32>
    %lt3A_8 = arith.constant 0 : i32
    %lt3A_9 = arith.cmpi slt, %select_n3A, %lt3A_8 : i32
    %ne3A_10 = vector.broadcast %lt3A_9 : i1 to vector<16x416xi1>
    %ne3A_11 = vector.broadcast %ne3A_10 : vector<16x416xi1> to vector<16x416xi1>
    %ne3A_12 = arith.xori %lt3A_7, %ne3A_11 : vector<16x416xi1>
    %and3A = arith.andi %ne3A_12, %ne3A_5 : vector<16x416xi1>
    %add3A = vector.broadcast %select_n3A : i32 to vector<16x416xi32>
    %add3A_13 = arith.addi %rem3A_3, %add3A : vector<16x416xi32>
    %select_n3A_14 = arith.select %and3A, %add3A_13, %rem3A_3 : vector<16x416xi1>, vector<16x416xi32>
    %eq3A_15 = arith.cmpi eq, %select_n3A_14, %iota3A : vector<16x416xi32>
    %convert_element_type3A = arith.extui %eq3A_15 : vector<16x416xi1> to vector<16x416xi32>
    %convert_element_type3A_16 = arith.sitofp %convert_element_type3A : vector<16x416xi32> to vector<16x416xf32>
    %get3A = arith.constant 0 : index
    %get3A_17 = arith.constant 0 : index
    %get3A_18 = vector.load %arg1[%get3A, %get3A_17] : memref<3392x128xf32, #tpu.memory_space<vmem>>, vector<416x128xf32>
    %get3A_19 = arith.constant 416 : index
    %get3A_20 = arith.constant 0 : index
    %get3A_21 = vector.load %arg1[%get3A_19, %get3A_20] : memref<3392x128xf32, #tpu.memory_space<vmem>>, vector<8x128xf32>
    %slice3A = vector.extract_strided_slice %get3A_21 {offsets = [0, 0], sizes = [1, 128], strides = [1, 1]} : vector<8x128xf32> to vector<1x128xf32>
    %get3A_22 = arith.constant 0 : index
    %get3A_23 = arith.constant 0 : index
    %get3A_24 = vector.load %arg2[%get3A_22, %get3A_23] : memref<256x416xf32, #tpu.memory_space<vmem>>, vector<256x416xf32>
    %dot_general3A = arith.constant dense<0.000000e+00> : vector<256x128xf32>
    %dot_general3A_25 = tpu.matmul %get3A_24, %get3A_18, %dot_general3A {dimension_numbers = #tpu.dot_dimension_numbers<[1], [0], [0], [1], [0, 0, 1, 1], [], []>, transpose_lhs_hint = false} : vector<256x416xf32>, vector<416x128xf32>, vector<256x128xf32> -> vector<256x128xf32>
    %get3A_26 = arith.constant 0 : index
    %get3A_27 = arith.constant 0 : index
    %get3A_28 = vector.load %arg3[%get3A_26, %get3A_27] : memref<256x1xf32, #tpu.memory_space<vmem>>, vector<256x1xf32>
    %add3A_29 = vector.broadcast %get3A_28 : vector<256x1xf32> to vector<256x128xf32>
    %add3A_30 = arith.addf %dot_general3A_25, %add3A_29 : vector<256x128xf32>
    %max3A = arith.constant 0.000000e+00 : f32
    %max3A_31 = vector.broadcast %max3A : f32 to vector<256x128xf32>
    %max3A_32 = arith.maximumf %add3A_30, %max3A_31 : vector<256x128xf32>
    %get3A_33 = arith.constant 0 : index
    %get3A_34 = arith.constant 0 : index
    %get3A_35 = vector.load %arg4[%get3A_33, %get3A_34] : memref<128x256xf32, #tpu.memory_space<vmem>>, vector<128x256xf32>
    %dot_general3A_36 = arith.constant dense<0.000000e+00> : vector<128x128xf32>
    %dot_general3A_37 = tpu.matmul %get3A_35, %max3A_32, %dot_general3A_36 {dimension_numbers = #tpu.dot_dimension_numbers<[1], [0], [0], [1], [0, 0, 1, 1], [], []>, transpose_lhs_hint = false} : vector<128x256xf32>, vector<256x128xf32>, vector<128x128xf32> -> vector<128x128xf32>
    %get3A_38 = arith.constant 0 : index
    %get3A_39 = arith.constant 0 : index
    %get3A_40 = vector.load %arg5[%get3A_38, %get3A_39] : memref<128x1xf32, #tpu.memory_space<vmem>>, vector<128x1xf32>
    %add3A_41 = vector.broadcast %get3A_40 : vector<128x1xf32> to vector<128x128xf32>
    %add3A_42 = arith.addf %dot_general3A_37, %add3A_41 : vector<128x128xf32>
    %max3A_43 = arith.constant 0.000000e+00 : f32
    %max3A_44 = vector.broadcast %max3A_43 : f32 to vector<128x128xf32>
    %max3A_45 = arith.maximumf %add3A_42, %max3A_44 : vector<128x128xf32>
    %get3A_46 = arith.constant 0 : index
    %get3A_47 = arith.constant 0 : index
    %get3A_48 = vector.load %arg6[%get3A_46, %get3A_47] : memref<64x128xf32, #tpu.memory_space<vmem>>, vector<64x128xf32>
    %dot_general3A_49 = arith.constant dense<0.000000e+00> : vector<64x128xf32>
    %dot_general3A_50 = tpu.matmul %get3A_48, %max3A_45, %dot_general3A_49 {dimension_numbers = #tpu.dot_dimension_numbers<[1], [0], [0], [1], [0, 0, 1, 1], [], []>, transpose_lhs_hint = false} : vector<64x128xf32>, vector<128x128xf32>, vector<64x128xf32> -> vector<64x128xf32>
    %get3A_51 = arith.constant 0 : index
    %get3A_52 = arith.constant 0 : index
    %get3A_53 = vector.load %arg7[%get3A_51, %get3A_52] : memref<64x1xf32, #tpu.memory_space<vmem>>, vector<64x1xf32>
    %add3A_54 = vector.broadcast %get3A_53 : vector<64x1xf32> to vector<64x128xf32>
    %add3A_55 = arith.addf %dot_general3A_50, %add3A_54 : vector<64x128xf32>
    %max3A_56 = arith.constant 0.000000e+00 : f32
    %max3A_57 = vector.broadcast %max3A_56 : f32 to vector<64x128xf32>
    %max3A_58 = arith.maximumf %add3A_55, %max3A_57 : vector<64x128xf32>
    %get3A_59 = arith.constant 0 : index
    %get3A_60 = arith.constant 0 : index
    %get3A_61 = vector.load %arg8[%get3A_59, %get3A_60] : memref<1x64xf32, #tpu.memory_space<vmem>>, vector<1x64xf32>
    %dot_general3A_62 = arith.constant dense<0.000000e+00> : vector<1x128xf32>
    %dot_general3A_63 = tpu.matmul %get3A_61, %max3A_58, %dot_general3A_62 {dimension_numbers = #tpu.dot_dimension_numbers<[1], [0], [0], [1], [0, 0, 1, 1], [], []>, transpose_lhs_hint = false} : vector<1x64xf32>, vector<64x128xf32>, vector<1x128xf32> -> vector<1x128xf32>
    %get3A_64 = arith.constant 0 : index
    %get3A_65 = arith.constant 0 : index
    %get3A_66 = vector.load %arg9[%get3A_64, %get3A_65] : memref<1x1xf32, #tpu.memory_space<vmem>>, vector<1x1xf32>
    %add3A_67 = vector.broadcast %get3A_66 : vector<1x1xf32> to vector<1x128xf32>
    %add3A_68 = arith.addf %dot_general3A_63, %add3A_67 : vector<1x128xf32>
    %dot_general3A_69 = arith.constant dense<0.000000e+00> : vector<16x128xf32>
    %dot_general3A_70 = tpu.matmul %convert_element_type3A_16, %get3A_18, %dot_general3A_69 {dimension_numbers = #tpu.dot_dimension_numbers<[1], [0], [0], [1], [0, 0, 1, 1], [], []>, transpose_lhs_hint = false} : vector<16x416xf32>, vector<416x128xf32>, vector<16x128xf32> -> vector<16x128xf32>
    %mul3A = arith.mulf %get3A_18, %get3A_18 : vector<416x128xf32>
    %dot_general3A_71 = arith.constant dense<0.000000e+00> : vector<16x128xf32>
    %dot_general3A_72 = tpu.matmul %convert_element_type3A_16, %mul3A, %dot_general3A_71 {dimension_numbers = #tpu.dot_dimension_numbers<[1], [0], [0], [1], [0, 0, 1, 1], [], []>, transpose_lhs_hint = false} : vector<16x416xf32>, vector<416x128xf32>, vector<16x128xf32> -> vector<16x128xf32>
    %mul3A_73 = arith.mulf %dot_general3A_70, %dot_general3A_70 : vector<16x128xf32>
    %sub3A = arith.subf %mul3A_73, %dot_general3A_72 : vector<16x128xf32>
    %reduce_sum3A = arith.constant dense<0.000000e+00> : vector<128xf32>
    %reduce_sum3A_74 = vector.multi_reduction <add>, %sub3A, %reduce_sum3A [0] : vector<16x128xf32> to vector<128xf32>
    %broadcast_in_dim3A = vector.shape_cast %reduce_sum3A_74 : vector<128xf32> to vector<1x128xf32>
    %mul3A_75 = arith.constant 5.000000e-01 : f32
    %mul3A_76 = vector.broadcast %mul3A_75 : f32 to vector<1x128xf32>
    %mul3A_77 = arith.mulf %mul3A_76, %broadcast_in_dim3A : vector<1x128xf32>
    %add3A_78 = arith.addf %slice3A, %mul3A_77 : vector<1x128xf32>
    %add3A_79 = arith.addf %add3A_78, %add3A_68 : vector<1x128xf32>
    %neg3A = arith.constant 0.000000e+00 : f32
    %neg3A_80 = vector.broadcast %neg3A : f32 to vector<1x128xf32>
    %neg3A_81 = arith.subf %neg3A_80, %add3A_79 : vector<1x128xf32>
    %exp3A = math.exp %neg3A_81 : vector<1x128xf32>
    %add3A_82 = arith.constant 1.000000e+00 : f32
    %add3A_83 = vector.broadcast %add3A_82 : f32 to vector<1x128xf32>
    %add3A_84 = arith.addf %add3A_83, %exp3A : vector<1x128xf32>
    %div3A = arith.constant 1.000000e+00 : f32
    %div3A_85 = vector.broadcast %div3A : f32 to vector<1x128xf32>
    %div3A_86 = arith.divf %div3A_85, %add3A_84 : vector<1x128xf32>
    %get3A_87 = arith.constant 424 : index
    %get3A_88 = arith.constant 0 : index
    %get3A_89 = vector.load %arg1[%get3A_87, %get3A_88] : memref<3392x128xf32, #tpu.memory_space<vmem>>, vector<416x128xf32>
    %get3A_90 = arith.constant 840 : index
    %get3A_91 = arith.constant 0 : index
    %get3A_92 = vector.load %arg1[%get3A_90, %get3A_91] : memref<3392x128xf32, #tpu.memory_space<vmem>>, vector<8x128xf32>
    %slice3A_93 = vector.extract_strided_slice %get3A_92 {offsets = [0, 0], sizes = [1, 128], strides = [1, 1]} : vector<8x128xf32> to vector<1x128xf32>
    %get3A_94 = arith.constant 0 : index
    %get3A_95 = arith.constant 0 : index
    %get3A_96 = vector.load %arg2[%get3A_94, %get3A_95] : memref<256x416xf32, #tpu.memory_space<vmem>>, vector<256x416xf32>
    %dot_general3A_97 = arith.constant dense<0.000000e+00> : vector<256x128xf32>
    %dot_general3A_98 = tpu.matmul %get3A_96, %get3A_89, %dot_general3A_97 {dimension_numbers = #tpu.dot_dimension_numbers<[1], [0], [0], [1], [0, 0, 1, 1], [], []>, transpose_lhs_hint = false} : vector<256x416xf32>, vector<416x128xf32>, vector<256x128xf32> -> vector<256x128xf32>
    %get3A_99 = arith.constant 0 : index
    %get3A_100 = arith.constant 0 : index
    %get3A_101 = vector.load %arg3[%get3A_99, %get3A_100] : memref<256x1xf32, #tpu.memory_space<vmem>>, vector<256x1xf32>
    %add3A_102 = vector.broadcast %get3A_101 : vector<256x1xf32> to vector<256x128xf32>
    %add3A_103 = arith.addf %dot_general3A_98, %add3A_102 : vector<256x128xf32>
    %max3A_104 = arith.constant 0.000000e+00 : f32
    %max3A_105 = vector.broadcast %max3A_104 : f32 to vector<256x128xf32>
    %max3A_106 = arith.maximumf %add3A_103, %max3A_105 : vector<256x128xf32>
    %get3A_107 = arith.constant 0 : index
    %get3A_108 = arith.constant 0 : index
    %get3A_109 = vector.load %arg4[%get3A_107, %get3A_108] : memref<128x256xf32, #tpu.memory_space<vmem>>, vector<128x256xf32>
    %dot_general3A_110 = arith.constant dense<0.000000e+00> : vector<128x128xf32>
    %dot_general3A_111 = tpu.matmul %get3A_109, %max3A_106, %dot_general3A_110 {dimension_numbers = #tpu.dot_dimension_numbers<[1], [0], [0], [1], [0, 0, 1, 1], [], []>, transpose_lhs_hint = false} : vector<128x256xf32>, vector<256x128xf32>, vector<128x128xf32> -> vector<128x128xf32>
    %get3A_112 = arith.constant 0 : index
    %get3A_113 = arith.constant 0 : index
    %get3A_114 = vector.load %arg5[%get3A_112, %get3A_113] : memref<128x1xf32, #tpu.memory_space<vmem>>, vector<128x1xf32>
    %add3A_115 = vector.broadcast %get3A_114 : vector<128x1xf32> to vector<128x128xf32>
    %add3A_116 = arith.addf %dot_general3A_111, %add3A_115 : vector<128x128xf32>
    %max3A_117 = arith.constant 0.000000e+00 : f32
    %max3A_118 = vector.broadcast %max3A_117 : f32 to vector<128x128xf32>
    %max3A_119 = arith.maximumf %add3A_116, %max3A_118 : vector<128x128xf32>
    %get3A_120 = arith.constant 0 : index
    %get3A_121 = arith.constant 0 : index
    %get3A_122 = vector.load %arg6[%get3A_120, %get3A_121] : memref<64x128xf32, #tpu.memory_space<vmem>>, vector<64x128xf32>
    %dot_general3A_123 = arith.constant dense<0.000000e+00> : vector<64x128xf32>
    %dot_general3A_124 = tpu.matmul %get3A_122, %max3A_119, %dot_general3A_123 {dimension_numbers = #tpu.dot_dimension_numbers<[1], [0], [0], [1], [0, 0, 1, 1], [], []>, transpose_lhs_hint = false} : vector<64x128xf32>, vector<128x128xf32>, vector<64x128xf32> -> vector<64x128xf32>
    %get3A_125 = arith.constant 0 : index
    %get3A_126 = arith.constant 0 : index
    %get3A_127 = vector.load %arg7[%get3A_125, %get3A_126] : memref<64x1xf32, #tpu.memory_space<vmem>>, vector<64x1xf32>
    %add3A_128 = vector.broadcast %get3A_127 : vector<64x1xf32> to vector<64x128xf32>
    %add3A_129 = arith.addf %dot_general3A_124, %add3A_128 : vector<64x128xf32>
    %max3A_130 = arith.constant 0.000000e+00 : f32
    %max3A_131 = vector.broadcast %max3A_130 : f32 to vector<64x128xf32>
    %max3A_132 = arith.maximumf %add3A_129, %max3A_131 : vector<64x128xf32>
    %get3A_133 = arith.constant 0 : index
    %get3A_134 = arith.constant 0 : index
    %get3A_135 = vector.load %arg8[%get3A_133, %get3A_134] : memref<1x64xf32, #tpu.memory_space<vmem>>, vector<1x64xf32>
    %dot_general3A_136 = arith.constant dense<0.000000e+00> : vector<1x128xf32>
    %dot_general3A_137 = tpu.matmul %get3A_135, %max3A_132, %dot_general3A_136 {dimension_numbers = #tpu.dot_dimension_numbers<[1], [0], [0], [1], [0, 0, 1, 1], [], []>, transpose_lhs_hint = false} : vector<1x64xf32>, vector<64x128xf32>, vector<1x128xf32> -> vector<1x128xf32>
    %get3A_138 = arith.constant 0 : index
    %get3A_139 = arith.constant 0 : index
    %get3A_140 = vector.load %arg9[%get3A_138, %get3A_139] : memref<1x1xf32, #tpu.memory_space<vmem>>, vector<1x1xf32>
    %add3A_141 = vector.broadcast %get3A_140 : vector<1x1xf32> to vector<1x128xf32>
    %add3A_142 = arith.addf %dot_general3A_137, %add3A_141 : vector<1x128xf32>
    %dot_general3A_143 = arith.constant dense<0.000000e+00> : vector<16x128xf32>
    %dot_general3A_144 = tpu.matmul %convert_element_type3A_16, %get3A_89, %dot_general3A_143 {dimension_numbers = #tpu.dot_dimension_numbers<[1], [0], [0], [1], [0, 0, 1, 1], [], []>, transpose_lhs_hint = false} : vector<16x416xf32>, vector<416x128xf32>, vector<16x128xf32> -> vector<16x128xf32>
    %mul3A_145 = arith.mulf %get3A_89, %get3A_89 : vector<416x128xf32>
    %dot_general3A_146 = arith.constant dense<0.000000e+00> : vector<16x128xf32>
    %dot_general3A_147 = tpu.matmul %convert_element_type3A_16, %mul3A_145, %dot_general3A_146 {dimension_numbers = #tpu.dot_dimension_numbers<[1], [0], [0], [1], [0, 0, 1, 1], [], []>, transpose_lhs_hint = false} : vector<16x416xf32>, vector<416x128xf32>, vector<16x128xf32> -> vector<16x128xf32>
    %mul3A_148 = arith.mulf %dot_general3A_144, %dot_general3A_144 : vector<16x128xf32>
    %sub3A_149 = arith.subf %mul3A_148, %dot_general3A_147 : vector<16x128xf32>
    %reduce_sum3A_150 = arith.constant dense<0.000000e+00> : vector<128xf32>
    %reduce_sum3A_151 = vector.multi_reduction <add>, %sub3A_149, %reduce_sum3A_150 [0] : vector<16x128xf32> to vector<128xf32>
    %broadcast_in_dim3A_152 = vector.shape_cast %reduce_sum3A_151 : vector<128xf32> to vector<1x128xf32>
    %mul3A_153 = arith.constant 5.000000e-01 : f32
    %mul3A_154 = vector.broadcast %mul3A_153 : f32 to vector<1x128xf32>
    %mul3A_155 = arith.mulf %mul3A_154, %broadcast_in_dim3A_152 : vector<1x128xf32>
    %add3A_156 = arith.addf %slice3A_93, %mul3A_155 : vector<1x128xf32>
    %add3A_157 = arith.addf %add3A_156, %add3A_142 : vector<1x128xf32>
    %neg3A_158 = arith.constant 0.000000e+00 : f32
    %neg3A_159 = vector.broadcast %neg3A_158 : f32 to vector<1x128xf32>
    %neg3A_160 = arith.subf %neg3A_159, %add3A_157 : vector<1x128xf32>
    %exp3A_161 = math.exp %neg3A_160 : vector<1x128xf32>
    %add3A_162 = arith.constant 1.000000e+00 : f32
    %add3A_163 = vector.broadcast %add3A_162 : f32 to vector<1x128xf32>
    %add3A_164 = arith.addf %add3A_163, %exp3A_161 : vector<1x128xf32>
    %div3A_165 = arith.constant 1.000000e+00 : f32
    %div3A_166 = vector.broadcast %div3A_165 : f32 to vector<1x128xf32>
    %div3A_167 = arith.divf %div3A_166, %add3A_164 : vector<1x128xf32>
    %get3A_168 = arith.constant 848 : index
    %get3A_169 = arith.constant 0 : index
    %get3A_170 = vector.load %arg1[%get3A_168, %get3A_169] : memref<3392x128xf32, #tpu.memory_space<vmem>>, vector<416x128xf32>
    %get3A_171 = arith.constant 1264 : index
    %get3A_172 = arith.constant 0 : index
    %get3A_173 = vector.load %arg1[%get3A_171, %get3A_172] : memref<3392x128xf32, #tpu.memory_space<vmem>>, vector<8x128xf32>
    %slice3A_174 = vector.extract_strided_slice %get3A_173 {offsets = [0, 0], sizes = [1, 128], strides = [1, 1]} : vector<8x128xf32> to vector<1x128xf32>
    %get3A_175 = arith.constant 0 : index
    %get3A_176 = arith.constant 0 : index
    %get3A_177 = vector.load %arg2[%get3A_175, %get3A_176] : memref<256x416xf32, #tpu.memory_space<vmem>>, vector<256x416xf32>
    %dot_general3A_178 = arith.constant dense<0.000000e+00> : vector<256x128xf32>
    %dot_general3A_179 = tpu.matmul %get3A_177, %get3A_170, %dot_general3A_178 {dimension_numbers = #tpu.dot_dimension_numbers<[1], [0], [0], [1], [0, 0, 1, 1], [], []>, transpose_lhs_hint = false} : vector<256x416xf32>, vector<416x128xf32>, vector<256x128xf32> -> vector<256x128xf32>
    %get3A_180 = arith.constant 0 : index
    %get3A_181 = arith.constant 0 : index
    %get3A_182 = vector.load %arg3[%get3A_180, %get3A_181] : memref<256x1xf32, #tpu.memory_space<vmem>>, vector<256x1xf32>
    %add3A_183 = vector.broadcast %get3A_182 : vector<256x1xf32> to vector<256x128xf32>
    %add3A_184 = arith.addf %dot_general3A_179, %add3A_183 : vector<256x128xf32>
    %max3A_185 = arith.constant 0.000000e+00 : f32
    %max3A_186 = vector.broadcast %max3A_185 : f32 to vector<256x128xf32>
    %max3A_187 = arith.maximumf %add3A_184, %max3A_186 : vector<256x128xf32>
    %get3A_188 = arith.constant 0 : index
    %get3A_189 = arith.constant 0 : index
    %get3A_190 = vector.load %arg4[%get3A_188, %get3A_189] : memref<128x256xf32, #tpu.memory_space<vmem>>, vector<128x256xf32>
    %dot_general3A_191 = arith.constant dense<0.000000e+00> : vector<128x128xf32>
    %dot_general3A_192 = tpu.matmul %get3A_190, %max3A_187, %dot_general3A_191 {dimension_numbers = #tpu.dot_dimension_numbers<[1], [0], [0], [1], [0, 0, 1, 1], [], []>, transpose_lhs_hint = false} : vector<128x256xf32>, vector<256x128xf32>, vector<128x128xf32> -> vector<128x128xf32>
    %get3A_193 = arith.constant 0 : index
    %get3A_194 = arith.constant 0 : index
    %get3A_195 = vector.load %arg5[%get3A_193, %get3A_194] : memref<128x1xf32, #tpu.memory_space<vmem>>, vector<128x1xf32>
    %add3A_196 = vector.broadcast %get3A_195 : vector<128x1xf32> to vector<128x128xf32>
    %add3A_197 = arith.addf %dot_general3A_192, %add3A_196 : vector<128x128xf32>
    %max3A_198 = arith.constant 0.000000e+00 : f32
    %max3A_199 = vector.broadcast %max3A_198 : f32 to vector<128x128xf32>
    %max3A_200 = arith.maximumf %add3A_197, %max3A_199 : vector<128x128xf32>
    %get3A_201 = arith.constant 0 : index
    %get3A_202 = arith.constant 0 : index
    %get3A_203 = vector.load %arg6[%get3A_201, %get3A_202] : memref<64x128xf32, #tpu.memory_space<vmem>>, vector<64x128xf32>
    %dot_general3A_204 = arith.constant dense<0.000000e+00> : vector<64x128xf32>
    %dot_general3A_205 = tpu.matmul %get3A_203, %max3A_200, %dot_general3A_204 {dimension_numbers = #tpu.dot_dimension_numbers<[1], [0], [0], [1], [0, 0, 1, 1], [], []>, transpose_lhs_hint = false} : vector<64x128xf32>, vector<128x128xf32>, vector<64x128xf32> -> vector<64x128xf32>
    %get3A_206 = arith.constant 0 : index
    %get3A_207 = arith.constant 0 : index
    %get3A_208 = vector.load %arg7[%get3A_206, %get3A_207] : memref<64x1xf32, #tpu.memory_space<vmem>>, vector<64x1xf32>
    %add3A_209 = vector.broadcast %get3A_208 : vector<64x1xf32> to vector<64x128xf32>
    %add3A_210 = arith.addf %dot_general3A_205, %add3A_209 : vector<64x128xf32>
    %max3A_211 = arith.constant 0.000000e+00 : f32
    %max3A_212 = vector.broadcast %max3A_211 : f32 to vector<64x128xf32>
    %max3A_213 = arith.maximumf %add3A_210, %max3A_212 : vector<64x128xf32>
    %get3A_214 = arith.constant 0 : index
    %get3A_215 = arith.constant 0 : index
    %get3A_216 = vector.load %arg8[%get3A_214, %get3A_215] : memref<1x64xf32, #tpu.memory_space<vmem>>, vector<1x64xf32>
    %dot_general3A_217 = arith.constant dense<0.000000e+00> : vector<1x128xf32>
    %dot_general3A_218 = tpu.matmul %get3A_216, %max3A_213, %dot_general3A_217 {dimension_numbers = #tpu.dot_dimension_numbers<[1], [0], [0], [1], [0, 0, 1, 1], [], []>, transpose_lhs_hint = false} : vector<1x64xf32>, vector<64x128xf32>, vector<1x128xf32> -> vector<1x128xf32>
    %get3A_219 = arith.constant 0 : index
    %get3A_220 = arith.constant 0 : index
    %get3A_221 = vector.load %arg9[%get3A_219, %get3A_220] : memref<1x1xf32, #tpu.memory_space<vmem>>, vector<1x1xf32>
    %add3A_222 = vector.broadcast %get3A_221 : vector<1x1xf32> to vector<1x128xf32>
    %add3A_223 = arith.addf %dot_general3A_218, %add3A_222 : vector<1x128xf32>
    %dot_general3A_224 = arith.constant dense<0.000000e+00> : vector<16x128xf32>
    %dot_general3A_225 = tpu.matmul %convert_element_type3A_16, %get3A_170, %dot_general3A_224 {dimension_numbers = #tpu.dot_dimension_numbers<[1], [0], [0], [1], [0, 0, 1, 1], [], []>, transpose_lhs_hint = false} : vector<16x416xf32>, vector<416x128xf32>, vector<16x128xf32> -> vector<16x128xf32>
    %mul3A_226 = arith.mulf %get3A_170, %get3A_170 : vector<416x128xf32>
    %dot_general3A_227 = arith.constant dense<0.000000e+00> : vector<16x128xf32>
    %dot_general3A_228 = tpu.matmul %convert_element_type3A_16, %mul3A_226, %dot_general3A_227 {dimension_numbers = #tpu.dot_dimension_numbers<[1], [0], [0], [1], [0, 0, 1, 1], [], []>, transpose_lhs_hint = false} : vector<16x416xf32>, vector<416x128xf32>, vector<16x128xf32> -> vector<16x128xf32>
    %mul3A_229 = arith.mulf %dot_general3A_225, %dot_general3A_225 : vector<16x128xf32>
    %sub3A_230 = arith.subf %mul3A_229, %dot_general3A_228 : vector<16x128xf32>
    %reduce_sum3A_231 = arith.constant dense<0.000000e+00> : vector<128xf32>
    %reduce_sum3A_232 = vector.multi_reduction <add>, %sub3A_230, %reduce_sum3A_231 [0] : vector<16x128xf32> to vector<128xf32>
    %broadcast_in_dim3A_233 = vector.shape_cast %reduce_sum3A_232 : vector<128xf32> to vector<1x128xf32>
    %mul3A_234 = arith.constant 5.000000e-01 : f32
    %mul3A_235 = vector.broadcast %mul3A_234 : f32 to vector<1x128xf32>
    %mul3A_236 = arith.mulf %mul3A_235, %broadcast_in_dim3A_233 : vector<1x128xf32>
    %add3A_237 = arith.addf %slice3A_174, %mul3A_236 : vector<1x128xf32>
    %add3A_238 = arith.addf %add3A_237, %add3A_223 : vector<1x128xf32>
    %neg3A_239 = arith.constant 0.000000e+00 : f32
    %neg3A_240 = vector.broadcast %neg3A_239 : f32 to vector<1x128xf32>
    %neg3A_241 = arith.subf %neg3A_240, %add3A_238 : vector<1x128xf32>
    %exp3A_242 = math.exp %neg3A_241 : vector<1x128xf32>
    %add3A_243 = arith.constant 1.000000e+00 : f32
    %add3A_244 = vector.broadcast %add3A_243 : f32 to vector<1x128xf32>
    %add3A_245 = arith.addf %add3A_244, %exp3A_242 : vector<1x128xf32>
    %div3A_246 = arith.constant 1.000000e+00 : f32
    %div3A_247 = vector.broadcast %div3A_246 : f32 to vector<1x128xf32>
    %div3A_248 = arith.divf %div3A_247, %add3A_245 : vector<1x128xf32>
    %get3A_249 = arith.constant 1272 : index
    %get3A_250 = arith.constant 0 : index
    %get3A_251 = vector.load %arg1[%get3A_249, %get3A_250] : memref<3392x128xf32, #tpu.memory_space<vmem>>, vector<416x128xf32>
    %get3A_252 = arith.constant 1688 : index
    %get3A_253 = arith.constant 0 : index
    %get3A_254 = vector.load %arg1[%get3A_252, %get3A_253] : memref<3392x128xf32, #tpu.memory_space<vmem>>, vector<8x128xf32>
    %slice3A_255 = vector.extract_strided_slice %get3A_254 {offsets = [0, 0], sizes = [1, 128], strides = [1, 1]} : vector<8x128xf32> to vector<1x128xf32>
    %get3A_256 = arith.constant 0 : index
    %get3A_257 = arith.constant 0 : index
    %get3A_258 = vector.load %arg2[%get3A_256, %get3A_257] : memref<256x416xf32, #tpu.memory_space<vmem>>, vector<256x416xf32>
    %dot_general3A_259 = arith.constant dense<0.000000e+00> : vector<256x128xf32>
    %dot_general3A_260 = tpu.matmul %get3A_258, %get3A_251, %dot_general3A_259 {dimension_numbers = #tpu.dot_dimension_numbers<[1], [0], [0], [1], [0, 0, 1, 1], [], []>, transpose_lhs_hint = false} : vector<256x416xf32>, vector<416x128xf32>, vector<256x128xf32> -> vector<256x128xf32>
    %get3A_261 = arith.constant 0 : index
    %get3A_262 = arith.constant 0 : index
    %get3A_263 = vector.load %arg3[%get3A_261, %get3A_262] : memref<256x1xf32, #tpu.memory_space<vmem>>, vector<256x1xf32>
    %add3A_264 = vector.broadcast %get3A_263 : vector<256x1xf32> to vector<256x128xf32>
    %add3A_265 = arith.addf %dot_general3A_260, %add3A_264 : vector<256x128xf32>
    %max3A_266 = arith.constant 0.000000e+00 : f32
    %max3A_267 = vector.broadcast %max3A_266 : f32 to vector<256x128xf32>
    %max3A_268 = arith.maximumf %add3A_265, %max3A_267 : vector<256x128xf32>
    %get3A_269 = arith.constant 0 : index
    %get3A_270 = arith.constant 0 : index
    %get3A_271 = vector.load %arg4[%get3A_269, %get3A_270] : memref<128x256xf32, #tpu.memory_space<vmem>>, vector<128x256xf32>
    %dot_general3A_272 = arith.constant dense<0.000000e+00> : vector<128x128xf32>
    %dot_general3A_273 = tpu.matmul %get3A_271, %max3A_268, %dot_general3A_272 {dimension_numbers = #tpu.dot_dimension_numbers<[1], [0], [0], [1], [0, 0, 1, 1], [], []>, transpose_lhs_hint = false} : vector<128x256xf32>, vector<256x128xf32>, vector<128x128xf32> -> vector<128x128xf32>
    %get3A_274 = arith.constant 0 : index
    %get3A_275 = arith.constant 0 : index
    %get3A_276 = vector.load %arg5[%get3A_274, %get3A_275] : memref<128x1xf32, #tpu.memory_space<vmem>>, vector<128x1xf32>
    %add3A_277 = vector.broadcast %get3A_276 : vector<128x1xf32> to vector<128x128xf32>
    %add3A_278 = arith.addf %dot_general3A_273, %add3A_277 : vector<128x128xf32>
    %max3A_279 = arith.constant 0.000000e+00 : f32
    %max3A_280 = vector.broadcast %max3A_279 : f32 to vector<128x128xf32>
    %max3A_281 = arith.maximumf %add3A_278, %max3A_280 : vector<128x128xf32>
    %get3A_282 = arith.constant 0 : index
    %get3A_283 = arith.constant 0 : index
    %get3A_284 = vector.load %arg6[%get3A_282, %get3A_283] : memref<64x128xf32, #tpu.memory_space<vmem>>, vector<64x128xf32>
    %dot_general3A_285 = arith.constant dense<0.000000e+00> : vector<64x128xf32>
    %dot_general3A_286 = tpu.matmul %get3A_284, %max3A_281, %dot_general3A_285 {dimension_numbers = #tpu.dot_dimension_numbers<[1], [0], [0], [1], [0, 0, 1, 1], [], []>, transpose_lhs_hint = false} : vector<64x128xf32>, vector<128x128xf32>, vector<64x128xf32> -> vector<64x128xf32>
    %get3A_287 = arith.constant 0 : index
    %get3A_288 = arith.constant 0 : index
    %get3A_289 = vector.load %arg7[%get3A_287, %get3A_288] : memref<64x1xf32, #tpu.memory_space<vmem>>, vector<64x1xf32>
    %add3A_290 = vector.broadcast %get3A_289 : vector<64x1xf32> to vector<64x128xf32>
    %add3A_291 = arith.addf %dot_general3A_286, %add3A_290 : vector<64x128xf32>
    %max3A_292 = arith.constant 0.000000e+00 : f32
    %max3A_293 = vector.broadcast %max3A_292 : f32 to vector<64x128xf32>
    %max3A_294 = arith.maximumf %add3A_291, %max3A_293 : vector<64x128xf32>
    %get3A_295 = arith.constant 0 : index
    %get3A_296 = arith.constant 0 : index
    %get3A_297 = vector.load %arg8[%get3A_295, %get3A_296] : memref<1x64xf32, #tpu.memory_space<vmem>>, vector<1x64xf32>
    %dot_general3A_298 = arith.constant dense<0.000000e+00> : vector<1x128xf32>
    %dot_general3A_299 = tpu.matmul %get3A_297, %max3A_294, %dot_general3A_298 {dimension_numbers = #tpu.dot_dimension_numbers<[1], [0], [0], [1], [0, 0, 1, 1], [], []>, transpose_lhs_hint = false} : vector<1x64xf32>, vector<64x128xf32>, vector<1x128xf32> -> vector<1x128xf32>
    %get3A_300 = arith.constant 0 : index
    %get3A_301 = arith.constant 0 : index
    %get3A_302 = vector.load %arg9[%get3A_300, %get3A_301] : memref<1x1xf32, #tpu.memory_space<vmem>>, vector<1x1xf32>
    %add3A_303 = vector.broadcast %get3A_302 : vector<1x1xf32> to vector<1x128xf32>
    %add3A_304 = arith.addf %dot_general3A_299, %add3A_303 : vector<1x128xf32>
    %dot_general3A_305 = arith.constant dense<0.000000e+00> : vector<16x128xf32>
    %dot_general3A_306 = tpu.matmul %convert_element_type3A_16, %get3A_251, %dot_general3A_305 {dimension_numbers = #tpu.dot_dimension_numbers<[1], [0], [0], [1], [0, 0, 1, 1], [], []>, transpose_lhs_hint = false} : vector<16x416xf32>, vector<416x128xf32>, vector<16x128xf32> -> vector<16x128xf32>
    %mul3A_307 = arith.mulf %get3A_251, %get3A_251 : vector<416x128xf32>
    %dot_general3A_308 = arith.constant dense<0.000000e+00> : vector<16x128xf32>
    %dot_general3A_309 = tpu.matmul %convert_element_type3A_16, %mul3A_307, %dot_general3A_308 {dimension_numbers = #tpu.dot_dimension_numbers<[1], [0], [0], [1], [0, 0, 1, 1], [], []>, transpose_lhs_hint = false} : vector<16x416xf32>, vector<416x128xf32>, vector<16x128xf32> -> vector<16x128xf32>
    %mul3A_310 = arith.mulf %dot_general3A_306, %dot_general3A_306 : vector<16x128xf32>
    %sub3A_311 = arith.subf %mul3A_310, %dot_general3A_309 : vector<16x128xf32>
    %reduce_sum3A_312 = arith.constant dense<0.000000e+00> : vector<128xf32>
    %reduce_sum3A_313 = vector.multi_reduction <add>, %sub3A_311, %reduce_sum3A_312 [0] : vector<16x128xf32> to vector<128xf32>
    %broadcast_in_dim3A_314 = vector.shape_cast %reduce_sum3A_313 : vector<128xf32> to vector<1x128xf32>
    %mul3A_315 = arith.constant 5.000000e-01 : f32
    %mul3A_316 = vector.broadcast %mul3A_315 : f32 to vector<1x128xf32>
    %mul3A_317 = arith.mulf %mul3A_316, %broadcast_in_dim3A_314 : vector<1x128xf32>
    %add3A_318 = arith.addf %slice3A_255, %mul3A_317 : vector<1x128xf32>
    %add3A_319 = arith.addf %add3A_318, %add3A_304 : vector<1x128xf32>
    %neg3A_320 = arith.constant 0.000000e+00 : f32
    %neg3A_321 = vector.broadcast %neg3A_320 : f32 to vector<1x128xf32>
    %neg3A_322 = arith.subf %neg3A_321, %add3A_319 : vector<1x128xf32>
    %exp3A_323 = math.exp %neg3A_322 : vector<1x128xf32>
    %add3A_324 = arith.constant 1.000000e+00 : f32
    %add3A_325 = vector.broadcast %add3A_324 : f32 to vector<1x128xf32>
    %add3A_326 = arith.addf %add3A_325, %exp3A_323 : vector<1x128xf32>
    %div3A_327 = arith.constant 1.000000e+00 : f32
    %div3A_328 = vector.broadcast %div3A_327 : f32 to vector<1x128xf32>
    %div3A_329 = arith.divf %div3A_328, %add3A_326 : vector<1x128xf32>
    %get3A_330 = arith.constant 1696 : index
    %get3A_331 = arith.constant 0 : index
    %get3A_332 = vector.load %arg1[%get3A_330, %get3A_331] : memref<3392x128xf32, #tpu.memory_space<vmem>>, vector<416x128xf32>
    %get3A_333 = arith.constant 2112 : index
    %get3A_334 = arith.constant 0 : index
    %get3A_335 = vector.load %arg1[%get3A_333, %get3A_334] : memref<3392x128xf32, #tpu.memory_space<vmem>>, vector<8x128xf32>
    %slice3A_336 = vector.extract_strided_slice %get3A_335 {offsets = [0, 0], sizes = [1, 128], strides = [1, 1]} : vector<8x128xf32> to vector<1x128xf32>
    %get3A_337 = arith.constant 0 : index
    %get3A_338 = arith.constant 0 : index
    %get3A_339 = vector.load %arg2[%get3A_337, %get3A_338] : memref<256x416xf32, #tpu.memory_space<vmem>>, vector<256x416xf32>
    %dot_general3A_340 = arith.constant dense<0.000000e+00> : vector<256x128xf32>
    %dot_general3A_341 = tpu.matmul %get3A_339, %get3A_332, %dot_general3A_340 {dimension_numbers = #tpu.dot_dimension_numbers<[1], [0], [0], [1], [0, 0, 1, 1], [], []>, transpose_lhs_hint = false} : vector<256x416xf32>, vector<416x128xf32>, vector<256x128xf32> -> vector<256x128xf32>
    %get3A_342 = arith.constant 0 : index
    %get3A_343 = arith.constant 0 : index
    %get3A_344 = vector.load %arg3[%get3A_342, %get3A_343] : memref<256x1xf32, #tpu.memory_space<vmem>>, vector<256x1xf32>
    %add3A_345 = vector.broadcast %get3A_344 : vector<256x1xf32> to vector<256x128xf32>
    %add3A_346 = arith.addf %dot_general3A_341, %add3A_345 : vector<256x128xf32>
    %max3A_347 = arith.constant 0.000000e+00 : f32
    %max3A_348 = vector.broadcast %max3A_347 : f32 to vector<256x128xf32>
    %max3A_349 = arith.maximumf %add3A_346, %max3A_348 : vector<256x128xf32>
    %get3A_350 = arith.constant 0 : index
    %get3A_351 = arith.constant 0 : index
    %get3A_352 = vector.load %arg4[%get3A_350, %get3A_351] : memref<128x256xf32, #tpu.memory_space<vmem>>, vector<128x256xf32>
    %dot_general3A_353 = arith.constant dense<0.000000e+00> : vector<128x128xf32>
    %dot_general3A_354 = tpu.matmul %get3A_352, %max3A_349, %dot_general3A_353 {dimension_numbers = #tpu.dot_dimension_numbers<[1], [0], [0], [1], [0, 0, 1, 1], [], []>, transpose_lhs_hint = false} : vector<128x256xf32>, vector<256x128xf32>, vector<128x128xf32> -> vector<128x128xf32>
    %get3A_355 = arith.constant 0 : index
    %get3A_356 = arith.constant 0 : index
    %get3A_357 = vector.load %arg5[%get3A_355, %get3A_356] : memref<128x1xf32, #tpu.memory_space<vmem>>, vector<128x1xf32>
    %add3A_358 = vector.broadcast %get3A_357 : vector<128x1xf32> to vector<128x128xf32>
    %add3A_359 = arith.addf %dot_general3A_354, %add3A_358 : vector<128x128xf32>
    %max3A_360 = arith.constant 0.000000e+00 : f32
    %max3A_361 = vector.broadcast %max3A_360 : f32 to vector<128x128xf32>
    %max3A_362 = arith.maximumf %add3A_359, %max3A_361 : vector<128x128xf32>
    %get3A_363 = arith.constant 0 : index
    %get3A_364 = arith.constant 0 : index
    %get3A_365 = vector.load %arg6[%get3A_363, %get3A_364] : memref<64x128xf32, #tpu.memory_space<vmem>>, vector<64x128xf32>
    %dot_general3A_366 = arith.constant dense<0.000000e+00> : vector<64x128xf32>
    %dot_general3A_367 = tpu.matmul %get3A_365, %max3A_362, %dot_general3A_366 {dimension_numbers = #tpu.dot_dimension_numbers<[1], [0], [0], [1], [0, 0, 1, 1], [], []>, transpose_lhs_hint = false} : vector<64x128xf32>, vector<128x128xf32>, vector<64x128xf32> -> vector<64x128xf32>
    %get3A_368 = arith.constant 0 : index
    %get3A_369 = arith.constant 0 : index
    %get3A_370 = vector.load %arg7[%get3A_368, %get3A_369] : memref<64x1xf32, #tpu.memory_space<vmem>>, vector<64x1xf32>
    %add3A_371 = vector.broadcast %get3A_370 : vector<64x1xf32> to vector<64x128xf32>
    %add3A_372 = arith.addf %dot_general3A_367, %add3A_371 : vector<64x128xf32>
    %max3A_373 = arith.constant 0.000000e+00 : f32
    %max3A_374 = vector.broadcast %max3A_373 : f32 to vector<64x128xf32>
    %max3A_375 = arith.maximumf %add3A_372, %max3A_374 : vector<64x128xf32>
    %get3A_376 = arith.constant 0 : index
    %get3A_377 = arith.constant 0 : index
    %get3A_378 = vector.load %arg8[%get3A_376, %get3A_377] : memref<1x64xf32, #tpu.memory_space<vmem>>, vector<1x64xf32>
    %dot_general3A_379 = arith.constant dense<0.000000e+00> : vector<1x128xf32>
    %dot_general3A_380 = tpu.matmul %get3A_378, %max3A_375, %dot_general3A_379 {dimension_numbers = #tpu.dot_dimension_numbers<[1], [0], [0], [1], [0, 0, 1, 1], [], []>, transpose_lhs_hint = false} : vector<1x64xf32>, vector<64x128xf32>, vector<1x128xf32> -> vector<1x128xf32>
    %get3A_381 = arith.constant 0 : index
    %get3A_382 = arith.constant 0 : index
    %get3A_383 = vector.load %arg9[%get3A_381, %get3A_382] : memref<1x1xf32, #tpu.memory_space<vmem>>, vector<1x1xf32>
    %add3A_384 = vector.broadcast %get3A_383 : vector<1x1xf32> to vector<1x128xf32>
    %add3A_385 = arith.addf %dot_general3A_380, %add3A_384 : vector<1x128xf32>
    %dot_general3A_386 = arith.constant dense<0.000000e+00> : vector<16x128xf32>
    %dot_general3A_387 = tpu.matmul %convert_element_type3A_16, %get3A_332, %dot_general3A_386 {dimension_numbers = #tpu.dot_dimension_numbers<[1], [0], [0], [1], [0, 0, 1, 1], [], []>, transpose_lhs_hint = false} : vector<16x416xf32>, vector<416x128xf32>, vector<16x128xf32> -> vector<16x128xf32>
    %mul3A_388 = arith.mulf %get3A_332, %get3A_332 : vector<416x128xf32>
    %dot_general3A_389 = arith.constant dense<0.000000e+00> : vector<16x128xf32>
    %dot_general3A_390 = tpu.matmul %convert_element_type3A_16, %mul3A_388, %dot_general3A_389 {dimension_numbers = #tpu.dot_dimension_numbers<[1], [0], [0], [1], [0, 0, 1, 1], [], []>, transpose_lhs_hint = false} : vector<16x416xf32>, vector<416x128xf32>, vector<16x128xf32> -> vector<16x128xf32>
    %mul3A_391 = arith.mulf %dot_general3A_387, %dot_general3A_387 : vector<16x128xf32>
    %sub3A_392 = arith.subf %mul3A_391, %dot_general3A_390 : vector<16x128xf32>
    %reduce_sum3A_393 = arith.constant dense<0.000000e+00> : vector<128xf32>
    %reduce_sum3A_394 = vector.multi_reduction <add>, %sub3A_392, %reduce_sum3A_393 [0] : vector<16x128xf32> to vector<128xf32>
    %broadcast_in_dim3A_395 = vector.shape_cast %reduce_sum3A_394 : vector<128xf32> to vector<1x128xf32>
    %mul3A_396 = arith.constant 5.000000e-01 : f32
    %mul3A_397 = vector.broadcast %mul3A_396 : f32 to vector<1x128xf32>
    %mul3A_398 = arith.mulf %mul3A_397, %broadcast_in_dim3A_395 : vector<1x128xf32>
    %add3A_399 = arith.addf %slice3A_336, %mul3A_398 : vector<1x128xf32>
    %add3A_400 = arith.addf %add3A_399, %add3A_385 : vector<1x128xf32>
    %neg3A_401 = arith.constant 0.000000e+00 : f32
    %neg3A_402 = vector.broadcast %neg3A_401 : f32 to vector<1x128xf32>
    %neg3A_403 = arith.subf %neg3A_402, %add3A_400 : vector<1x128xf32>
    %exp3A_404 = math.exp %neg3A_403 : vector<1x128xf32>
    %add3A_405 = arith.constant 1.000000e+00 : f32
    %add3A_406 = vector.broadcast %add3A_405 : f32 to vector<1x128xf32>
    %add3A_407 = arith.addf %add3A_406, %exp3A_404 : vector<1x128xf32>
    %div3A_408 = arith.constant 1.000000e+00 : f32
    %div3A_409 = vector.broadcast %div3A_408 : f32 to vector<1x128xf32>
    %div3A_410 = arith.divf %div3A_409, %add3A_407 : vector<1x128xf32>
    %get3A_411 = arith.constant 2120 : index
    %get3A_412 = arith.constant 0 : index
    %get3A_413 = vector.load %arg1[%get3A_411, %get3A_412] : memref<3392x128xf32, #tpu.memory_space<vmem>>, vector<416x128xf32>
    %get3A_414 = arith.constant 2536 : index
    %get3A_415 = arith.constant 0 : index
    %get3A_416 = vector.load %arg1[%get3A_414, %get3A_415] : memref<3392x128xf32, #tpu.memory_space<vmem>>, vector<8x128xf32>
    %slice3A_417 = vector.extract_strided_slice %get3A_416 {offsets = [0, 0], sizes = [1, 128], strides = [1, 1]} : vector<8x128xf32> to vector<1x128xf32>
    %get3A_418 = arith.constant 0 : index
    %get3A_419 = arith.constant 0 : index
    %get3A_420 = vector.load %arg2[%get3A_418, %get3A_419] : memref<256x416xf32, #tpu.memory_space<vmem>>, vector<256x416xf32>
    %dot_general3A_421 = arith.constant dense<0.000000e+00> : vector<256x128xf32>
    %dot_general3A_422 = tpu.matmul %get3A_420, %get3A_413, %dot_general3A_421 {dimension_numbers = #tpu.dot_dimension_numbers<[1], [0], [0], [1], [0, 0, 1, 1], [], []>, transpose_lhs_hint = false} : vector<256x416xf32>, vector<416x128xf32>, vector<256x128xf32> -> vector<256x128xf32>
    %get3A_423 = arith.constant 0 : index
    %get3A_424 = arith.constant 0 : index
    %get3A_425 = vector.load %arg3[%get3A_423, %get3A_424] : memref<256x1xf32, #tpu.memory_space<vmem>>, vector<256x1xf32>
    %add3A_426 = vector.broadcast %get3A_425 : vector<256x1xf32> to vector<256x128xf32>
    %add3A_427 = arith.addf %dot_general3A_422, %add3A_426 : vector<256x128xf32>
    %max3A_428 = arith.constant 0.000000e+00 : f32
    %max3A_429 = vector.broadcast %max3A_428 : f32 to vector<256x128xf32>
    %max3A_430 = arith.maximumf %add3A_427, %max3A_429 : vector<256x128xf32>
    %get3A_431 = arith.constant 0 : index
    %get3A_432 = arith.constant 0 : index
    %get3A_433 = vector.load %arg4[%get3A_431, %get3A_432] : memref<128x256xf32, #tpu.memory_space<vmem>>, vector<128x256xf32>
    %dot_general3A_434 = arith.constant dense<0.000000e+00> : vector<128x128xf32>
    %dot_general3A_435 = tpu.matmul %get3A_433, %max3A_430, %dot_general3A_434 {dimension_numbers = #tpu.dot_dimension_numbers<[1], [0], [0], [1], [0, 0, 1, 1], [], []>, transpose_lhs_hint = false} : vector<128x256xf32>, vector<256x128xf32>, vector<128x128xf32> -> vector<128x128xf32>
    %get3A_436 = arith.constant 0 : index
    %get3A_437 = arith.constant 0 : index
    %get3A_438 = vector.load %arg5[%get3A_436, %get3A_437] : memref<128x1xf32, #tpu.memory_space<vmem>>, vector<128x1xf32>
    %add3A_439 = vector.broadcast %get3A_438 : vector<128x1xf32> to vector<128x128xf32>
    %add3A_440 = arith.addf %dot_general3A_435, %add3A_439 : vector<128x128xf32>
    %max3A_441 = arith.constant 0.000000e+00 : f32
    %max3A_442 = vector.broadcast %max3A_441 : f32 to vector<128x128xf32>
    %max3A_443 = arith.maximumf %add3A_440, %max3A_442 : vector<128x128xf32>
    %get3A_444 = arith.constant 0 : index
    %get3A_445 = arith.constant 0 : index
    %get3A_446 = vector.load %arg6[%get3A_444, %get3A_445] : memref<64x128xf32, #tpu.memory_space<vmem>>, vector<64x128xf32>
    %dot_general3A_447 = arith.constant dense<0.000000e+00> : vector<64x128xf32>
    %dot_general3A_448 = tpu.matmul %get3A_446, %max3A_443, %dot_general3A_447 {dimension_numbers = #tpu.dot_dimension_numbers<[1], [0], [0], [1], [0, 0, 1, 1], [], []>, transpose_lhs_hint = false} : vector<64x128xf32>, vector<128x128xf32>, vector<64x128xf32> -> vector<64x128xf32>
    %get3A_449 = arith.constant 0 : index
    %get3A_450 = arith.constant 0 : index
    %get3A_451 = vector.load %arg7[%get3A_449, %get3A_450] : memref<64x1xf32, #tpu.memory_space<vmem>>, vector<64x1xf32>
    %add3A_452 = vector.broadcast %get3A_451 : vector<64x1xf32> to vector<64x128xf32>
    %add3A_453 = arith.addf %dot_general3A_448, %add3A_452 : vector<64x128xf32>
    %max3A_454 = arith.constant 0.000000e+00 : f32
    %max3A_455 = vector.broadcast %max3A_454 : f32 to vector<64x128xf32>
    %max3A_456 = arith.maximumf %add3A_453, %max3A_455 : vector<64x128xf32>
    %get3A_457 = arith.constant 0 : index
    %get3A_458 = arith.constant 0 : index
    %get3A_459 = vector.load %arg8[%get3A_457, %get3A_458] : memref<1x64xf32, #tpu.memory_space<vmem>>, vector<1x64xf32>
    %dot_general3A_460 = arith.constant dense<0.000000e+00> : vector<1x128xf32>
    %dot_general3A_461 = tpu.matmul %get3A_459, %max3A_456, %dot_general3A_460 {dimension_numbers = #tpu.dot_dimension_numbers<[1], [0], [0], [1], [0, 0, 1, 1], [], []>, transpose_lhs_hint = false} : vector<1x64xf32>, vector<64x128xf32>, vector<1x128xf32> -> vector<1x128xf32>
    %get3A_462 = arith.constant 0 : index
    %get3A_463 = arith.constant 0 : index
    %get3A_464 = vector.load %arg9[%get3A_462, %get3A_463] : memref<1x1xf32, #tpu.memory_space<vmem>>, vector<1x1xf32>
    %add3A_465 = vector.broadcast %get3A_464 : vector<1x1xf32> to vector<1x128xf32>
    %add3A_466 = arith.addf %dot_general3A_461, %add3A_465 : vector<1x128xf32>
    %dot_general3A_467 = arith.constant dense<0.000000e+00> : vector<16x128xf32>
    %dot_general3A_468 = tpu.matmul %convert_element_type3A_16, %get3A_413, %dot_general3A_467 {dimension_numbers = #tpu.dot_dimension_numbers<[1], [0], [0], [1], [0, 0, 1, 1], [], []>, transpose_lhs_hint = false} : vector<16x416xf32>, vector<416x128xf32>, vector<16x128xf32> -> vector<16x128xf32>
    %mul3A_469 = arith.mulf %get3A_413, %get3A_413 : vector<416x128xf32>
    %dot_general3A_470 = arith.constant dense<0.000000e+00> : vector<16x128xf32>
    %dot_general3A_471 = tpu.matmul %convert_element_type3A_16, %mul3A_469, %dot_general3A_470 {dimension_numbers = #tpu.dot_dimension_numbers<[1], [0], [0], [1], [0, 0, 1, 1], [], []>, transpose_lhs_hint = false} : vector<16x416xf32>, vector<416x128xf32>, vector<16x128xf32> -> vector<16x128xf32>
    %mul3A_472 = arith.mulf %dot_general3A_468, %dot_general3A_468 : vector<16x128xf32>
    %sub3A_473 = arith.subf %mul3A_472, %dot_general3A_471 : vector<16x128xf32>
    %reduce_sum3A_474 = arith.constant dense<0.000000e+00> : vector<128xf32>
    %reduce_sum3A_475 = vector.multi_reduction <add>, %sub3A_473, %reduce_sum3A_474 [0] : vector<16x128xf32> to vector<128xf32>
    %broadcast_in_dim3A_476 = vector.shape_cast %reduce_sum3A_475 : vector<128xf32> to vector<1x128xf32>
    %mul3A_477 = arith.constant 5.000000e-01 : f32
    %mul3A_478 = vector.broadcast %mul3A_477 : f32 to vector<1x128xf32>
    %mul3A_479 = arith.mulf %mul3A_478, %broadcast_in_dim3A_476 : vector<1x128xf32>
    %add3A_480 = arith.addf %slice3A_417, %mul3A_479 : vector<1x128xf32>
    %add3A_481 = arith.addf %add3A_480, %add3A_466 : vector<1x128xf32>
    %neg3A_482 = arith.constant 0.000000e+00 : f32
    %neg3A_483 = vector.broadcast %neg3A_482 : f32 to vector<1x128xf32>
    %neg3A_484 = arith.subf %neg3A_483, %add3A_481 : vector<1x128xf32>
    %exp3A_485 = math.exp %neg3A_484 : vector<1x128xf32>
    %add3A_486 = arith.constant 1.000000e+00 : f32
    %add3A_487 = vector.broadcast %add3A_486 : f32 to vector<1x128xf32>
    %add3A_488 = arith.addf %add3A_487, %exp3A_485 : vector<1x128xf32>
    %div3A_489 = arith.constant 1.000000e+00 : f32
    %div3A_490 = vector.broadcast %div3A_489 : f32 to vector<1x128xf32>
    %div3A_491 = arith.divf %div3A_490, %add3A_488 : vector<1x128xf32>
    %get3A_492 = arith.constant 2544 : index
    %get3A_493 = arith.constant 0 : index
    %get3A_494 = vector.load %arg1[%get3A_492, %get3A_493] : memref<3392x128xf32, #tpu.memory_space<vmem>>, vector<416x128xf32>
    %get3A_495 = arith.constant 2960 : index
    %get3A_496 = arith.constant 0 : index
    %get3A_497 = vector.load %arg1[%get3A_495, %get3A_496] : memref<3392x128xf32, #tpu.memory_space<vmem>>, vector<8x128xf32>
    %slice3A_498 = vector.extract_strided_slice %get3A_497 {offsets = [0, 0], sizes = [1, 128], strides = [1, 1]} : vector<8x128xf32> to vector<1x128xf32>
    %get3A_499 = arith.constant 0 : index
    %get3A_500 = arith.constant 0 : index
    %get3A_501 = vector.load %arg2[%get3A_499, %get3A_500] : memref<256x416xf32, #tpu.memory_space<vmem>>, vector<256x416xf32>
    %dot_general3A_502 = arith.constant dense<0.000000e+00> : vector<256x128xf32>
    %dot_general3A_503 = tpu.matmul %get3A_501, %get3A_494, %dot_general3A_502 {dimension_numbers = #tpu.dot_dimension_numbers<[1], [0], [0], [1], [0, 0, 1, 1], [], []>, transpose_lhs_hint = false} : vector<256x416xf32>, vector<416x128xf32>, vector<256x128xf32> -> vector<256x128xf32>
    %get3A_504 = arith.constant 0 : index
    %get3A_505 = arith.constant 0 : index
    %get3A_506 = vector.load %arg3[%get3A_504, %get3A_505] : memref<256x1xf32, #tpu.memory_space<vmem>>, vector<256x1xf32>
    %add3A_507 = vector.broadcast %get3A_506 : vector<256x1xf32> to vector<256x128xf32>
    %add3A_508 = arith.addf %dot_general3A_503, %add3A_507 : vector<256x128xf32>
    %max3A_509 = arith.constant 0.000000e+00 : f32
    %max3A_510 = vector.broadcast %max3A_509 : f32 to vector<256x128xf32>
    %max3A_511 = arith.maximumf %add3A_508, %max3A_510 : vector<256x128xf32>
    %get3A_512 = arith.constant 0 : index
    %get3A_513 = arith.constant 0 : index
    %get3A_514 = vector.load %arg4[%get3A_512, %get3A_513] : memref<128x256xf32, #tpu.memory_space<vmem>>, vector<128x256xf32>
    %dot_general3A_515 = arith.constant dense<0.000000e+00> : vector<128x128xf32>
    %dot_general3A_516 = tpu.matmul %get3A_514, %max3A_511, %dot_general3A_515 {dimension_numbers = #tpu.dot_dimension_numbers<[1], [0], [0], [1], [0, 0, 1, 1], [], []>, transpose_lhs_hint = false} : vector<128x256xf32>, vector<256x128xf32>, vector<128x128xf32> -> vector<128x128xf32>
    %get3A_517 = arith.constant 0 : index
    %get3A_518 = arith.constant 0 : index
    %get3A_519 = vector.load %arg5[%get3A_517, %get3A_518] : memref<128x1xf32, #tpu.memory_space<vmem>>, vector<128x1xf32>
    %add3A_520 = vector.broadcast %get3A_519 : vector<128x1xf32> to vector<128x128xf32>
    %add3A_521 = arith.addf %dot_general3A_516, %add3A_520 : vector<128x128xf32>
    %max3A_522 = arith.constant 0.000000e+00 : f32
    %max3A_523 = vector.broadcast %max3A_522 : f32 to vector<128x128xf32>
    %max3A_524 = arith.maximumf %add3A_521, %max3A_523 : vector<128x128xf32>
    %get3A_525 = arith.constant 0 : index
    %get3A_526 = arith.constant 0 : index
    %get3A_527 = vector.load %arg6[%get3A_525, %get3A_526] : memref<64x128xf32, #tpu.memory_space<vmem>>, vector<64x128xf32>
    %dot_general3A_528 = arith.constant dense<0.000000e+00> : vector<64x128xf32>
    %dot_general3A_529 = tpu.matmul %get3A_527, %max3A_524, %dot_general3A_528 {dimension_numbers = #tpu.dot_dimension_numbers<[1], [0], [0], [1], [0, 0, 1, 1], [], []>, transpose_lhs_hint = false} : vector<64x128xf32>, vector<128x128xf32>, vector<64x128xf32> -> vector<64x128xf32>
    %get3A_530 = arith.constant 0 : index
    %get3A_531 = arith.constant 0 : index
    %get3A_532 = vector.load %arg7[%get3A_530, %get3A_531] : memref<64x1xf32, #tpu.memory_space<vmem>>, vector<64x1xf32>
    %add3A_533 = vector.broadcast %get3A_532 : vector<64x1xf32> to vector<64x128xf32>
    %add3A_534 = arith.addf %dot_general3A_529, %add3A_533 : vector<64x128xf32>
    %max3A_535 = arith.constant 0.000000e+00 : f32
    %max3A_536 = vector.broadcast %max3A_535 : f32 to vector<64x128xf32>
    %max3A_537 = arith.maximumf %add3A_534, %max3A_536 : vector<64x128xf32>
    %get3A_538 = arith.constant 0 : index
    %get3A_539 = arith.constant 0 : index
    %get3A_540 = vector.load %arg8[%get3A_538, %get3A_539] : memref<1x64xf32, #tpu.memory_space<vmem>>, vector<1x64xf32>
    %dot_general3A_541 = arith.constant dense<0.000000e+00> : vector<1x128xf32>
    %dot_general3A_542 = tpu.matmul %get3A_540, %max3A_537, %dot_general3A_541 {dimension_numbers = #tpu.dot_dimension_numbers<[1], [0], [0], [1], [0, 0, 1, 1], [], []>, transpose_lhs_hint = false} : vector<1x64xf32>, vector<64x128xf32>, vector<1x128xf32> -> vector<1x128xf32>
    %get3A_543 = arith.constant 0 : index
    %get3A_544 = arith.constant 0 : index
    %get3A_545 = vector.load %arg9[%get3A_543, %get3A_544] : memref<1x1xf32, #tpu.memory_space<vmem>>, vector<1x1xf32>
    %add3A_546 = vector.broadcast %get3A_545 : vector<1x1xf32> to vector<1x128xf32>
    %add3A_547 = arith.addf %dot_general3A_542, %add3A_546 : vector<1x128xf32>
    %dot_general3A_548 = arith.constant dense<0.000000e+00> : vector<16x128xf32>
    %dot_general3A_549 = tpu.matmul %convert_element_type3A_16, %get3A_494, %dot_general3A_548 {dimension_numbers = #tpu.dot_dimension_numbers<[1], [0], [0], [1], [0, 0, 1, 1], [], []>, transpose_lhs_hint = false} : vector<16x416xf32>, vector<416x128xf32>, vector<16x128xf32> -> vector<16x128xf32>
    %mul3A_550 = arith.mulf %get3A_494, %get3A_494 : vector<416x128xf32>
    %dot_general3A_551 = arith.constant dense<0.000000e+00> : vector<16x128xf32>
    %dot_general3A_552 = tpu.matmul %convert_element_type3A_16, %mul3A_550, %dot_general3A_551 {dimension_numbers = #tpu.dot_dimension_numbers<[1], [0], [0], [1], [0, 0, 1, 1], [], []>, transpose_lhs_hint = false} : vector<16x416xf32>, vector<416x128xf32>, vector<16x128xf32> -> vector<16x128xf32>
    %mul3A_553 = arith.mulf %dot_general3A_549, %dot_general3A_549 : vector<16x128xf32>
    %sub3A_554 = arith.subf %mul3A_553, %dot_general3A_552 : vector<16x128xf32>
    %reduce_sum3A_555 = arith.constant dense<0.000000e+00> : vector<128xf32>
    %reduce_sum3A_556 = vector.multi_reduction <add>, %sub3A_554, %reduce_sum3A_555 [0] : vector<16x128xf32> to vector<128xf32>
    %broadcast_in_dim3A_557 = vector.shape_cast %reduce_sum3A_556 : vector<128xf32> to vector<1x128xf32>
    %mul3A_558 = arith.constant 5.000000e-01 : f32
    %mul3A_559 = vector.broadcast %mul3A_558 : f32 to vector<1x128xf32>
    %mul3A_560 = arith.mulf %mul3A_559, %broadcast_in_dim3A_557 : vector<1x128xf32>
    %add3A_561 = arith.addf %slice3A_498, %mul3A_560 : vector<1x128xf32>
    %add3A_562 = arith.addf %add3A_561, %add3A_547 : vector<1x128xf32>
    %neg3A_563 = arith.constant 0.000000e+00 : f32
    %neg3A_564 = vector.broadcast %neg3A_563 : f32 to vector<1x128xf32>
    %neg3A_565 = arith.subf %neg3A_564, %add3A_562 : vector<1x128xf32>
    %exp3A_566 = math.exp %neg3A_565 : vector<1x128xf32>
    %add3A_567 = arith.constant 1.000000e+00 : f32
    %add3A_568 = vector.broadcast %add3A_567 : f32 to vector<1x128xf32>
    %add3A_569 = arith.addf %add3A_568, %exp3A_566 : vector<1x128xf32>
    %div3A_570 = arith.constant 1.000000e+00 : f32
    %div3A_571 = vector.broadcast %div3A_570 : f32 to vector<1x128xf32>
    %div3A_572 = arith.divf %div3A_571, %add3A_569 : vector<1x128xf32>
    %get3A_573 = arith.constant 2968 : index
    %get3A_574 = arith.constant 0 : index
    %get3A_575 = vector.load %arg1[%get3A_573, %get3A_574] : memref<3392x128xf32, #tpu.memory_space<vmem>>, vector<416x128xf32>
    %get3A_576 = arith.constant 3384 : index
    %get3A_577 = arith.constant 0 : index
    %get3A_578 = vector.load %arg1[%get3A_576, %get3A_577] : memref<3392x128xf32, #tpu.memory_space<vmem>>, vector<8x128xf32>
    %slice3A_579 = vector.extract_strided_slice %get3A_578 {offsets = [0, 0], sizes = [1, 128], strides = [1, 1]} : vector<8x128xf32> to vector<1x128xf32>
    %get3A_580 = arith.constant 0 : index
    %get3A_581 = arith.constant 0 : index
    %get3A_582 = vector.load %arg2[%get3A_580, %get3A_581] : memref<256x416xf32, #tpu.memory_space<vmem>>, vector<256x416xf32>
    %dot_general3A_583 = arith.constant dense<0.000000e+00> : vector<256x128xf32>
    %dot_general3A_584 = tpu.matmul %get3A_582, %get3A_575, %dot_general3A_583 {dimension_numbers = #tpu.dot_dimension_numbers<[1], [0], [0], [1], [0, 0, 1, 1], [], []>, transpose_lhs_hint = false} : vector<256x416xf32>, vector<416x128xf32>, vector<256x128xf32> -> vector<256x128xf32>
    %get3A_585 = arith.constant 0 : index
    %get3A_586 = arith.constant 0 : index
    %get3A_587 = vector.load %arg3[%get3A_585, %get3A_586] : memref<256x1xf32, #tpu.memory_space<vmem>>, vector<256x1xf32>
    %add3A_588 = vector.broadcast %get3A_587 : vector<256x1xf32> to vector<256x128xf32>
    %add3A_589 = arith.addf %dot_general3A_584, %add3A_588 : vector<256x128xf32>
    %max3A_590 = arith.constant 0.000000e+00 : f32
    %max3A_591 = vector.broadcast %max3A_590 : f32 to vector<256x128xf32>
    %max3A_592 = arith.maximumf %add3A_589, %max3A_591 : vector<256x128xf32>
    %get3A_593 = arith.constant 0 : index
    %get3A_594 = arith.constant 0 : index
    %get3A_595 = vector.load %arg4[%get3A_593, %get3A_594] : memref<128x256xf32, #tpu.memory_space<vmem>>, vector<128x256xf32>
    %dot_general3A_596 = arith.constant dense<0.000000e+00> : vector<128x128xf32>
    %dot_general3A_597 = tpu.matmul %get3A_595, %max3A_592, %dot_general3A_596 {dimension_numbers = #tpu.dot_dimension_numbers<[1], [0], [0], [1], [0, 0, 1, 1], [], []>, transpose_lhs_hint = false} : vector<128x256xf32>, vector<256x128xf32>, vector<128x128xf32> -> vector<128x128xf32>
    %get3A_598 = arith.constant 0 : index
    %get3A_599 = arith.constant 0 : index
    %get3A_600 = vector.load %arg5[%get3A_598, %get3A_599] : memref<128x1xf32, #tpu.memory_space<vmem>>, vector<128x1xf32>
    %add3A_601 = vector.broadcast %get3A_600 : vector<128x1xf32> to vector<128x128xf32>
    %add3A_602 = arith.addf %dot_general3A_597, %add3A_601 : vector<128x128xf32>
    %max3A_603 = arith.constant 0.000000e+00 : f32
    %max3A_604 = vector.broadcast %max3A_603 : f32 to vector<128x128xf32>
    %max3A_605 = arith.maximumf %add3A_602, %max3A_604 : vector<128x128xf32>
    %get3A_606 = arith.constant 0 : index
    %get3A_607 = arith.constant 0 : index
    %get3A_608 = vector.load %arg6[%get3A_606, %get3A_607] : memref<64x128xf32, #tpu.memory_space<vmem>>, vector<64x128xf32>
    %dot_general3A_609 = arith.constant dense<0.000000e+00> : vector<64x128xf32>
    %dot_general3A_610 = tpu.matmul %get3A_608, %max3A_605, %dot_general3A_609 {dimension_numbers = #tpu.dot_dimension_numbers<[1], [0], [0], [1], [0, 0, 1, 1], [], []>, transpose_lhs_hint = false} : vector<64x128xf32>, vector<128x128xf32>, vector<64x128xf32> -> vector<64x128xf32>
    %get3A_611 = arith.constant 0 : index
    %get3A_612 = arith.constant 0 : index
    %get3A_613 = vector.load %arg7[%get3A_611, %get3A_612] : memref<64x1xf32, #tpu.memory_space<vmem>>, vector<64x1xf32>
    %add3A_614 = vector.broadcast %get3A_613 : vector<64x1xf32> to vector<64x128xf32>
    %add3A_615 = arith.addf %dot_general3A_610, %add3A_614 : vector<64x128xf32>
    %max3A_616 = arith.constant 0.000000e+00 : f32
    %max3A_617 = vector.broadcast %max3A_616 : f32 to vector<64x128xf32>
    %max3A_618 = arith.maximumf %add3A_615, %max3A_617 : vector<64x128xf32>
    %get3A_619 = arith.constant 0 : index
    %get3A_620 = arith.constant 0 : index
    %get3A_621 = vector.load %arg8[%get3A_619, %get3A_620] : memref<1x64xf32, #tpu.memory_space<vmem>>, vector<1x64xf32>
    %dot_general3A_622 = arith.constant dense<0.000000e+00> : vector<1x128xf32>
    %dot_general3A_623 = tpu.matmul %get3A_621, %max3A_618, %dot_general3A_622 {dimension_numbers = #tpu.dot_dimension_numbers<[1], [0], [0], [1], [0, 0, 1, 1], [], []>, transpose_lhs_hint = false} : vector<1x64xf32>, vector<64x128xf32>, vector<1x128xf32> -> vector<1x128xf32>
    %get3A_624 = arith.constant 0 : index
    %get3A_625 = arith.constant 0 : index
    %get3A_626 = vector.load %arg9[%get3A_624, %get3A_625] : memref<1x1xf32, #tpu.memory_space<vmem>>, vector<1x1xf32>
    %add3A_627 = vector.broadcast %get3A_626 : vector<1x1xf32> to vector<1x128xf32>
    %add3A_628 = arith.addf %dot_general3A_623, %add3A_627 : vector<1x128xf32>
    %dot_general3A_629 = arith.constant dense<0.000000e+00> : vector<16x128xf32>
    %dot_general3A_630 = tpu.matmul %convert_element_type3A_16, %get3A_575, %dot_general3A_629 {dimension_numbers = #tpu.dot_dimension_numbers<[1], [0], [0], [1], [0, 0, 1, 1], [], []>, transpose_lhs_hint = false} : vector<16x416xf32>, vector<416x128xf32>, vector<16x128xf32> -> vector<16x128xf32>
    %mul3A_631 = arith.mulf %get3A_575, %get3A_575 : vector<416x128xf32>
    %dot_general3A_632 = arith.constant dense<0.000000e+00> : vector<16x128xf32>
    %dot_general3A_633 = tpu.matmul %convert_element_type3A_16, %mul3A_631, %dot_general3A_632 {dimension_numbers = #tpu.dot_dimension_numbers<[1], [0], [0], [1], [0, 0, 1, 1], [], []>, transpose_lhs_hint = false} : vector<16x416xf32>, vector<416x128xf32>, vector<16x128xf32> -> vector<16x128xf32>
    %mul3A_634 = arith.mulf %dot_general3A_630, %dot_general3A_630 : vector<16x128xf32>
    %sub3A_635 = arith.subf %mul3A_634, %dot_general3A_633 : vector<16x128xf32>
    %reduce_sum3A_636 = arith.constant dense<0.000000e+00> : vector<128xf32>
    %reduce_sum3A_637 = vector.multi_reduction <add>, %sub3A_635, %reduce_sum3A_636 [0] : vector<16x128xf32> to vector<128xf32>
    %broadcast_in_dim3A_638 = vector.shape_cast %reduce_sum3A_637 : vector<128xf32> to vector<1x128xf32>
    %mul3A_639 = arith.constant 5.000000e-01 : f32
    %mul3A_640 = vector.broadcast %mul3A_639 : f32 to vector<1x128xf32>
    %mul3A_641 = arith.mulf %mul3A_640, %broadcast_in_dim3A_638 : vector<1x128xf32>
    %add3A_642 = arith.addf %slice3A_579, %mul3A_641 : vector<1x128xf32>
    %add3A_643 = arith.addf %add3A_642, %add3A_628 : vector<1x128xf32>
    %neg3A_644 = arith.constant 0.000000e+00 : f32
    %neg3A_645 = vector.broadcast %neg3A_644 : f32 to vector<1x128xf32>
    %neg3A_646 = arith.subf %neg3A_645, %add3A_643 : vector<1x128xf32>
    %exp3A_647 = math.exp %neg3A_646 : vector<1x128xf32>
    %add3A_648 = arith.constant 1.000000e+00 : f32
    %add3A_649 = vector.broadcast %add3A_648 : f32 to vector<1x128xf32>
    %add3A_650 = arith.addf %add3A_649, %exp3A_647 : vector<1x128xf32>
    %div3A_651 = arith.constant 1.000000e+00 : f32
    %div3A_652 = vector.broadcast %div3A_651 : f32 to vector<1x128xf32>
    %div3A_653 = arith.divf %div3A_652, %add3A_650 : vector<1x128xf32>
    %concatenate3A = tpu.concatenate %div3A_86, %div3A_167, %div3A_248, %div3A_329, %div3A_410, %div3A_491, %div3A_572, %div3A_653 in 0 : vector<1x128xf32>, vector<1x128xf32>, vector<1x128xf32>, vector<1x128xf32>, vector<1x128xf32>, vector<1x128xf32>, vector<1x128xf32>, vector<1x128xf32> -> vector<8x128xf32>
    %swap3A = arith.constant 0 : index
    %swap3A_654 = arith.constant 0 : index
    %swap3A_655 = vector.load %arg10[%swap3A, %swap3A_654] : memref<8x128xf32, #tpu.memory_space<vmem>>, vector<8x128xf32>
    tpu.vector_store %arg10[%swap3A, %swap3A_654], %concatenate3A {strides = array<i32>} : memref<8x128xf32, #tpu.memory_space<vmem>>, vector<8x128xf32>,
    return
  }
  func.func @transform_0(%arg0: i32) -> (i32, i32) {
    %c0_i32 = arith.constant 0 : i32
    %c0_i32_0 = arith.constant 0 : i32
    return %arg0, %c0_i32 : i32, i32
  }
  func.func @transform_1(%arg0: i32) -> (i32, i32) {
    %c0_i32 = arith.constant 0 : i32
    %c0_i32_0 = arith.constant 0 : i32
    %c0_i32_1 = arith.constant 0 : i32
    return %c0_i32, %c0_i32_0 : i32, i32
  }
  func.func @transform_2(%arg0: i32) -> (i32, i32) {
    %c0_i32 = arith.constant 0 : i32
    %c0_i32_0 = arith.constant 0 : i32
    %c0_i32_1 = arith.constant 0 : i32
    return %c0_i32, %c0_i32_0 : i32, i32
  }
  func.func @transform_3(%arg0: i32) -> (i32, i32) {
    %c0_i32 = arith.constant 0 : i32
    %c0_i32_0 = arith.constant 0 : i32
    %c0_i32_1 = arith.constant 0 : i32
    return %c0_i32, %c0_i32_0 : i32, i32
  }
  func.func @transform_4(%arg0: i32) -> (i32, i32) {
    %c0_i32 = arith.constant 0 : i32
    %c0_i32_0 = arith.constant 0 : i32
    %c0_i32_1 = arith.constant 0 : i32
    return %c0_i32, %c0_i32_0 : i32, i32
  }
  func.func @transform_5(%arg0: i32) -> (i32, i32) {
    %c0_i32 = arith.constant 0 : i32
    %c0_i32_0 = arith.constant 0 : i32
    %c0_i32_1 = arith.constant 0 : i32
    return %c0_i32, %c0_i32_0 : i32, i32
  }
  func.func @transform_6(%arg0: i32) -> (i32, i32) {
    %c0_i32 = arith.constant 0 : i32
    %c0_i32_0 = arith.constant 0 : i32
    %c0_i32_1 = arith.constant 0 : i32
    return %c0_i32, %c0_i32_0 : i32, i32
  }
  func.func @transform_7(%arg0: i32) -> (i32, i32) {
    %c0_i32 = arith.constant 0 : i32
    %c0_i32_0 = arith.constant 0 : i32
    %c0_i32_1 = arith.constant 0 : i32
    return %c0_i32, %c0_i32_0 : i32, i32
  }
  func.func @transform_8(%arg0: i32) -> (i32, i32) {
    %c0_i32 = arith.constant 0 : i32
    %c0_i32_0 = arith.constant 0 : i32
    %c0_i32_1 = arith.constant 0 : i32
    return %c0_i32, %c0_i32_0 : i32, i32
  }
  func.func @transform_9(%arg0: i32) -> (i32, i32) {
    %c0_i32 = arith.constant 0 : i32
    %c0_i32_0 = arith.constant 0 : i32
    return %arg0, %c0_i32 : i32, i32
  }
}

</mosaic_0001>

<sc_bundles>
// kernel: kernel.5.cloned.1.call-start
scs
__scs_entry_jumppad:
0x0: {  	(pc) =	sbr.rel $0x88, $3  }
0x1: {  	(tag) =	ssettag $0x0;
	lr =	simm.s32 $0x1  }
0x2: {  	[smem:$0x3F7D] =	sst lr;
	_ =	strace $0xD0000000  }
0x3: {  	_ = 	snop  }
0x4: {  	_ = 	snop  }
0x5: {  	_ = 	snop  }
0x6: {  	_ = 	snop  }
0x7: {  	_ = 	snop  }
__scs_overlays_trampoline_lowered:
0x8: {  	[smem:$0x3F8C] =	sst s0  }
0x9: {  	[smem:$0x3F8D] =	sst s1  }
0xa: {  	[smem:$0x3F8E] =	sst s2  }
0xb: {  	[smem:$0x3F8F] =	sst s3  }
0xc: {  	[smem:$0x3F90] =	sst s4  }
0xd: {  	[smem:$0x3F91] =	sst s5  }
0xe: {  	[smem:$0x3F92] =	sst s6  }
0xf: {  	[smem:$0x3F93] =	sst s7  }
0x10: {  	[smem:$0x3F94] =	sst s8  }
0x11: {  	[smem:$0x3F95] =	sst s9;
	s0 =	simm.s32 @!p0 $0x0  }
0x12: {  	s1 =	sld [smem:$0x3F7B];
	s0 =	simm.s32 @p0 $0x1  }
0x13: {  	[smem:$0x3F96] =	sst s0;
	s0 =	simm.s32 @!p1 $0x0  }
0x14: {  	s2 =	sld [smem:$0x3F7A];
	s0 =	simm.s32 @p1 $0x1  }
0x15: {  	[smem:$0x3F97] =	sst s0;
	s0 =	simm.s32 @!p2 $0x0  }
0x16: {  	s3 =	sld [smem:$0x3FDB];
	s0 =	simm.s32 @p2 $0x1  }
0x17: {  	s4 =	simm.s32 $0x1BF5;
	[smem:$0x3F99] =	sst s0  }
0x18: {  	s0 =	sld [smem:$0x3F7C];
	_ =	swait.ge [sflag:s4], $0x0  }
0x19: {  	s7 =	sld [smem:$0x3F7D]  }
0x1a: {  	s8 =	sadd.s32 $0xFFFFE003, lr  }
0x1b: {  	s9 =	sadd.s32 $0xFFFFFEF7, lr;
	s5 =	simm.s32 $0xFFFFFFFF;
	p2 =	slt.u32 s8, $0xFFFFF086  }
0x1c: {  	p1 =	slt.u32 s9, $0xF7A;
	s5 =	simm.s32 @!p2 $0x0  }
0x1d: {  	s5 =	simm.s32 @p1 $0x1;
	p0 =	seq.s32 s7, s2  }
0x1e: {  	s7 =	smul.u32 @!p0 $0xF7A, s2;
	p2 =	seq.s32 @!p0 s5, $0x0  }
0x1f: {  	s9 =	smul.u32 $0xF7A, s1;
	s8 =	simm.s32 @!p0 $0x1BF5;
	p2 =	por !p2, p0  }
0x20: {  	[sflag:s8] =	ssyncset.s32 @!p0 $0xFFFFF086;
	s6 =	sadd.s32 @!p0 s3, s7;
	s7 =	simm.s32 @!p0 $0x108  }
0x21: {  	s3 =	sadd.s32 s3, s9;
	s6 =	sadd.s32 @!p0 $0x88, s6;
	s7 =	simm.s32 @p2 $0x1082  }
0x22: {  	[simem:s7], [sflag:s8] =	dma.local @!p0 [hbm:s6], $0xF7A  }
0x23: {  	s9 =	sor.u32 $0xD0000000, s2;
	s6 =	simm.s32 $0x108;
	_ =	swait.ge @!p0 [sflag:s8], $0x0  }
0x24: {  	s3 =	sadd.s32 $0x88, s3;
	s6 =	simm.s32 @!p1 $0x1082;
	[sflag:s4] =	ssyncset.s32 $0xFFFFF086  }
0x25: {  	[simem:s6], [sflag:s4] =	dma.local [hbm:s3], $0xF7A  }
0x26: {  	[smem:$0x3F7D] =	sst s1;
	(tag) =	ssettag s2;
	_ =	strace s9  }
0x27: {  	s1 =	sld [smem:$0x3F8D]  }
0x28: {  	s2 =	sld [smem:$0x3F8E]  }
0x29: {  	s4 =	sld [smem:$0x3F90]  }
0x2a: {  	p0 =	seq.s32 s5, $0x0;
	s5 =	sld [smem:$0x3F91]  }
0x2b: {  	s6 =	sld [smem:$0x3F92]  }
0x2c: {  	s7 =	sld [smem:$0x3F93]  }
0x2d: {  	s3 =	simm.s32 $0x108;
	s8 =	sld [smem:$0x3F94]  }
0x2e: {  	s3 =	simm.s32 @!p0 $0x1082;
	s9 =	sld [smem:$0x3F95]  }
0x2f: {  	lr =	sadd.s32 s0, s3;
	s0 =	sld [smem:$0x3F8C]  }
0x30: {  	s3 =	sld [smem:$0x3F8F]  }
0x31: {  	[smem:$0x3F98] =	sst s10  }
0x32: {  	s10 =	sld [smem:$0x3F96];
	_ =	sdelay $0x3  }
0x33: {  	p0 =	seq.s32 s10, $0x1;
	s10 =	sld [smem:$0x3F98];
	_ =	sdelay $0x3  }
0x34: {  	[smem:$0x3F98] =	sst s10  }
0x35: {  	s10 =	sld [smem:$0x3F97];
	_ =	sdelay $0x3  }
0x36: {  	p1 =	seq.s32 s10, $0x1;
	s10 =	sld [smem:$0x3F98];
	_ =	sdelay $0x3  }
0x37: {  	[smem:$0x3F98] =	sst s10  }
0x38: {  	s10 =	sld [smem:$0x3F99]  }
0x39: {  	_ = 	snop;
	(pc) =	sbr.ind lr, $3  }
0x3a: {  	_ = 	snop  }
0x3b: {  	_ = 	snop  }
0x3c: {  	p2 =	seq.s32 s10, $0x1;
	s10 =	sld [smem:$0x3F98]  }
0x3d: {  	_ =	shalt  }
0x3e: {  	_ =	shalt  }
0x3f: {  	_ =	shalt  }
0x40: {  	_ =	shalt  }
0x41: {  	_ =	shalt  }
0x42: {  	_ =	shalt  }
0x43: {  	_ =	shalt  }
0x44: {  	_ =	shalt  }
0x45: {  	_ =	shalt  }
0x46: {  	_ =	shalt  }
0x47: {  	_ =	shalt  }
0x48: {  	_ =	shalt  }
0x49: {  	_ =	shalt  }
0x4a: {  	_ =	shalt  }
0x4b: {  	_ =	shalt  }
0x4c: {  	_ =	shalt  }
0x4d: {  	_ =	shalt  }
0x4e: {  	_ =	shalt  }
0x4f: {  	_ =	shalt  }
0x50: {  	_ =	shalt  }
0x51: {  	_ =	shalt  }
0x52: {  	_ =	shalt  }
0x53: {  	_ =	shalt  }
0x54: {  	_ =	shalt  }
0x55: {  	_ =	shalt  }
0x56: {  	_ =	shalt  }
0x57: {  	_ =	shalt  }
0x58: {  	_ =	shalt  }
0x59: {  	_ =	shalt  }
0x5a: {  	_ =	shalt  }
0x5b: {  	_ =	shalt  }
0x5c: {  	_ =	shalt  }
0x5d: {  	_ =	shalt  }
0x5e: {  	_ =	shalt  }
0x5f: {  	_ =	shalt  }
0x60: {  	_ =	shalt  }
0x61: {  	_ =	shalt  }
0x62: {  	_ =	shalt  }
0x63: {  	_ =	shalt  }
0x64: {  	_ =	shalt  }
0x65: {  	_ =	shalt  }
0x66: {  	_ =	shalt  }
0x67: {  	_ =	shalt  }
0x68: {  	_ =	shalt  }
0x69: {  	_ =	shalt  }
0x6a: {  	_ =	shalt  }
0x6b: {  	_ =	shalt  }
0x6c: {  	_ =	shalt  }
0x6d: {  	_ =	shalt  }
0x6e: {  	_ =	shalt  }
0x6f: {  	_ =	shalt  }
0x70: {  	_ =	shalt  }
0x71: {  	_ =	shalt  }
0x72: {  	_ =	shalt  }
0x73: {  	_ =	shalt  }
0x74: {  	_ =	shalt  }
0x75: {  	_ =	shalt  }
0x76: {  	_ =	shalt  }
0x77: {  	_ =	shalt  }
0x78: {  	_ =	shalt  }
0x79: {  	_ =	shalt  }
0x7a: {  	_ =	shalt  }
0x7b: {  	_ =	shalt  }
0x7c: {  	_ =	shalt  }
0x7d: {  	_ =	shalt  }
0x7e: {  	_ =	shalt  }
0x7f: {  	_ =	shalt  }
0x80: {  	_ =	shalt  }
0x81: {  	_ =	shalt  }
0x82: {  	_ =	shalt  }
0x83: {  	_ =	shalt  }
0x84: {  	_ =	shalt  }
0x85: {  	_ =	shalt  }
0x86: {  	_ =	shalt  }
0x87: {  	_ =	shalt  }
.Lfunc_end0:
.L_simem_size_0:
called_computation_lowered:
.L_overlay_start_0:
0x88: {  	s2 =	sld [smem:$0x3FD9]  }
0x89: {  	s3 =	sld [smem:$0x3FFE];
	_ =	sdelay $0x1  }
0x8a: {  	s4 =	srdreg.scid  }
0x8b: {  	s1 =	sand.u32 $0x1, s4  }
0x8c: {  	s0 =	sshll.u32 s1, $0xA;
	s2 =	sadd.s32 s3, s2  }
0x8d: {  	s2 =	sadd.s32 s2, s0  }
0x8e: {  	[smem:$0x3FA4] =	sst s2  }
0x8f: {  	_ = 	snop  }
0x90: {  	s3 =	sld [smem:$0x3FC8]  }
0x91: {  	s5 =	sld [smem:$0x3FC6]  }
0x92: {  	s6 =	sld [smem:$0x3FC5]  }
0x93: {  	s7 =	sld [smem:$0x3FC4]  }
0x94: {  	s8 =	sld [smem:$0x3FC3]  }
0x95: {  	s9 =	sld [smem:$0x3FC2]  }
0x96: {  	s10 =	sld [smem:$0x3FC1]  }
0x97: {  	s11 =	sld [smem:$0x3FC0]  }
0x98: {  	s12 =	sld [smem:$0x3FBF]  }
0x99: {  	s13 =	sld [smem:$0x3FBE]  }
0x9a: {  	s14 =	sld [smem:$0x3FBD]  }
0x9b: {  	s15 =	sld [smem:$0x3FBC]  }
0x9c: {  	s17 =	sld [smem:$0x3FBB]  }
0x9d: {  	s18 =	sld [smem:$0x3FBA]  }
0x9e: {  	s19 =	sld [smem:$0x3FB9]  }
0x9f: {  	s20 =	sld [smem:$0x3FB8]  }
0xa0: {  	s21 =	sld [smem:$0x3FB7]  }
0xa1: {  	s22 =	sld [smem:$0x3FB6]  }
0xa2: {  	s23 =	sld [smem:$0x3FB5]  }
0xa3: {  	s24 =	sld [smem:$0x3FB4]  }
0xa4: {  	s25 =	sld [smem:$0x3FB3]  }
0xa5: {  	s26 =	sld [smem:$0x3FB2]  }
0xa6: {  	s28 =	sld [smem:$0x3FB1]  }
0xa7: {  	s29 =	sld [smem:$0x3FB0];
	(tm) =	ssettm $0x1  }
0xa8: {  	s16 =	sld [smem:$0x3FFB];
	_ =	sdelay $0x3  }
0xa9: {  	_ =	strace s16  }
0xaa: {  	s16 =	sld [smem:$0x3FFC];
	_ =	sdelay $0x3  }
0xab: {  	_ =	strace s16  }
0xac: {  	s16 =	sld [smem:$0x3FFD];
	_ =	sdelay $0x3  }
0xad: {  	_ =	strace s16  }
0xae: {  	_ =	strace $0x8FFFFFFF  }
0xaf: {  	s2 =	sld [smem:$0x3FDB];
	_ =	sdelay $0x1  }
0xb0: {  	s30 =	simm.s32 $_scs_section_size  }
0xb1: {  	s31 =	simm.s32 $_size__tile_task_arg_handler_lowered;
	s0 =	simm.s32 $_tile_task_arg_handler_lowered  }
0xb2: {  	s0 =	sshll.u32 s0, $0x1;
	s16 =	sshll.u32 s31, $0x1;
	s30 =	sadd.s32 s30, s2  }
0xb3: {  	s31 =	simm.s32 $0x1BFF;
	s2 =	simm.s32 $0x60;
	s0 =	sadd.s32 s0, s30  }
0xb4: {  	[timem:s2], [sflag:s31] =	dma.local [hbm:s0], s16  }
0xb5: {  	_ =	swait.ge [sflag:s31], s16  }
0xb6: {  	s2 =	ssub.s32 $0x0, s16;
	s16 =	simm.s32 $_tile_overlayer_lowered;
	[sflag:s31] =	ssyncset.done $0x0  }
0xb7: {  	s0 =	sshll.u32 s16, $0x1;
	s16 =	simm.s32 $_size__tile_overlayer_lowered;
	[sflag:s31] =	ssyncadd.s32 s2  }
0xb8: {  	s2 =	sshll.u32 s16, $0x1;
	s0 =	sadd.s32 s0, s30;
	s16 =	simm.s32 $0x0  }
0xb9: {  	[timem:s16], [sflag:s31] =	dma.local [hbm:s0], s2  }
0xba: {  	_ =	swait.ge [sflag:s31], s2  }
0xbb: {  	s2 =	ssub.s32 $0x0, s2;
	[sflag:s31] =	ssyncset.done $0x0  }
0xbc: {  	[sflag:s31] =	ssyncadd.s32 s2;
	_ =	sdelay $0x1  }
0xbd: {  	s31 =	simm.s32 $0x1B8B  }
0xbe: {  	_ =	swait.ge [sflag:s31], $0x1  }
0xbf: {  	[sflag:s31] =	ssyncset.done $0x0  }
0xc0: {  	s2 =	simm.s32 $0x1B8E;
	s0 =	sld [smem:$0x3FFE];
	[sflag:s31] =	ssyncadd.s32 $0xFFFFFFFF  }
0xc1: {  	s31 =	simm.s32 $execute0_lowered;
	[smem:$0x3FD2] =	sst s2  }
0xc2: {  	s2 =	sshll.u32 s31, $0x1;
	_ =	strace $0x80000046;
	[dreg:$0x1] =	wrdreg $0xFFFFFFFF  }
0xc3: {  	s31 =	simm.s32 $_size_execute0_lowered;
	s2 =	sadd.s32 s30, s2;
	[dreg:$0x0] =	wrdreg $0x0  }
0xc4: {  	s31 =	sshll.u32 s31, $0x1;
	[dreg:$0x2] =	wrdreg s2  }
0xc5: {  	[dreg:$0x3] =	wrdreg s31  }
0xc6: {  	[dreg:$0x4] =	wrdreg $0xC0  }
0xc7: {  	_ =	task [dreg:s16], $0x5FFFF  }
0xc8: {  	[dreg:$0x1] =	wrdreg $0xFFFFFFFF  }
0xc9: {  	[dreg:$0x0] =	wrdreg $0x30  }
0xca: {  	[dreg:$0x2] =	wrdreg $0x0  }
0xcb: {  	[dreg:$0x3] =	wrdreg s17  }
0xcc: {  	[dreg:$0x4] =	wrdreg s18  }
0xcd: {  	[dreg:$0x5] =	wrdreg s19  }
0xce: {  	[dreg:$0x6] =	wrdreg s20  }
0xcf: {  	[dreg:$0x7] =	wrdreg s21  }
0xd0: {  	[dreg:$0x8] =	wrdreg s22  }
0xd1: {  	[dreg:$0x9] =	wrdreg s23  }
0xd2: {  	[dreg:$0xa] =	wrdreg s24  }
0xd3: {  	[dreg:$0xb] =	wrdreg s25  }
0xd4: {  	[dreg:$0xc] =	wrdreg s26  }
0xd5: {  	[dreg:$0xd] =	wrdreg s28  }
0xd6: {  	[dreg:$0xe] =	wrdreg s29  }
0xd7: {  	[dreg:$0xf] =	wrdreg s0  }
0xd8: {  	_ =	task [dreg:s16], $0x10FFFF  }
0xd9: {  	[dreg:$0x1] =	wrdreg $0xFFFFFFFF  }
0xda: {  	[dreg:$0x0] =	wrdreg $0x30  }
0xdb: {  	[dreg:$0x2] =	wrdreg $0xD  }
0xdc: {  	[dreg:$0x3] =	wrdreg $0x9  }
0xdd: {  	_ =	task [dreg:s16], $0x4FFFF  }
0xde: {  	s25 =	sld [smem:$0x3FC9]  }
0xdf: {  	[dreg:$0x1] =	wrdreg $0xFFFFFFFF  }
0xe0: {  	s26 =	sld [smem:$0x3FC7]  }
0xe1: {  	[dreg:$0x0] =	wrdreg $0x60  }
0xe2: {  	[dreg:$0x2] =	wrdreg s25  }
0xe3: {  	[dreg:$0x3] =	wrdreg s3  }
0xe4: {  	[dreg:$0x4] =	wrdreg s26  }
0xe5: {  	[dreg:$0x5] =	wrdreg s5  }
0xe6: {  	[dreg:$0x6] =	wrdreg s6  }
0xe7: {  	[dreg:$0x7] =	wrdreg s7  }
0xe8: {  	[dreg:$0x8] =	wrdreg s8  }
0xe9: {  	[dreg:$0x9] =	wrdreg s9  }
0xea: {  	[dreg:$0xa] =	wrdreg s10  }
0xeb: {  	[dreg:$0xb] =	wrdreg s11  }
0xec: {  	[dreg:$0xc] =	wrdreg s12  }
0xed: {  	[dreg:$0xd] =	wrdreg s13  }
0xee: {  	[dreg:$0xe] =	wrdreg s14  }
0xef: {  	[dreg:$0xf] =	wrdreg s15  }
0xf0: {  	_ =	task.clear_ibuf [dreg:s16], $0x10FFFF;
	_ =	strace $0x90000046  }
0xf1: {  	s28 =	simm.s32 $0x9;
	_ =	strace $0x80000048  }
0xf2: {  	_ =	swait.ge [sflag:s28], $0x1  }
0xf3: {  	[sflag:s28] =	ssyncadd.s32 $0xFFFFFFFF  }
0xf4: {  	_ =	strace $0x90000048  }
0xf5: {  	_ =	sfence  }
0xf6: {  	s29 =	sld [smem:$0x0];
	_ =	sdelay $0x2  }
0xf7: {  	s30 =	sshll.u32 s4, $0xD;
	s31 =	sshrl.u32 s4, $0x2  }
0xf8: {  	s2 =	sand.u32 $0x4000, s30;
	s0 =	sadd.s32 s31, s29  }
0xf9: {  	s1 =	sor.u32 s2, s1;
	s0 =	sshll.u32 s0, $0x11  }
0xfa: {  	s0 =	sor.u32 s0, s1  }
0xfb: {  	s0 =	sadd.s32 $0x8F2B, s0  }
0xfc: {  	[sflag:s0] =	ssyncadd.remote.s32 $0x1  }
0xfd: {  	_ =	sfence.sel $0xFFFF  }
0xfe: {  	[dreg:$0x0] =	wrdreg $0xFFFFFFFF;
	(pc) =	sbr.abs _section_cstart, $3  }
0xff: {  	[dreg:$0x1] =	wrdreg $0xFFFFFFFF  }
0x100: {  	_ =	task.clear_ibuf [dreg:s16], $0x2FFFF;
	_ =	strace $0x9FFFFFFF  }
0x101: {  	(tm) =	ssettm $0x7FFFFFFF  }
tec
_tile_task_arg_handler_lowered:
.L_overlay_start_1:
0x0: {  	(tag) =	ssettag $0x1  }
0x1: {  	s0 =	rddreg [dreg:$0x0]  }
0x2: {  	s1 =	rddreg [dreg:$0x1]  }
0x3: {  	s2 =	rddreg [dreg:$0x2]  }
0x4: {  	s3 =	rddreg [dreg:$0x3]  }
0x5: {  	s4 =	rddreg [dreg:$0x4]  }
0x6: {  	s5 =	rddreg [dreg:$0x5]  }
0x7: {  	s6 =	rddreg [dreg:$0x6]  }
0x8: {  	s7 =	rddreg [dreg:$0x7]  }
0x9: {  	s8 =	rddreg [dreg:$0x8]  }
0xa: {  	s9 =	rddreg [dreg:$0x9]  }
0xb: {  	s10 =	rddreg [dreg:$0xa]  }
0xc: {  	s11 =	rddreg [dreg:$0xb]  }
0xd: {  	s12 =	rddreg [dreg:$0xc]  }
0xe: {  	s13 =	rddreg [dreg:$0xd]  }
0xf: {  	[smem:s0] =	sst s1  }
0x10: {  	[smem:s0+$0x1] =	sst s2  }
0x11: {  	[smem:s0+$0x2] =	sst s3  }
0x12: {  	[smem:s0+$0x3] =	sst s4  }
0x13: {  	[smem:s0+$0x4] =	sst s5  }
0x14: {  	[smem:s0+$0x5] =	sst s6  }
0x15: {  	[smem:s0+$0x6] =	sst s7  }
0x16: {  	[smem:s0+$0x7] =	sst s8  }
0x17: {  	[smem:s0+$0x8] =	sst s9  }
0x18: {  	[smem:s0+$0x9] =	sst s10  }
0x19: {  	[smem:s0+$0xA] =	sst s11  }
0x1a: {  	[smem:s0+$0xB] =	sst s12  }
0x1b: {  	[smem:s0+$0xC] =	sst s13;
	_ =	shalt  }
.Lfunc_end2:
execute0_lowered:
.L_overlay_start_2:
0x1c: {  	(tag) =	ssettag $0x2  }
0x1d: {  	s1 =	rddreg [dreg:$0x0]  }
0x1e: {  	s2 =	rddreg [dreg:$0x1]  }
0x1f: {  	s25 =	rddreg [dreg:$0x2]  }
0x20: {  	s4 =	rddreg [dreg:$0x3]  }
0x21: {  	s5 =	rddreg [dreg:$0x4]  }
0x22: {  	s9 =	rddreg [dreg:$0x7]  }
0x23: {  	s11 =	rddreg [dreg:$0x9]  }
0x24: {  	s12 =	rddreg [dreg:$0xa]  }
0x25: {  	s13 =	rddreg [dreg:$0xb]  }
0x26: {  	s14 =	rddreg [dreg:$0xc]  }
0x27: {  	s15 =	rddreg [dreg:$0xd];
	s0 =	simm.s32 $0x0  }
0x28: {  	[smem:$0x7FF] =	sst s0  }
0x29: {  	s16 =	sld [smem:$0x0]  }
0x2a: {  	s17 =	sld [smem:$0x1]  }
0x2b: {  	s18 =	sld [smem:$0x2]  }
0x2c: {  	s19 =	sld [smem:$0x3]  }
0x2d: {  	s20 =	sld [smem:$0x4]  }
0x2e: {  	s21 =	sld [smem:$0x5]  }
0x2f: {  	s22 =	sld [smem:$0x6]  }
0x30: {  	s23 =	sld [smem:$0x7]  }
0x31: {  	s24 =	sld [smem:$0x8]  }
0x32: {  	s28 =	sld [smem:$0x9]  }
0x33: {  	s8 =	sld [smem:$0xC]  }
0x34: {  	s3 =	sld [smem:$0xD]  }
0x35: {  	s31 =	sld [smem:$0xA]  }
0x36: {  	s7 =	sld [smem:$0xB]  }
0x37: {  	[dreg:$0x16] =	wrdreg s3;
	s26 =	sadd.s32 $0x45C200, s8  }
0x38: {  	s6 =	sadd.s32 $0x4ABC00, s8;
	_ =	strace $0x80000047;
	[dreg:$0xe] =	wrdreg s26  }
0x39: {  	s10 =	sadd.s32 $0x1600, s8;
	[dreg:$0xf] =	wrdreg s6  }
0x3a: {  	s3 =	sadd.s32 $0x51000, s8;
	s29 =	sadd.s32 $0x13FE00, s8;
	[dreg:$0x10] =	wrdreg s10  }
0x3b: {  	[dreg:$0x11] =	wrdreg s3;
	s6 =	sadd.s32 $0xA0A00, s8;
	s3 =	srdreg.scid  }
0x3c: {  	s10 =	sadd.s32 $0xF0400, s8;
	[dreg:$0x12] =	wrdreg s6;
	s6 =	stileid.u32  }
0x3d: {  	[dreg:$0x14] =	wrdreg s29;
	s26 =	sand.u32 $0x1, s3;
	s30 =	sshll.u32 s6, $0x1  }
0x3e: {  	[dreg:$0x13] =	wrdreg s10;
	s6 =	sor.u32 s26, s30  }
0x3f: {  	s10 =	sadd.s32 $0x18F800, s8;
	s29 =	ssub.s32 $0x2, s26;
	s3 =	sshll.u32 s6, $0x6  }
0x40: {  	[dreg:$0x15] =	wrdreg s10;
	s1 =	sadd.s32 s1, s3;
	s26 =	sadd.s32 s2, s3  }
0x41: {  	s2 =	sadd.s32 s25, s3;
	s25 =	sadd.s32 s5, s3;
	s5 =	rddreg [dreg:$0x8]  }
0x42: {  	[dreg:$0x17] =	wrdreg s1  }
0x43: {  	[dreg:$0x18] =	wrdreg s26  }
0x44: {  	s4 =	sadd.s32 s4, s3;
	[dreg:$0x19] =	wrdreg s2  }
0x45: {  	[dreg:$0x1a] =	wrdreg s4  }
0x46: {  	[dreg:$0x1b] =	wrdreg s25  }
0x47: {  	s26 =	rddreg [dreg:$0x5]  }
0x48: {  	s2 =	rddreg [dreg:$0x6];
	s4 =	sadd.s32 s9, s3  }
0x49: {  	s9 =	sadd.s32 s11, s3;
	[dreg:$0x1e] =	wrdreg s4  }
0x4a: {  	s11 =	sadd.s32 s12, s3;
	[smem:$0x7EC] =	sst s9  }
0x4b: {  	s12 =	sadd.s32 s13, s3;
	[smem:$0x7ED] =	sst s11  }
0x4c: {  	s13 =	sadd.s32 s14, s3;
	[smem:$0x7EE] =	sst s12  }
0x4d: {  	s14 =	sadd.s32 s15, s3;
	[smem:$0x7EF] =	sst s13  }
0x4e: {  	s15 =	sadd.s32 s16, s3;
	[smem:$0x7F0] =	sst s14  }
0x4f: {  	s16 =	sadd.s32 s17, s3;
	[smem:$0x7F1] =	sst s15  }
0x50: {  	s17 =	sadd.s32 s18, s3;
	[smem:$0x7F2] =	sst s16  }
0x51: {  	s18 =	sadd.s32 s19, s3;
	[smem:$0x7F3] =	sst s17  }
0x52: {  	s19 =	sadd.s32 s20, s3;
	[smem:$0x7F4] =	sst s18  }
0x53: {  	s30 =	sshrl.u32 s29, $0x1;
	s20 =	sadd.s32 s21, s3;
	[smem:$0x7F5] =	sst s19  }
0x54: {  	s10 =	ssub.s32 s29, s30;
	s21 =	sadd.s32 s22, s3;
	[smem:$0x7F6] =	sst s20  }
0x55: {  	s29 =	sadd.s32 $0x27E600, s8;
	s22 =	sadd.s32 s23, s3;
	[smem:$0x7F7] =	sst s21  }
0x56: {  	s30 =	sadd.s32 $0x2CE000, s8;
	s23 =	sadd.s32 s24, s3;
	[smem:$0x7F8] =	sst s22  }
0x57: {  	s25 =	sadd.s32 $0x1DF200, s8;
	s24 =	sadd.s32 s28, s3;
	[smem:$0x7F9] =	sst s23  }
0x58: {  	s28 =	sadd.s32 s31, s3;
	s31 =	smax.u32 s10, $0x1;
	[smem:$0x7FA] =	sst s24  }
0x59: {  	s1 =	sadd.s32 s26, s3;
	s26 =	sadd.s32 $0x22EC00, s8;
	[smem:$0x7FB] =	sst s28  }
0x5a: {  	s4 =	sadd.s32 $0x3BCE00, s8;
	s9 =	sshll.u32 s6, $0x2;
	[smem:$0x7FD] =	sst s31  }
0x5b: {  	s11 =	simm.s32 $0x1;
	s12 =	simm.s32 $0x80;
	s13 =	simm.s32 $0x2  }
0x5c: {  	s14 =	simm.s32 $0x4E00;
	[dreg:$0x1c] =	wrdreg s1;
	s1 =	sadd.s32 s2, s3  }
0x5d: {  	s15 =	simm.s32 $0x3;
	s2 =	sadd.s32 $0x31DA00, s8;
	[dreg:$0x1d] =	wrdreg s1  }
0x5e: {  	s1 =	sadd.s32 s5, s3;
	s5 =	sadd.s32 $0x40C800, s8;
	s3 =	sadd.s32 s7, s3  }
0x5f: {  	s7 =	sadd.s32 $0x4FB600, s8;
	[dreg:$0x1f] =	wrdreg s1;
	s1 =	sadd.s32 $0x36D400, s8  }
0x60: {  	s16 =	simm.s32 $0x0;
	[smem:$0x7FC] =	sst s3;
	s8 =	sadd.s32 $0x54AC00, s8  }
.LBB3_1:
0x61: {  	s3 =	rddreg [dreg:$0x17]  }
0x62: {  	s31 =	rddreg [dreg:$0x18]  }
0x63: {  	[tilespmem:s0], [sflag:$0x1] =	stream.linear.gather [hbm4b:s3+s0], $0x200, $0x38;
	[tilespmem:$0x12F00] =	vst v63  }
0x64: {  	s6 =	simm.s32 $0x200;
	s17 =	rddreg [dreg:$0x1a]  }
0x65: {  	[tilespmem:s6], [sflag:$0x1] =	stream.linear.gather [hbm4b:s31+s0], $0x200, $0x38;
	[tilespmem:$0x12F00] =	vst v63  }
0x66: {  	s10 =	simm.s32 $0x400;
	s6 =	rddreg [dreg:$0x19]  }
0x67: {  	[tilespmem:s10], [sflag:$0x1] =	stream.linear.gather [hbm4b:s6+s0], $0x200, $0x38;
	[tilespmem:$0x12F00] =	vst v63  }
0x68: {  	s18 =	simm.s32 $0x600;
	s19 =	rddreg [dreg:$0x1b]  }
0x69: {  	[tilespmem:s18], [sflag:$0x1] =	stream.linear.gather [hbm4b:s17+s0], $0x200, $0x38;
	[tilespmem:$0x12F00] =	vst v63  }
0x6a: {  	s20 =	simm.s32 $0x800;
	s21 =	rddreg [dreg:$0x1c]  }
0x6b: {  	[tilespmem:s20], [sflag:$0x1] =	stream.linear.gather [hbm4b:s19+s0], $0x200, $0x38;
	[tilespmem:$0x12F00] =	vst v63  }
0x6c: {  	s22 =	simm.s32 $0xA00;
	s23 =	rddreg [dreg:$0x1d]  }
0x6d: {  	[tilespmem:s22], [sflag:$0x1] =	stream.linear.gather [hbm4b:s21+s0], $0x200, $0x38;
	[tilespmem:$0x12F00] =	vst v63  }
0x6e: {  	s24 =	simm.s32 $0xC00;
	s28 =	rddreg [dreg:$0x1e]  }
0x6f: {  	[tilespmem:s24], [sflag:$0x1] =	stream.linear.gather [hbm4b:s23+s0], $0x200, $0x38;
	[tilespmem:$0x12F00] =	vst v63  }
0x70: {  	s31 =	simm.s32 $0xE00;
	s6 =	rddreg [dreg:$0x1f]  }
0x71: {  	[tilespmem:s31], [sflag:$0x1] =	stream.linear.gather [hbm4b:s28+s0], $0x200, $0x38;
	[tilespmem:$0x12F00] =	vst v63  }
0x72: {  	s10 =	simm.s32 $0x1000;
	s17 =	sld [smem:$0x7EC]  }
0x73: {  	[tilespmem:s10], [sflag:$0x1] =	stream.linear.gather [hbm4b:s6+s0], $0x200, $0x38;
	[tilespmem:$0x12F00] =	vst v63  }
0x74: {  	s18 =	simm.s32 $0x1200;
	s19 =	sld [smem:$0x7ED]  }
0x75: {  	[tilespmem:s18], [sflag:$0x1] =	stream.linear.gather [hbm4b:s17+s0], $0x200, $0x38;
	[tilespmem:$0x12F00] =	vst v63  }
0x76: {  	s20 =	simm.s32 $0x1400;
	s21 =	sld [smem:$0x7EE]  }
0x77: {  	[tilespmem:s20], [sflag:$0x1] =	stream.linear.gather [hbm4b:s19+s0], $0x200, $0x38;
	[tilespmem:$0x12F00] =	vst v63  }
0x78: {  	s22 =	simm.s32 $0x1600;
	s23 =	sld [smem:$0x7EF]  }
0x79: {  	[tilespmem:s22], [sflag:$0x1] =	stream.linear.gather [hbm4b:s21+s0], $0x200, $0x38;
	[tilespmem:$0x12F00] =	vst v63  }
0x7a: {  	s24 =	simm.s32 $0x1800;
	s28 =	sld [smem:$0x7F0]  }
0x7b: {  	[tilespmem:s24], [sflag:$0x1] =	stream.linear.gather [hbm4b:s23+s0], $0x200, $0x38;
	[tilespmem:$0x12F00] =	vst v63  }
0x7c: {  	s31 =	simm.s32 $0x1A00;
	s6 =	sld [smem:$0x7F1]  }
0x7d: {  	[tilespmem:s31], [sflag:$0x1] =	stream.linear.gather [hbm4b:s28+s0], $0x200, $0x38;
	[tilespmem:$0x12F00] =	vst v63  }
0x7e: {  	s10 =	simm.s32 $0x1C00;
	s17 =	sld [smem:$0x7F2]  }
0x7f: {  	[tilespmem:s10], [sflag:$0x1] =	stream.linear.gather [hbm4b:s6+s0], $0x200, $0x38;
	[tilespmem:$0x12F00] =	vst v63  }
0x80: {  	s18 =	simm.s32 $0x1E00;
	s19 =	sld [smem:$0x7F3]  }
0x81: {  	[tilespmem:s18], [sflag:$0x1] =	stream.linear.gather [hbm4b:s17+s0], $0x200, $0x38;
	[tilespmem:$0x12F00] =	vst v63  }
0x82: {  	s20 =	simm.s32 $0x2000;
	s21 =	sld [smem:$0x7F4]  }
0x83: {  	[tilespmem:s20], [sflag:$0x1] =	stream.linear.gather [hbm4b:s19+s0], $0x200, $0x38;
	[tilespmem:$0x12F00] =	vst v63  }
0x84: {  	s22 =	simm.s32 $0x2200;
	s23 =	sld [smem:$0x7F5]  }
0x85: {  	[tilespmem:s22], [sflag:$0x1] =	stream.linear.gather [hbm4b:s21+s0], $0x200, $0x38;
	[tilespmem:$0x12F00] =	vst v63  }
0x86: {  	s24 =	simm.s32 $0x2400;
	s28 =	sld [smem:$0x7F6]  }
0x87: {  	[tilespmem:s24], [sflag:$0x1] =	stream.linear.gather [hbm4b:s23+s0], $0x200, $0x38;
	[tilespmem:$0x12F00] =	vst v63  }
0x88: {  	s31 =	simm.s32 $0x2600;
	s6 =	sld [smem:$0x7F7]  }
0x89: {  	[tilespmem:s31], [sflag:$0x1] =	stream.linear.gather [hbm4b:s28+s0], $0x200, $0x38;
	[tilespmem:$0x12F00] =	vst v63  }
0x8a: {  	s10 =	simm.s32 $0x2800;
	s17 =	sld [smem:$0x7F8]  }
0x8b: {  	[tilespmem:s10], [sflag:$0x1] =	stream.linear.gather [hbm4b:s6+s0], $0x200, $0x38;
	[tilespmem:$0x12F00] =	vst v63  }
0x8c: {  	s18 =	simm.s32 $0x2A00;
	s19 =	sld [smem:$0x7F9]  }
0x8d: {  	[tilespmem:s18], [sflag:$0x1] =	stream.linear.gather [hbm4b:s17+s0], $0x200, $0x38;
	[tilespmem:$0x12F00] =	vst v63  }
0x8e: {  	s20 =	simm.s32 $0x2C00;
	s21 =	sld [smem:$0x7FA]  }
0x8f: {  	[tilespmem:s20], [sflag:$0x1] =	stream.linear.gather [hbm4b:s19+s0], $0x200, $0x38;
	[tilespmem:$0x12F00] =	vst v63  }
0x90: {  	s22 =	simm.s32 $0x2E00;
	s23 =	sld [smem:$0x7FB]  }
0x91: {  	[tilespmem:s22], [sflag:$0x1] =	stream.linear.gather [hbm4b:s21+s0], $0x200, $0x38;
	[tilespmem:$0x12F00] =	vst v63  }
0x92: {  	s24 =	simm.s32 $0x3000;
	s28 =	sld [smem:$0x7FC]  }
0x93: {  	[tilespmem:s24], [sflag:$0x1] =	stream.linear.gather [hbm4b:s23+s0], $0x200, $0x38;
	[tilespmem:$0x12F00] =	vst v63  }
0x94: {  	s31 =	simm.s32 $0x3200  }
0x95: {  	[tilespmem:s31], [sflag:$0x1] =	stream.linear.gather [hbm4b:s28+s0], $0x200, $0x38;
	[tilespmem:$0x12F00] =	vst v63  }
0x96: {  	_ =	swait.ge [sflag:s11], $0x200  }
0x97: {  	[sflag:s11] =	ssyncset.done $0x0  }
0x98: {  	[sflag:s11] =	ssyncadd.s32 $0xFFFFFE00  }
0x99: {  	_ =	swait.ge [sflag:s11], $0x200  }
0x9a: {  	[sflag:s11] =	ssyncset.done $0x0  }
0x9b: {  	[sflag:s11] =	ssyncadd.s32 $0xFFFFFE00  }
0x9c: {  	_ =	swait.ge [sflag:s11], $0x200  }
0x9d: {  	[sflag:s11] =	ssyncset.done $0x0  }
0x9e: {  	[sflag:s11] =	ssyncadd.s32 $0xFFFFFE00  }
0x9f: {  	_ =	swait.ge [sflag:s11], $0x200  }
0xa0: {  	[sflag:s11] =	ssyncset.done $0x0  }
0xa1: {  	[sflag:s11] =	ssyncadd.s32 $0xFFFFFE00  }
0xa2: {  	_ =	swait.ge [sflag:s11], $0x200  }
0xa3: {  	[sflag:s11] =	ssyncset.done $0x0  }
0xa4: {  	[sflag:s11] =	ssyncadd.s32 $0xFFFFFE00  }
0xa5: {  	_ =	swait.ge [sflag:s11], $0x200  }
0xa6: {  	[sflag:s11] =	ssyncset.done $0x0  }
0xa7: {  	[sflag:s11] =	ssyncadd.s32 $0xFFFFFE00  }
0xa8: {  	_ =	swait.ge [sflag:s11], $0x200  }
0xa9: {  	[sflag:s11] =	ssyncset.done $0x0  }
0xaa: {  	[sflag:s11] =	ssyncadd.s32 $0xFFFFFE00  }
0xab: {  	_ =	swait.ge [sflag:s11], $0x200  }
0xac: {  	[sflag:s11] =	ssyncset.done $0x0  }
0xad: {  	[sflag:s11] =	ssyncadd.s32 $0xFFFFFE00  }
0xae: {  	_ =	swait.ge [sflag:s11], $0x200  }
0xaf: {  	[sflag:s11] =	ssyncset.done $0x0  }
0xb0: {  	[sflag:s11] =	ssyncadd.s32 $0xFFFFFE00  }
0xb1: {  	_ =	swait.ge [sflag:s11], $0x200  }
0xb2: {  	[sflag:s11] =	ssyncset.done $0x0  }
0xb3: {  	[sflag:s11] =	ssyncadd.s32 $0xFFFFFE00  }
0xb4: {  	_ =	swait.ge [sflag:s11], $0x200  }
0xb5: {  	[sflag:s11] =	ssyncset.done $0x0  }
0xb6: {  	[sflag:s11] =	ssyncadd.s32 $0xFFFFFE00  }
0xb7: {  	_ =	swait.ge [sflag:s11], $0x200  }
0xb8: {  	[sflag:s11] =	ssyncset.done $0x0  }
0xb9: {  	[sflag:s11] =	ssyncadd.s32 $0xFFFFFE00  }
0xba: {  	_ =	swait.ge [sflag:s11], $0x200  }
0xbb: {  	[sflag:s11] =	ssyncset.done $0x0  }
0xbc: {  	[sflag:s11] =	ssyncadd.s32 $0xFFFFFE00  }
0xbd: {  	_ =	swait.ge [sflag:s11], $0x200  }
0xbe: {  	[sflag:s11] =	ssyncset.done $0x0  }
0xbf: {  	[sflag:s11] =	ssyncadd.s32 $0xFFFFFE00  }
0xc0: {  	_ =	swait.ge [sflag:s11], $0x200  }
0xc1: {  	[sflag:s11] =	ssyncset.done $0x0  }
0xc2: {  	[sflag:s11] =	ssyncadd.s32 $0xFFFFFE00  }
0xc3: {  	_ =	swait.ge [sflag:s11], $0x200  }
0xc4: {  	[sflag:s11] =	ssyncset.done $0x0  }
0xc5: {  	[sflag:s11] =	ssyncadd.s32 $0xFFFFFE00  }
0xc6: {  	_ =	swait.ge [sflag:s11], $0x200  }
0xc7: {  	[sflag:s11] =	ssyncset.done $0x0  }
0xc8: {  	[sflag:s11] =	ssyncadd.s32 $0xFFFFFE00  }
0xc9: {  	_ =	swait.ge [sflag:s11], $0x200  }
0xca: {  	[sflag:s11] =	ssyncset.done $0x0  }
0xcb: {  	[sflag:s11] =	ssyncadd.s32 $0xFFFFFE00  }
0xcc: {  	_ =	swait.ge [sflag:s11], $0x200  }
0xcd: {  	[sflag:s11] =	ssyncset.done $0x0  }
0xce: {  	[sflag:s11] =	ssyncadd.s32 $0xFFFFFE00  }
0xcf: {  	_ =	swait.ge [sflag:s11], $0x200  }
0xd0: {  	[sflag:s11] =	ssyncset.done $0x0  }
0xd1: {  	[sflag:s11] =	ssyncadd.s32 $0xFFFFFE00  }
0xd2: {  	_ =	swait.ge [sflag:s11], $0x200  }
0xd3: {  	[sflag:s11] =	ssyncset.done $0x0  }
0xd4: {  	[sflag:s11] =	ssyncadd.s32 $0xFFFFFE00  }
0xd5: {  	_ =	swait.ge [sflag:s11], $0x200  }
0xd6: {  	[sflag:s11] =	ssyncset.done $0x0  }
0xd7: {  	[sflag:s11] =	ssyncadd.s32 $0xFFFFFE00  }
0xd8: {  	_ =	swait.ge [sflag:s11], $0x200  }
0xd9: {  	[sflag:s11] =	ssyncset.done $0x0  }
0xda: {  	[sflag:s11] =	ssyncadd.s32 $0xFFFFFE00  }
0xdb: {  	_ =	swait.ge [sflag:s11], $0x200  }
0xdc: {  	[sflag:s11] =	ssyncset.done $0x0  }
0xdd: {  	[sflag:s11] =	ssyncadd.s32 $0xFFFFFE00  }
0xde: {  	_ =	swait.ge [sflag:s11], $0x200  }
0xdf: {  	[sflag:s11] =	ssyncset.done $0x0  }
0xe0: {  	[sflag:s11] =	ssyncadd.s32 $0xFFFFFE00  }
0xe1: {  	_ =	swait.ge [sflag:s11], $0x200  }
0xe2: {  	[sflag:s11] =	ssyncset.done $0x0  }
0xe3: {  	s17 =	simm.s32 $0x0;
	[sflag:s11] =	ssyncadd.s32 $0xFFFFFE00  }
.LBB3_2:
0xe4: {  	s3 =	sshll.u32 s17, $0x7;
	s6 =	simm.s32 $0x0  }
0xe5: {  	s19 =	simm.s32 $0x0;
	s18 =	sand.u32 $0x3FFFFF80, s3;
	s24 =	sand.u32 $0x3FFFFE00, s6  }
0xe6: {  	s28 =	sand.u32 $0x70, s19;
	s3 =	sadd.s32 s24, s18  }
0xe7: {  	s3 =	sadd.s32 s28, s3  }
0xe8: {  	v0 =	vld [tilespmem:s3+$0x0];
	_ =	sdelay $0x4  }
0xe9: {  	v1 =	vshrl.u32 v0, $0xB  }
0xea: {  	s31 =	simm.s32 $0x0;
	v1 =	vmul.u32 $0x1A, v1  }
0xeb: {  	s23 =	simm.s32 $0x0;
	s21 =	sor.u32 s28, s31;
	v2 =	vadd.s32 $0x186A0, v0  }
0xec: {  	s20 =	simm.s32 $0x1;
	s22 =	simm.s32 $0x2;
	s3 =	simm.s32 $0x40;
	[tilespmem:s21+$0x4100] =	vst v2;
	v1 =	vadd.s32 s23, v1  }
.LBB3_3:
0xed: {  	p0 =	sne.s32 s22, $0xCF;
	s3 =	sand.u32 $0x3FFFFE00, s3;
	v1 =	vshll.u32 v1, $0xB;
	v0 =	vand.u32 $0x7FF, v0;
	s19 =	sadd.s32 $0x10, s19  }
0xee: {  	s6 =	sand.u32 $0x70, s19;
	s3 =	sadd.s32 s3, s18;
	v0 =	vor.u32 v0, v1  }
0xef: {  	s3 =	sadd.s32 s6, s3;
	[tilespmem:s21+$0x3400] =	vst v0  }
0xf0: {  	v0 =	vld [tilespmem:s3+$0x0];
	_ =	sdelay $0x2  }
0xf1: {  	s23 =	sshrl.u32 s20, $0x3;
	s20 =	smov.u32 s22  }
.Ltmp0:
0xf2: {  	s3 =	sshll.u32 s23, $0x7;
	(pc) =	sbr.rel @p0 .LBB3_3-.Ltmp0, $3  }
0xf3: {  	s21 =	sor.u32 s6, s3;
	v1 =	vshrl.u32 v0, $0xB;
	v2 =	vadd.s32 $0x186A0, v0  }
0xf4: {  	v1 =	vmul.u32 $0x1A, v1;
	[tilespmem:s21+$0x4100] =	vst v2;
	_ =	sdelay $0x1  }
0xf5: {  	s22 =	sadd.s32 $0x1, s22;
	s3 =	sshll.u32 s20, $0x6;
	v1 =	vadd.s32 s23, v1  }
0xf6: {  	s3 =	sand.u32 $0x3FFFFE00, s3;
	v1 =	vshll.u32 v1, $0xB;
	v0 =	vand.u32 $0x7FF, v0;
	s6 =	sadd.s32 $0x10, s19  }
0xf7: {  	s6 =	sand.u32 $0x70, s6;
	s3 =	sadd.s32 s3, s18;
	v0 =	vor.u32 v0, v1  }
0xf8: {  	s3 =	sadd.s32 s6, s3;
	[tilespmem:s21+$0x3400] =	vst v0  }
0xf9: {  	v0 =	vld [tilespmem:s3+$0x0];
	_ =	sdelay $0x4  }
0xfa: {  	v63 =	vshrl.u32 v0, $0xB  }
0xfb: {  	v1 =	vmul.u32 $0x1A, v63  }
0xfc: {  	s18 =	sshrl.u32 s20, $0x3  }
0xfd: {  	s19 =	sshll.u32 s18, $0x7;
	v1 =	vadd.s32 s18, v1  }
0xfe: {  	s20 =	sor.u32 s6, s19;
	v2 =	vadd.s32 $0x186A0, v0;
	v0 =	vand.u32 $0x7FF, v0;
	v1 =	vshll.u32 v1, $0xB  }
0xff: {  	[tilespmem:s20+$0x4100] =	vst v2;
	v0 =	vor.u32 v0, v1  }
0x100: {  	s22 =	simm.s32 $0x4E00;
	s21 =	rddreg [dreg:$0xe];
	s3 =	simm.s32 $0x3400;
	[tilespmem:s20+$0x3400] =	vst v0  }
0x101: {  	[tilespmem:s22], [sflag:$0x1] =	stream.indirect.gather [hbm4b:s21+s12], $0x1, s3, s12, $0xb8;
	[tilespmem:$0x12F00] =	vst v63  }
0x102: {  	s23 =	rddreg [dreg:$0xf];
	s24 =	simm.s32 $0x4E80  }
0x103: {  	[tilespmem:s24], [sflag:$0x1] =	stream.indirect.gather [hbm4b:s23+s12], $0x1, s3, s12, $0xb8;
	[tilespmem:$0x12F00] =	vst v63  }
0x104: {  	s10 =	rddreg [dreg:$0x10];
	s20 =	simm.s32 $0x4F00  }
0x105: {  	[tilespmem:s20], [sflag:$0x1] =	stream.indirect.gather [hbm4b:s10+s12], $0x1, s3, s12, $0xb8;
	[tilespmem:$0x12F00] =	vst v63  }
0x106: {  	s21 =	rddreg [dreg:$0x11];
	s22 =	simm.s32 $0x4F80  }
0x107: {  	[tilespmem:s22], [sflag:$0x1] =	stream.indirect.gather [hbm4b:s21+s12], $0x1, s3, s12, $0xb8;
	[tilespmem:$0x12F00] =	vst v63  }
0x108: {  	s23 =	rddreg [dreg:$0x12];
	s24 =	simm.s32 $0x5000  }
0x109: {  	[tilespmem:s24], [sflag:$0x1] =	stream.indirect.gather [hbm4b:s23+s12], $0x1, s3, s12, $0xb8;
	[tilespmem:$0x12F00] =	vst v63  }
0x10a: {  	s10 =	rddreg [dreg:$0x13];
	s20 =	simm.s32 $0x5080  }
0x10b: {  	[tilespmem:s20], [sflag:$0x1] =	stream.indirect.gather [hbm4b:s10+s12], $0x1, s3, s12, $0xb8;
	[tilespmem:$0x12F00] =	vst v63  }
0x10c: {  	s21 =	rddreg [dreg:$0x14];
	s22 =	simm.s32 $0x5100  }
0x10d: {  	[tilespmem:s22], [sflag:$0x1] =	stream.indirect.gather [hbm4b:s21+s12], $0x1, s3, s12, $0xb8;
	[tilespmem:$0x12F00] =	vst v63  }
0x10e: {  	s23 =	rddreg [dreg:$0x15];
	s24 =	simm.s32 $0x5180  }
0x10f: {  	[tilespmem:s24], [sflag:$0x1] =	stream.indirect.gather [hbm4b:s23+s12], $0x1, s3, s12, $0xb8;
	[tilespmem:$0x12F00] =	vst v63  }
0x110: {  	s10 =	simm.s32 $0x5200  }
0x111: {  	[tilespmem:s10], [sflag:$0x1] =	stream.indirect.gather [hbm4b:s25+s12], $0x1, s3, s12, $0xb8;
	[tilespmem:$0x12F00] =	vst v63  }
0x112: {  	s18 =	simm.s32 $0x5280  }
0x113: {  	[tilespmem:s18], [sflag:$0x1] =	stream.indirect.gather [hbm4b:s26+s12], $0x1, s3, s12, $0xb8;
	[tilespmem:$0x12F00] =	vst v63  }
0x114: {  	s19 =	simm.s32 $0x5300  }
0x115: {  	[tilespmem:s19], [sflag:$0x1] =	stream.indirect.gather [hbm4b:s29+s12], $0x1, s3, s12, $0xb8;
	[tilespmem:$0x12F00] =	vst v63  }
0x116: {  	s20 =	simm.s32 $0x5380  }
0x117: {  	[tilespmem:s20], [sflag:$0x1] =	stream.indirect.gather [hbm4b:s30+s12], $0x1, s3, s12, $0xb8;
	[tilespmem:$0x12F00] =	vst v63  }
0x118: {  	s28 =	simm.s32 $0x4000;
	s31 =	rddreg [dreg:$0xe];
	s21 =	simm.s32 $0x5400  }
0x119: {  	[tilespmem:s21], [sflag:$0x1] =	stream.indirect.gather [hbm4b:s2+s12], $0x1, s3, s12, $0xb8;
	[tilespmem:$0x12F00] =	vst v63  }
0x11a: {  	s22 =	simm.s32 $0x5480;
	s23 =	simm.s32 $0x5500;
	s24 =	simm.s32 $0x5580  }
0x11b: {  	[tilespmem:s22], [sflag:$0x1] =	stream.indirect.gather [hbm4b:s1+s12], $0x1, s3, s12, $0xb8;
	[tilespmem:$0x12F00] =	vst v63  }
0x11c: {  	s18 =	simm.s32 $0x12280;
	s19 =	simm.s32 $0x4180;
	s20 =	simm.s32 $0x3480  }
0x11d: {  	[tilespmem:s23], [sflag:$0x1] =	stream.indirect.gather [hbm4b:s4+s12], $0x1, s3, s12, $0xb8;
	[tilespmem:$0x12F00] =	vst v63  }
0x11e: {  	s21 =	simm.s32 $0x800;
	s22 =	simm.s32 $0x12200;
	s23 =	simm.s32 $0x4100  }
0x11f: {  	[tilespmem:s24], [sflag:$0x1] =	stream.indirect.gather [hbm4b:s5+s12], $0x1, s3, s12, $0xb8;
	[tilespmem:$0x12F00] =	vst v63  }
.LBB3_5:
0x120: {  	[tilespmem:s22], [sflag:$0x2] =	stream.indirect.gather [hbm4b:s7+s12], $0x1, s23, s12, $0xb8;
	[tilespmem:$0x12F00] =	vst v63  }
0x121: {  	s24 =	smov.u32 s28;
	s6 =	sadd.s32 $0x4E00, s21  }
0x122: {  	[tilespmem:s6], [sflag:$0x1] =	stream.indirect.gather [hbm4b:s31+s12], $0x1, s20, s12, $0xb8;
	[tilespmem:$0x12F00] =	vst v63  }
0x123: {  	s3 =	sadd.s32 $0x2000, s28;
	s10 =	rddreg [dreg:$0xf];
	s6 =	sadd.s32 $0x4E80, s21  }
0x124: {  	[tilespmem:s6], [sflag:$0x1] =	stream.indirect.gather [hbm4b:s10+s12], $0x1, s20, s12, $0xb8;
	[tilespmem:$0x12F00] =	vst v63  }
0x125: {  	p0 =	sne.s32 s28, $0x32000;
	s28 =	rddreg [dreg:$0x10];
	s6 =	sadd.s32 $0x4F00, s21  }
0x126: {  	[tilespmem:s6], [sflag:$0x1] =	stream.indirect.gather [hbm4b:s28+s12], $0x1, s20, s12, $0xb8;
	[tilespmem:$0x12F00] =	vst v63  }
0x127: {  	s10 =	rddreg [dreg:$0x11];
	s6 =	sadd.s32 $0x4F80, s21  }
0x128: {  	[tilespmem:s6], [sflag:$0x1] =	stream.indirect.gather [hbm4b:s10+s12], $0x1, s20, s12, $0xb8;
	[tilespmem:$0x12F00] =	vst v63  }
0x129: {  	s28 =	rddreg [dreg:$0x12];
	s6 =	sadd.s32 $0x5000, s21  }
0x12a: {  	[tilespmem:s6], [sflag:$0x1] =	stream.indirect.gather [hbm4b:s28+s12], $0x1, s20, s12, $0xb8;
	[tilespmem:$0x12F00] =	vst v63  }
0x12b: {  	s10 =	rddreg [dreg:$0x13];
	s6 =	sadd.s32 $0x5080, s21  }
0x12c: {  	[tilespmem:s6], [sflag:$0x1] =	stream.indirect.gather [hbm4b:s10+s12], $0x1, s20, s12, $0xb8;
	[tilespmem:$0x12F00] =	vst v63  }
0x12d: {  	s28 =	rddreg [dreg:$0x14];
	s6 =	sadd.s32 $0x5100, s21  }
0x12e: {  	[tilespmem:s6], [sflag:$0x1] =	stream.indirect.gather [hbm4b:s28+s12], $0x1, s20, s12, $0xb8;
	[tilespmem:$0x12F00] =	vst v63  }
0x12f: {  	s10 =	rddreg [dreg:$0x15];
	s6 =	sadd.s32 $0x5180, s21  }
0x130: {  	[tilespmem:s6], [sflag:$0x1] =	stream.indirect.gather [hbm4b:s10+s12], $0x1, s20, s12, $0xb8;
	[tilespmem:$0x12F00] =	vst v63  }
0x131: {  	s10 =	sadd.s32 $0x5200, s21  }
0x132: {  	[tilespmem:s10], [sflag:$0x1] =	stream.indirect.gather [hbm4b:s25+s12], $0x1, s20, s12, $0xb8;
	[tilespmem:$0x12F00] =	vst v63  }
0x133: {  	s10 =	sadd.s32 $0x5280, s21  }
0x134: {  	[tilespmem:s10], [sflag:$0x1] =	stream.indirect.gather [hbm4b:s26+s12], $0x1, s20, s12, $0xb8;
	[tilespmem:$0x12F00] =	vst v63  }
0x135: {  	s10 =	sadd.s32 $0x5300, s21  }
0x136: {  	[tilespmem:s10], [sflag:$0x1] =	stream.indirect.gather [hbm4b:s29+s12], $0x1, s20, s12, $0xb8;
	[tilespmem:$0x12F00] =	vst v63  }
0x137: {  	s10 =	sadd.s32 $0x5380, s21  }
0x138: {  	[tilespmem:s10], [sflag:$0x1] =	stream.indirect.gather [hbm4b:s30+s12], $0x1, s20, s12, $0xb8;
	[tilespmem:$0x12F00] =	vst v63  }
0x139: {  	s10 =	sadd.s32 $0x5400, s21  }
0x13a: {  	[tilespmem:s10], [sflag:$0x1] =	stream.indirect.gather [hbm4b:s2+s12], $0x1, s20, s12, $0xb8;
	[tilespmem:$0x12F00] =	vst v63  }
0x13b: {  	s22 =	smov.u32 s18;
	s23 =	smov.u32 s19;
	s10 =	sadd.s32 $0x5480, s21  }
0x13c: {  	[tilespmem:s10], [sflag:$0x1] =	stream.indirect.gather [hbm4b:s1+s12], $0x1, s20, s12, $0xb8;
	[tilespmem:$0x12F00] =	vst v63  }
.Ltmp1:
0x13d: {  	s18 =	sadd.s32 $0x80, s18;
	s10 =	sadd.s32 $0x5500, s21;
	(pc) =	sbr.rel @p0 .LBB3_5-.Ltmp1, $4  }
0x13e: {  	[tilespmem:s10], [sflag:$0x1] =	stream.indirect.gather [hbm4b:s4+s12], $0x1, s20, s12, $0xb8;
	[tilespmem:$0x12F00] =	vst v63  }
0x13f: {  	s19 =	sadd.s32 $0x80, s19;
	s31 =	rddreg [dreg:$0xe];
	s21 =	sadd.s32 $0x5580, s21  }
0x140: {  	[tilespmem:s21], [sflag:$0x1] =	stream.indirect.gather [hbm4b:s5+s12], $0x1, s20, s12, $0xb8;
	[tilespmem:$0x12F00] =	vst v63  }
0x141: {  	s28 =	smov.u32 s3;
	s21 =	sshra.s32 s24, $0x2;
	s20 =	sadd.s32 $0x80, s20  }
0x142: {  	[tilespmem:s22], [sflag:$0x2] =	stream.indirect.gather [hbm4b:s7+s12], $0x1, s23, s12, $0xb8;
	[tilespmem:$0x12F00] =	vst v63  }
0x143: {  	s3 =	sadd.s32 $0x4E00, s21  }
0x144: {  	[tilespmem:s3], [sflag:$0x1] =	stream.indirect.gather [hbm4b:s31+s12], $0x1, s20, s12, $0xb8;
	[tilespmem:$0x12F00] =	vst v63  }
0x145: {  	s6 =	rddreg [dreg:$0xf];
	s31 =	sadd.s32 $0x4E80, s21  }
0x146: {  	[tilespmem:s31], [sflag:$0x1] =	stream.indirect.gather [hbm4b:s6+s12], $0x1, s20, s12, $0xb8;
	[tilespmem:$0x12F00] =	vst v63  }
0x147: {  	s10 =	rddreg [dreg:$0x10];
	s6 =	sadd.s32 $0x4F00, s21  }
0x148: {  	[tilespmem:s6], [sflag:$0x1] =	stream.indirect.gather [hbm4b:s10+s12], $0x1, s20, s12, $0xb8;
	[tilespmem:$0x12F00] =	vst v63  }
0x149: {  	s22 =	rddreg [dreg:$0x11];
	s23 =	sadd.s32 $0x4F80, s21  }
0x14a: {  	[tilespmem:s23], [sflag:$0x1] =	stream.indirect.gather [hbm4b:s22+s12], $0x1, s20, s12, $0xb8;
	[tilespmem:$0x12F00] =	vst v63  }
0x14b: {  	s24 =	rddreg [dreg:$0x12];
	s28 =	sadd.s32 $0x5000, s21  }
0x14c: {  	[tilespmem:s28], [sflag:$0x1] =	stream.indirect.gather [hbm4b:s24+s12], $0x1, s20, s12, $0xb8;
	[tilespmem:$0x12F00] =	vst v63  }
0x14d: {  	s31 =	rddreg [dreg:$0x13];
	s10 =	sadd.s32 $0x5080, s21  }
0x14e: {  	[tilespmem:s10], [sflag:$0x1] =	stream.indirect.gather [hbm4b:s31+s12], $0x1, s20, s12, $0xb8;
	[tilespmem:$0x12F00] =	vst v63  }
0x14f: {  	s22 =	rddreg [dreg:$0x14];
	s23 =	sadd.s32 $0x5100, s21  }
0x150: {  	[tilespmem:s23], [sflag:$0x1] =	stream.indirect.gather [hbm4b:s22+s12], $0x1, s20, s12, $0xb8;
	[tilespmem:$0x12F00] =	vst v63  }
0x151: {  	s24 =	rddreg [dreg:$0x15];
	s28 =	sadd.s32 $0x5180, s21  }
0x152: {  	[tilespmem:s28], [sflag:$0x1] =	stream.indirect.gather [hbm4b:s24+s12], $0x1, s20, s12, $0xb8;
	[tilespmem:$0x12F00] =	vst v63  }
0x153: {  	s31 =	sadd.s32 $0x5200, s21  }
0x154: {  	[tilespmem:s31], [sflag:$0x1] =	stream.indirect.gather [hbm4b:s25+s12], $0x1, s20, s12, $0xb8;
	[tilespmem:$0x12F00] =	vst v63  }
0x155: {  	s6 =	sadd.s32 $0x5280, s21  }
0x156: {  	[tilespmem:s6], [sflag:$0x1] =	stream.indirect.gather [hbm4b:s26+s12], $0x1, s20, s12, $0xb8;
	[tilespmem:$0x12F00] =	vst v63  }
0x157: {  	s10 =	sadd.s32 $0x5300, s21  }
0x158: {  	[tilespmem:s10], [sflag:$0x1] =	stream.indirect.gather [hbm4b:s29+s12], $0x1, s20, s12, $0xb8;
	[tilespmem:$0x12F00] =	vst v63  }
0x159: {  	s22 =	sadd.s32 $0x5380, s21  }
0x15a: {  	[tilespmem:s22], [sflag:$0x1] =	stream.indirect.gather [hbm4b:s30+s12], $0x1, s20, s12, $0xb8;
	[tilespmem:$0x12F00] =	vst v63  }
0x15b: {  	s23 =	sadd.s32 $0x5400, s21  }
0x15c: {  	[tilespmem:s23], [sflag:$0x1] =	stream.indirect.gather [hbm4b:s2+s12], $0x1, s20, s12, $0xb8;
	[tilespmem:$0x12F00] =	vst v63  }
0x15d: {  	s24 =	sadd.s32 $0x5480, s21  }
0x15e: {  	[tilespmem:s24], [sflag:$0x1] =	stream.indirect.gather [hbm4b:s1+s12], $0x1, s20, s12, $0xb8;
	[tilespmem:$0x12F00] =	vst v63  }
0x15f: {  	s28 =	sadd.s32 $0x5500, s21  }
0x160: {  	[tilespmem:s28], [sflag:$0x1] =	stream.indirect.gather [hbm4b:s4+s12], $0x1, s20, s12, $0xb8;
	[tilespmem:$0x12F00] =	vst v63  }
0x161: {  	s31 =	sadd.s32 $0x5580, s21  }
0x162: {  	[tilespmem:s31], [sflag:$0x1] =	stream.indirect.gather [hbm4b:s5+s12], $0x1, s20, s12, $0xb8;
	[tilespmem:$0x12F00] =	vst v63  }
0x163: {  	_ = 	snop  }
0x164: {  	[tilespmem:s18], [sflag:$0x2] =	stream.indirect.gather [hbm4b:s7+s12], $0x1, s19, s12, $0xb8;
	[tilespmem:$0x12F00] =	vst v63  }
0x165: {  	_ =	swait.ge [sflag:s11], $0x80  }
0x166: {  	[sflag:s11] =	ssyncset.done $0x0  }
0x167: {  	[sflag:s11] =	ssyncadd.s32 $0xFFFFFF80  }
0x168: {  	_ =	swait.ge [sflag:s11], $0x80  }
0x169: {  	[sflag:s11] =	ssyncset.done $0x0  }
0x16a: {  	[sflag:s11] =	ssyncadd.s32 $0xFFFFFF80  }
0x16b: {  	_ =	swait.ge [sflag:s11], $0x80  }
0x16c: {  	[sflag:s11] =	ssyncset.done $0x0  }
0x16d: {  	[sflag:s11] =	ssyncadd.s32 $0xFFFFFF80  }
0x16e: {  	_ =	swait.ge [sflag:s11], $0x80  }
0x16f: {  	[sflag:s11] =	ssyncset.done $0x0  }
0x170: {  	[sflag:s11] =	ssyncadd.s32 $0xFFFFFF80  }
0x171: {  	_ =	swait.ge [sflag:s11], $0x80  }
0x172: {  	[sflag:s11] =	ssyncset.done $0x0  }
0x173: {  	[sflag:s11] =	ssyncadd.s32 $0xFFFFFF80  }
0x174: {  	_ =	swait.ge [sflag:s11], $0x80  }
0x175: {  	[sflag:s11] =	ssyncset.done $0x0  }
0x176: {  	[sflag:s11] =	ssyncadd.s32 $0xFFFFFF80  }
0x177: {  	_ =	swait.ge [sflag:s11], $0x80  }
0x178: {  	[sflag:s11] =	ssyncset.done $0x0  }
0x179: {  	[sflag:s11] =	ssyncadd.s32 $0xFFFFFF80  }
0x17a: {  	_ =	swait.ge [sflag:s11], $0x80  }
0x17b: {  	[sflag:s11] =	ssyncset.done $0x0  }
0x17c: {  	[sflag:s11] =	ssyncadd.s32 $0xFFFFFF80  }
0x17d: {  	_ =	swait.ge [sflag:s11], $0x80  }
0x17e: {  	[sflag:s11] =	ssyncset.done $0x0  }
0x17f: {  	[sflag:s11] =	ssyncadd.s32 $0xFFFFFF80  }
0x180: {  	_ =	swait.ge [sflag:s11], $0x80  }
0x181: {  	[sflag:s11] =	ssyncset.done $0x0  }
0x182: {  	[sflag:s11] =	ssyncadd.s32 $0xFFFFFF80  }
0x183: {  	_ =	swait.ge [sflag:s11], $0x80  }
0x184: {  	[sflag:s11] =	ssyncset.done $0x0  }
0x185: {  	[sflag:s11] =	ssyncadd.s32 $0xFFFFFF80  }
0x186: {  	_ =	swait.ge [sflag:s11], $0x80  }
0x187: {  	[sflag:s11] =	ssyncset.done $0x0  }
0x188: {  	[sflag:s11] =	ssyncadd.s32 $0xFFFFFF80  }
0x189: {  	_ =	swait.ge [sflag:s11], $0x80  }
0x18a: {  	[sflag:s11] =	ssyncset.done $0x0  }
0x18b: {  	[sflag:s11] =	ssyncadd.s32 $0xFFFFFF80  }
0x18c: {  	_ =	swait.ge [sflag:s11], $0x80  }
0x18d: {  	[sflag:s11] =	ssyncset.done $0x0  }
0x18e: {  	[sflag:s11] =	ssyncadd.s32 $0xFFFFFF80  }
0x18f: {  	_ =	swait.ge [sflag:s11], $0x80  }
0x190: {  	[sflag:s11] =	ssyncset.done $0x0  }
0x191: {  	[sflag:s11] =	ssyncadd.s32 $0xFFFFFF80  }
0x192: {  	_ =	swait.ge [sflag:s11], $0x80  }
0x193: {  	[sflag:s11] =	ssyncset.done $0x0  }
0x194: {  	[sflag:s11] =	ssyncadd.s32 $0xFFFFFF80  }
0x195: {  	_ =	swait.ge [sflag:s13], $0x80  }
0x196: {  	s18 =	simm.s32 $0x19;
	[sflag:s13] =	ssyncset.done $0x0  }
.LBB3_7:
0x197: {  	p0 =	sne.s32 s18, $0x1;
	s18 =	sadd.s32 $0xFFFFFFFF, s18;
	[sflag:s13] =	ssyncadd.s32 $0xFFFFFF80  }
0x198: {  	_ =	swait.ge [sflag:s11], $0x80  }
0x199: {  	[sflag:s11] =	ssyncset.done $0x0  }
0x19a: {  	[sflag:s11] =	ssyncadd.s32 $0xFFFFFF80  }
0x19b: {  	_ =	swait.ge [sflag:s11], $0x80  }
0x19c: {  	[sflag:s11] =	ssyncset.done $0x0  }
0x19d: {  	[sflag:s11] =	ssyncadd.s32 $0xFFFFFF80  }
0x19e: {  	_ =	swait.ge [sflag:s11], $0x80  }
0x19f: {  	[sflag:s11] =	ssyncset.done $0x0  }
0x1a0: {  	[sflag:s11] =	ssyncadd.s32 $0xFFFFFF80  }
0x1a1: {  	_ =	swait.ge [sflag:s11], $0x80  }
0x1a2: {  	[sflag:s11] =	ssyncset.done $0x0  }
0x1a3: {  	[sflag:s11] =	ssyncadd.s32 $0xFFFFFF80  }
0x1a4: {  	_ =	swait.ge [sflag:s11], $0x80  }
0x1a5: {  	[sflag:s11] =	ssyncset.done $0x0  }
0x1a6: {  	[sflag:s11] =	ssyncadd.s32 $0xFFFFFF80  }
0x1a7: {  	_ =	swait.ge [sflag:s11], $0x80  }
0x1a8: {  	[sflag:s11] =	ssyncset.done $0x0  }
0x1a9: {  	[sflag:s11] =	ssyncadd.s32 $0xFFFFFF80  }
0x1aa: {  	_ =	swait.ge [sflag:s11], $0x80  }
0x1ab: {  	[sflag:s11] =	ssyncset.done $0x0  }
0x1ac: {  	[sflag:s11] =	ssyncadd.s32 $0xFFFFFF80  }
0x1ad: {  	_ =	swait.ge [sflag:s11], $0x80  }
0x1ae: {  	[sflag:s11] =	ssyncset.done $0x0  }
0x1af: {  	[sflag:s11] =	ssyncadd.s32 $0xFFFFFF80  }
0x1b0: {  	_ =	swait.ge [sflag:s11], $0x80  }
0x1b1: {  	[sflag:s11] =	ssyncset.done $0x0  }
0x1b2: {  	[sflag:s11] =	ssyncadd.s32 $0xFFFFFF80  }
0x1b3: {  	_ =	swait.ge [sflag:s11], $0x80  }
0x1b4: {  	[sflag:s11] =	ssyncset.done $0x0  }
0x1b5: {  	[sflag:s11] =	ssyncadd.s32 $0xFFFFFF80  }
0x1b6: {  	_ =	swait.ge [sflag:s11], $0x80  }
0x1b7: {  	[sflag:s11] =	ssyncset.done $0x0  }
0x1b8: {  	[sflag:s11] =	ssyncadd.s32 $0xFFFFFF80  }
0x1b9: {  	_ =	swait.ge [sflag:s11], $0x80  }
0x1ba: {  	[sflag:s11] =	ssyncset.done $0x0  }
0x1bb: {  	[sflag:s11] =	ssyncadd.s32 $0xFFFFFF80  }
0x1bc: {  	_ =	swait.ge [sflag:s11], $0x80  }
0x1bd: {  	[sflag:s11] =	ssyncset.done $0x0  }
0x1be: {  	[sflag:s11] =	ssyncadd.s32 $0xFFFFFF80  }
0x1bf: {  	_ =	swait.ge [sflag:s11], $0x80  }
0x1c0: {  	[sflag:s11] =	ssyncset.done $0x0  }
0x1c1: {  	[sflag:s11] =	ssyncadd.s32 $0xFFFFFF80  }
0x1c2: {  	_ =	swait.ge [sflag:s11], $0x80  }
0x1c3: {  	[sflag:s11] =	ssyncset.done $0x0  }
0x1c4: {  	[sflag:s11] =	ssyncadd.s32 $0xFFFFFF80  }
.Ltmp2:
0x1c5: {  	_ =	swait.ge [sflag:s11], $0x80;
	(pc) =	sbr.rel @p0 .LBB3_7-.Ltmp2, $4  }
0x1c6: {  	[sflag:s11] =	ssyncset.done $0x0  }
0x1c7: {  	[sflag:s11] =	ssyncadd.s32 $0xFFFFFF80  }
0x1c8: {  	_ =	swait.ge [sflag:s13], $0x80  }
0x1c9: {  	[sflag:s13] =	ssyncset.done $0x0  }
0x1ca: {  	[sflag:s13] =	ssyncadd.s32 $0xFFFFFF80;
	s19 =	simm.s32 $0x0  }
0x1cb: {  	v0 =	vld [tilespmem:s19+$0x12200]  }
0x1cc: {  	v1 =	vld [tilespmem:s19+$0x12280];
	_ =	sdelay $0x1  }
0x1cd: {  	v2 =	vld [tilespmem:s19+$0x12300];
	_ =	sdelay $0x1  }
0x1ce: {  	v3 =	vld [tilespmem:s19+$0x12380]  }
0x1cf: {  	v0 =	vadd.f32 v1, v0  }
0x1d0: {  	v1 =	vld [tilespmem:s19+$0x12400]  }
0x1d1: {  	v0 =	vadd.f32 v2, v0  }
0x1d2: {  	v2 =	vld [tilespmem:s19+$0x12480]  }
0x1d3: {  	v0 =	vadd.f32 v3, v0  }
0x1d4: {  	v3 =	vld [tilespmem:s19+$0x12500]  }
0x1d5: {  	v0 =	vadd.f32 v1, v0  }
0x1d6: {  	v1 =	vld [tilespmem:s19+$0x12580]  }
0x1d7: {  	v0 =	vadd.f32 v2, v0  }
0x1d8: {  	v2 =	vld [tilespmem:s19+$0x12600]  }
0x1d9: {  	v0 =	vadd.f32 v3, v0  }
0x1da: {  	v3 =	vld [tilespmem:s19+$0x12680]  }
0x1db: {  	v0 =	vadd.f32 v1, v0  }
0x1dc: {  	v1 =	vld [tilespmem:s19+$0x12700]  }
0x1dd: {  	v0 =	vadd.f32 v2, v0  }
0x1de: {  	v2 =	vld [tilespmem:s19+$0x12780]  }
0x1df: {  	v0 =	vadd.f32 v3, v0  }
0x1e0: {  	v3 =	vld [tilespmem:s19+$0x12800]  }
0x1e1: {  	s18 =	simm.s32 $0x10;
	v4 =	vld [tilespmem:s19+$0x12880];
	v0 =	vadd.f32 v1, v0  }
0x1e2: {  	v5 =	vld [tilespmem:s18+$0x12200]  }
0x1e3: {  	v1 =	vld [tilespmem:s19+$0x12900];
	v0 =	vadd.f32 v2, v0  }
0x1e4: {  	v2 =	vld [tilespmem:s18+$0x12280]  }
0x1e5: {  	v6 =	vld [tilespmem:s18+$0x12300];
	v0 =	vadd.f32 v3, v0  }
0x1e6: {  	v3 =	vld [tilespmem:s19+$0x12980]  }
0x1e7: {  	v7 =	vld [tilespmem:s18+$0x12380];
	v0 =	vadd.f32 v4, v0  }
0x1e8: {  	v4 =	vld [tilespmem:s19+$0x12A00]  }
0x1e9: {  	v2 =	vadd.f32 v2, v5;
	v5 =	vld [tilespmem:s18+$0x12400];
	v0 =	vadd.f32 v1, v0  }
0x1ea: {  	v1 =	vld [tilespmem:s19+$0x12A80]  }
0x1eb: {  	v2 =	vadd.f32 v6, v2;
	v6 =	vld [tilespmem:s18+$0x12480];
	v0 =	vadd.f32 v3, v0  }
0x1ec: {  	v3 =	vld [tilespmem:s19+$0x12B00]  }
0x1ed: {  	v2 =	vadd.f32 v7, v2;
	v7 =	vld [tilespmem:s18+$0x12500];
	v0 =	vadd.f32 v4, v0  }
0x1ee: {  	v4 =	vld [tilespmem:s19+$0x12B80]  }
0x1ef: {  	v2 =	vadd.f32 v5, v2;
	v5 =	vld [tilespmem:s18+$0x12580];
	v0 =	vadd.f32 v1, v0  }
0x1f0: {  	v1 =	vld [tilespmem:s19+$0x12C00]  }
0x1f1: {  	v2 =	vadd.f32 v6, v2;
	v6 =	vld [tilespmem:s18+$0x12600];
	v0 =	vadd.f32 v3, v0  }
0x1f2: {  	v3 =	vld [tilespmem:s19+$0x12C80]  }
0x1f3: {  	v2 =	vadd.f32 v7, v2;
	v7 =	vld [tilespmem:s18+$0x12680];
	v0 =	vadd.f32 v4, v0  }
0x1f4: {  	v4 =	vld [tilespmem:s19+$0x12D00]  }
0x1f5: {  	v2 =	vadd.f32 v5, v2;
	v5 =	vld [tilespmem:s18+$0x12700];
	v0 =	vadd.f32 v1, v0  }
0x1f6: {  	v1 =	vld [tilespmem:s19+$0x12D80]  }
0x1f7: {  	v8 =	vld [tilespmem:s18+$0x12780];
	v2 =	vadd.f32 v6, v2;
	v0 =	vadd.f32 v3, v0  }
0x1f8: {  	v6 =	vld [tilespmem:s19+$0x12E00]  }
0x1f9: {  	v3 =	vld [tilespmem:s18+$0x12800];
	v7 =	vadd.f32 v7, v2;
	v4 =	vadd.f32 v4, v0  }
0x1fa: {  	v2 =	vld [tilespmem:s19+$0x12E80]  }
0x1fb: {  	v0 =	vld [tilespmem:s18+$0x12900];
	v5 =	vadd.f32 v5, v7;
	v7 =	vadd.f32 v1, v4  }
0x1fc: {  	s20 =	simm.s32 $0x20;
	v4 =	vld [tilespmem:s18+$0x12880]  }
0x1fd: {  	s21 =	simm.s32 $0xC0;
	v1 =	vld [tilespmem:s20+$0x12200];
	v5 =	vadd.f32 v8, v5;
	v6 =	vadd.f32 v6, v7  }
.LBB3_9:
0x1fe: {  	p0 =	sne.s32 s21, $0x1C0;
	v7 =	vld [tilespmem:s20+$0x12280]  }
0x1ff: {  	v3 =	vadd.f32 v3, v5;
	v5 =	vld [tilespmem:s18+$0x12980];
	v2 =	vadd.f32 v2, v6  }
0x200: {  	v6 =	vld [tilespmem:s20+$0x12300]  }
0x201: {  	v3 =	vadd.f32 v4, v3;
	v4 =	vld [tilespmem:s18+$0x12A00];
	[tilespmem:s19+$0x11E00] =	vst v2;
	s19 =	smov.u32 s18;
	s18 =	smov.u32 s20  }
0x202: {  	v2 =	vld [tilespmem:s18+$0x12380]  }
0x203: {  	v1 =	vadd.f32 v7, v1;
	v0 =	vadd.f32 v0, v3;
	v3 =	vld [tilespmem:s19+$0x12A80]  }
0x204: {  	v7 =	vld [tilespmem:s18+$0x12400]  }
0x205: {  	v1 =	vadd.f32 v6, v1;
	v0 =	vadd.f32 v5, v0;
	v5 =	vld [tilespmem:s19+$0x12B00]  }
0x206: {  	v6 =	vld [tilespmem:s18+$0x12480]  }
0x207: {  	v1 =	vadd.f32 v2, v1;
	v0 =	vadd.f32 v4, v0;
	v2 =	vld [tilespmem:s19+$0x12B80]  }
0x208: {  	v4 =	vld [tilespmem:s18+$0x12500]  }
0x209: {  	v1 =	vadd.f32 v7, v1;
	v0 =	vadd.f32 v3, v0;
	v3 =	vld [tilespmem:s19+$0x12C00]  }
0x20a: {  	v7 =	vld [tilespmem:s18+$0x12580]  }
0x20b: {  	v1 =	vadd.f32 v6, v1;
	v0 =	vadd.f32 v5, v0;
	v5 =	vld [tilespmem:s19+$0x12C80]  }
0x20c: {  	v6 =	vld [tilespmem:s18+$0x12600]  }
0x20d: {  	v1 =	vadd.f32 v4, v1;
	v0 =	vadd.f32 v2, v0;
	v2 =	vld [tilespmem:s19+$0x12D00]  }
0x20e: {  	v4 =	vld [tilespmem:s18+$0x12680]  }
0x20f: {  	v1 =	vadd.f32 v7, v1;
	v0 =	vadd.f32 v3, v0;
	v7 =	vld [tilespmem:s19+$0x12D80]  }
0x210: {  	v8 =	vld [tilespmem:s18+$0x12700]  }
0x211: {  	v1 =	vadd.f32 v6, v1;
	v0 =	vadd.f32 v5, v0;
	v6 =	vld [tilespmem:s19+$0x12E00]  }
0x212: {  	v5 =	vld [tilespmem:s18+$0x12780]  }
.Ltmp3:
0x213: {  	v1 =	vadd.f32 v4, v1;
	v4 =	vadd.f32 v2, v0;
	v2 =	vld [tilespmem:s19+$0x12E80];
	(pc) =	sbr.rel @p0 .LBB3_9-.Ltmp3, $4  }
0x214: {  	v3 =	vld [tilespmem:s18+$0x12800]  }
0x215: {  	v8 =	vadd.f32 v8, v1;
	v0 =	vld [tilespmem:s18+$0x12900];
	v7 =	vadd.f32 v7, v4  }
0x216: {  	s20 =	sshra.s32 s21, $0x2;
	v4 =	vld [tilespmem:s18+$0x12880]  }
0x217: {  	s21 =	sadd.s32 $0x40, s21;
	v1 =	vld [tilespmem:s20+$0x12200];
	v5 =	vadd.f32 v5, v8;
	v6 =	vadd.f32 v6, v7  }
0x218: {  	v7 =	vld [tilespmem:s20+$0x12280]  }
0x219: {  	v8 =	vld [tilespmem:s18+$0x12980];
	v2 =	vadd.f32 v2, v6  }
0x21a: {  	v31 =	vld [tilespmem:s20+$0x12300]  }
0x21b: {  	v9 =	vld [tilespmem:s18+$0x12A00];
	v3 =	vadd.f32 v3, v5;
	[tilespmem:s19+$0x11E00] =	vst v2  }
0x21c: {  	v2 =	vld [tilespmem:s20+$0x12380]  }
0x21d: {  	v3 =	vadd.f32 v4, v3;
	v1 =	vadd.f32 v7, v1  }
0x21e: {  	v32 =	vld [tilespmem:s20+$0x12400]  }
0x21f: {  	v33 =	vld [tilespmem:s18+$0x12A80];
	v0 =	vadd.f32 v0, v3;
	v1 =	vadd.f32 v31, v1  }
0x220: {  	v34 =	vld [tilespmem:s20+$0x12480]  }
0x221: {  	v35 =	vld [tilespmem:s18+$0x12B00];
	v0 =	vadd.f32 v8, v0;
	v1 =	vadd.f32 v2, v1  }
0x222: {  	v36 =	vld [tilespmem:s20+$0x12500]  }
0x223: {  	v37 =	vld [tilespmem:s18+$0x12B80];
	v0 =	vadd.f32 v9, v0;
	v1 =	vadd.f32 v32, v1  }
0x224: {  	v38 =	vld [tilespmem:s20+$0x12580]  }
0x225: {  	v39 =	vld [tilespmem:s18+$0x12C00];
	v0 =	vadd.f32 v33, v0;
	v1 =	vadd.f32 v34, v1  }
0x226: {  	v40 =	vld [tilespmem:s20+$0x12600]  }
0x227: {  	v41 =	vld [tilespmem:s18+$0x12C80];
	v0 =	vadd.f32 v35, v0;
	v1 =	vadd.f32 v36, v1  }
0x228: {  	v42 =	vld [tilespmem:s20+$0x12680]  }
0x229: {  	v43 =	vld [tilespmem:s18+$0x12D00];
	v0 =	vadd.f32 v37, v0;
	v1 =	vadd.f32 v38, v1  }
0x22a: {  	v44 =	vld [tilespmem:s20+$0x12700]  }
0x22b: {  	v45 =	vld [tilespmem:s18+$0x12D80];
	v0 =	vadd.f32 v39, v0;
	v1 =	vadd.f32 v40, v1  }
0x22c: {  	v46 =	vld [tilespmem:s20+$0x12780]  }
0x22d: {  	v47 =	vld [tilespmem:s18+$0x12E00];
	v0 =	vadd.f32 v41, v0;
	v1 =	vadd.f32 v42, v1  }
0x22e: {  	v48 =	vld [tilespmem:s20+$0x12800]  }
0x22f: {  	v49 =	vld [tilespmem:s18+$0x12E80];
	v0 =	vadd.f32 v43, v0;
	v1 =	vadd.f32 v44, v1  }
0x230: {  	v50 =	vld [tilespmem:s20+$0x12880]  }
0x231: {  	v0 =	vadd.f32 v45, v0;
	v1 =	vadd.f32 v46, v1  }
0x232: {  	v51 =	vld [tilespmem:s20+$0x12900]  }
0x233: {  	v0 =	vadd.f32 v47, v0;
	v1 =	vadd.f32 v48, v1  }
0x234: {  	v52 =	vld [tilespmem:s20+$0x12980]  }
0x235: {  	v0 =	vadd.f32 v49, v0;
	v1 =	vadd.f32 v50, v1  }
0x236: {  	v53 =	vld [tilespmem:s20+$0x12A00]  }
0x237: {  	[tilespmem:s18+$0x11E00] =	vst v0;
	v54 =	vadd.f32 v51, v1  }
0x238: {  	v55 =	vld [tilespmem:s20+$0x12A80]  }
0x239: {  	v0 =	vadd.f32 v52, v54  }
0x23a: {  	v56 =	vld [tilespmem:s20+$0x12B00]  }
0x23b: {  	v0 =	vadd.f32 v53, v0  }
0x23c: {  	v57 =	vld [tilespmem:s20+$0x12B80]  }
0x23d: {  	v0 =	vadd.f32 v55, v0  }
0x23e: {  	v58 =	vld [tilespmem:s20+$0x12C00]  }
0x23f: {  	v0 =	vadd.f32 v56, v0  }
0x240: {  	v59 =	vld [tilespmem:s20+$0x12C80]  }
0x241: {  	v0 =	vadd.f32 v57, v0  }
0x242: {  	v60 =	vld [tilespmem:s20+$0x12D00]  }
0x243: {  	v0 =	vadd.f32 v58, v0  }
0x244: {  	v61 =	vld [tilespmem:s20+$0x12D80]  }
0x245: {  	v0 =	vadd.f32 v59, v0  }
0x246: {  	v62 =	vld [tilespmem:s20+$0x12E00]  }
0x247: {  	v0 =	vadd.f32 v60, v0  }
0x248: {  	v63 =	vld [tilespmem:s20+$0x12E80]  }
0x249: {  	v0 =	vadd.f32 v61, v0;
	_ =	sdelay $0x1  }
0x24a: {  	v0 =	vadd.f32 v62, v0  }
0x24b: {  	s3 =	sadd.s32 s9, s17  }
0x24c: {  	s17 =	sadd.s32 $0x1, s17;
	s3 =	smul.u32 $0x1A80, s3;
	v0 =	vadd.f32 v63, v0  }
0x24d: {  	p0 =	sne.s32 s17, $0x4  }
.Ltmp4:
0x24e: {  	s3 =	sadd.s32 s8, s3;
	[tilespmem:s20+$0x11E00] =	vst v0;
	(pc) =	sbr.rel @p0 .LBB3_2-.Ltmp4, $4  }
0x24f: {  	[hbm4b:s3+s0] =	stream.linear.scatter [tilespmem:s14], [sflag:$0x3], $0xD400, $0x38;
	[tilespmem:$0x12F00] =	vst v63  }
0x250: {  	_ =	swait.ge [sflag:s15], $0xD400  }
0x251: {  	[sflag:s15] =	ssyncset.done $0x0  }
0x252: {  	[sflag:s15] =	ssyncadd.s32 $0xFFFF2C00  }
0x253: {  	s3 =	sld [smem:$0x7FD];
	_ =	sdelay $0x1  }
0x254: {  	s16 =	sadd.s32 $0x1, s16  }
0x255: {  	p0 =	sne.s32 s16, s3  }
.Ltmp5:
0x256: {  	_ = 	snop;
	(pc) =	sbr.rel @p0 .LBB3_1-.Ltmp5, $1  }
0x257: {  	_ =	sdelay $0x3  }
0x258: {  	_ =	sfence.sel $0x180000  }
0x259: {  	[bflag:$0x0] =	sbarrier.arrive $0xFFFF  }
0x25a: {  	_ =	strace $0x90000047  }
0x25b: {  	s0 =	stileid.u32;
	[bflag:$0x2] =	sbarrier.arrive $0xFFFF  }
0x25c: {  	p0 =	sne.s32 s0, $0x0;
	s0 =	rddreg [dreg:$0x16]  }
0x25d: {  	s0 =	sadd.s32 @!p0 $0x100000, s0  }
0x25e: {  	[sflag:s0] =	ssyncadd.tile.s32 @!p0 $0x1;
	_ =	shalt  }
.Lfunc_end3:
_tile_overlayer_lowered:
.L_overlay_start_3:
0x25f: {  	(tag) =	ssettag $0x3  }
0x260: {  	s0 =	rddreg [dreg:$0x0];
	s2 =	stileid.u32  }
0x261: {  	s1 =	rddreg [dreg:$0x1];
	p0 =	sne.s32 s2, $0x0  }
0x262: {  	s3 =	rddreg [dreg:$0x2];
	[bflag:$0x3] =	sbarrier.arrive $0xFFFF;
	s2 =	simm.s32 @!p0 $0x1C03  }
0x263: {  	[timem:s3], [sflag:s2] =	dma.local @!p0 [hbm:s0], s1  }
0x264: {  	s0 =	simm.s32 @!p0 $0x3  }
0x265: {  	_ =	swait.ge @!p0 [sflag:s0], s1  }
0x266: {  	s1 =	ssub.s32 @!p0 $0x0, s1;
	[sflag:s0] =	ssyncset.done @!p0 $0x0  }
0x267: {  	[sflag:s0] =	ssyncadd.s32 @!p0 s1  }
0x268: {  	[bflag:$0x3] =	sbarrier.arrive $0xFFFF  }
0x269: {  	_ =	shalt  }

</sc_bundles>
